<compile_context>
chip_gen: v7x
topology: tpu7x:2x2x1
jax: 0.10.2.dev20260603
libtpu: 0.0.44.dev20260713+nightly
codegen_flags: <defaults>
</compile_context>

<pallas_src>
import functools

import jax
import jax.numpy as jnp
from jax import lax
from jax.experimental import pallas as pl
from jax.experimental.pallas import tpu as pltpu
from jax.experimental.pallas import tpu_sc as plsc

SEQ = 16384
DIM = 64
HALF = 32
MAX_LEN = 512
NC = 2
NS = 16
L = 16
CHUNK = SEQ // NS
ROWS = SEQ // (NC * NS)
INT_MAX = 2147483647

_mesh = plsc.VectorSubcoreMesh(core_axis_name="c", subcore_axis_name="s")


@functools.partial(
    pl.kernel,
    out_type=jax.ShapeDtypeStruct((SEQ, DIM), jnp.float32),
    mesh=_mesh,
    compiler_params=pltpu.CompilerParams(needs_layout_passes=False,
                                         use_tc_tiling_on_sc=True),
    scratch_types=[
        pltpu.VMEM((CHUNK,), jnp.int32),
        pltpu.VMEM((CHUNK,), jnp.int32),
        pltpu.VMEM((L,), jnp.int32),
        pltpu.VMEM((L,), jnp.int32),
        pltpu.VMEM_SHARED((NS * L,), jnp.int32),
        pltpu.VMEM_SHARED((NS * L,), jnp.int32),
        pltpu.VMEM((NS * L,), jnp.int32),
        pltpu.VMEM((NS * L,), jnp.int32),
        pltpu.VMEM((2 * L,), jnp.int32),
        pltpu.VMEM((2 * L,), jnp.int32),
        pltpu.VMEM((MAX_LEN * HALF,), jnp.float32),
        pltpu.VMEM((MAX_LEN * HALF,), jnp.float32),
        pltpu.VMEM((ROWS, DIM), jnp.float32),
        pltpu.SemaphoreType.DMA,
        pltpu.SemaphoreType.DMA,
    ],
)
def _pe_kernel(cx, cy, x2d, wx, wy, out, cx_v, cy_v, stx, sty,
               minx_sh, miny_sh, mgx, mgy, redx, redy,
               wx_v, wy_v, xo_v, sem, sem_x0):
    c = lax.axis_index("c")
    s = lax.axis_index("s")
    row0 = pl.multiple_of(s * CHUNK + c * ROWS, ROWS)
    cp_x = pltpu.async_copy(x2d.at[pl.ds(row0, ROWS)], xo_v, sem_x0)
    cp_wx = pltpu.async_copy(wx, wx_v, sem)
    cp_wy = pltpu.async_copy(wy, wy_v, sem)

    pltpu.sync_copy(cx.at[pl.ds(s * CHUNK, CHUNK)], cx_v)
    pltpu.sync_copy(cy.at[pl.ds(s * CHUNK, CHUNK)], cy_v)

    def min_body(j, carry):
        mx, my = carry
        vx = cx_v[pl.ds(j * L, L)]
        vy = cy_v[pl.ds(j * L, L)]
        return jnp.minimum(mx, vx), jnp.minimum(my, vy)

    init = (jnp.full((L,), INT_MAX, jnp.int32), jnp.full((L,), INT_MAX, jnp.int32))
    mx, my = lax.fori_loop(0, CHUNK // L, min_body, init)

    stx[...] = mx
    sty[...] = my
    pltpu.sync_copy(stx, minx_sh.at[pl.ds(s * L, L)])
    pltpu.sync_copy(sty, miny_sh.at[pl.ds(s * L, L)])
    plsc.subcore_barrier()
    pltpu.sync_copy(minx_sh, mgx)
    pltpu.sync_copy(miny_sh, mgy)
    vx = mgx[pl.ds(0, L)]
    vy = mgy[pl.ds(0, L)]
    for j in range(1, NS):
        vx = jnp.minimum(vx, mgx[pl.ds(j * L, L)])
        vy = jnp.minimum(vy, mgy[pl.ds(j * L, L)])
    redx[pl.ds(0, L)] = vx
    redx[pl.ds(L, L)] = vx
    redy[pl.ds(0, L)] = vy
    redy[pl.ds(L, L)] = vy
    gmx = redx[pl.ds(0, L)]
    gmy = redy[pl.ds(0, L)]
    for k in range(1, L):
        gmx = jnp.minimum(gmx, redx[pl.ds(k, L)])
        gmy = jnp.minimum(gmy, redy[pl.ds(k, L)])

    off = c * ROWS
    shift4 = jnp.full((L,), 4, jnp.int32)
    shift5 = jnp.full((L,), 5, jnp.int32)

    def add_group(j):
        vx = cx_v[pl.ds(off + j * L, L)]
        vy = cy_v[pl.ds(off + j * L, L)]
        gxv = lax.shift_left(lax.shift_right_logical(vx - gmx, shift4), shift5)
        gyv = lax.shift_left(lax.shift_right_logical(vy - gmy, shift4), shift5)
        for t in range(L):
            ox = gxv[t]
            oy = gyv[t]
            r = j * L + t
            xo_v[r, pl.ds(0, L)] = xo_v[r, pl.ds(0, L)] + wx_v[pl.ds(ox, L)]
            xo_v[r, pl.ds(16, L)] = (
                xo_v[r, pl.ds(16, L)] + wx_v[pl.ds(ox + 16, L)])
            xo_v[r, pl.ds(32, L)] = xo_v[r, pl.ds(32, L)] + wy_v[pl.ds(oy, L)]
            xo_v[r, pl.ds(48, L)] = (
                xo_v[r, pl.ds(48, L)] + wy_v[pl.ds(oy + 16, L)])

    cp_wx.wait()
    cp_wy.wait()
    cp_x.wait()

    @plsc.parallel_loop(0, ROWS // L, 1, unroll=1)
    def add_body(j):
        add_group(j)

    pltpu.sync_copy(xo_v, out.at[pl.ds(row0, ROWS)])


def kernel(x, coords, Wx, Wy):
    return _pe_kernel(coords[:, 1], coords[:, 2], x,
                      Wx.reshape(-1), Wy.reshape(-1))

# --- scband reference (transcript-rebuilt; emitter-appended) ---
"""Pipeline reference for scband-positional-embedding2d-43430709297305 (READ-ONLY COPY).

The authoritative reference and input builder live on the scoring server;
editing this copy changes nothing except your own understanding.
"""

import jax, jax.numpy as jnp
import numpy as np

TILE_SIZE = 16
DIM = 64
MAX_LEN = 512
SEQ_LEN = 16384


def setup_inputs(seed: int = 0) -> dict:
    key = jax.random.key(seed)
    k1, k2, k3, k4 = jax.random.split(key, 4)
    x = jax.random.normal(k1, (SEQ_LEN, DIM), dtype=jnp.float32)
    coords = jax.random.randint(k2, (SEQ_LEN, 3), 0, TILE_SIZE * MAX_LEN, dtype=jnp.int32)
    # learned embedding tables (nn.Embedding default init ~ N(0,1))
    Wx = jax.random.normal(k3, (MAX_LEN, DIM // 2), dtype=jnp.float32)
    Wy = jax.random.normal(k4, (MAX_LEN, DIM // 2), dtype=jnp.float32)
    return {"x": x, "coords": coords, "Wx": Wx, "Wy": Wy}


def reference(x, coords, Wx, Wy):
    # get_grid_values: (col - col.min()) // tile_size, applied per coordinate column
    cx = coords[:, 1]
    cy = coords[:, 2]
    grid_x = (cx - jnp.min(cx)) // TILE_SIZE
    grid_y = (cy - jnp.min(cy)) // TILE_SIZE
    embedding_x = jnp.take(Wx, grid_x, axis=0)
    embedding_y = jnp.take(Wy, grid_y, axis=0)
    position_embedding = jnp.concatenate([embedding_x, embedding_y], axis=1)
    return x + position_embedding

if __name__ == "__main__":
    import jax
    _d = setup_inputs()
    print(jax.jit(kernel)(*tuple(_d.values())))

</pallas_src>

<mosaic_0001>
#map = affine_map<(d0, d1) -> (0)>
#map1 = affine_map<(d0, d1) -> (0, 0)>
module attributes {stable_mosaic.version = 14 : i64} {
  func.func @_pe_kernel(%arg0: i32, %arg1: i32, %arg2: memref<16384xi32, #tpu.memory_space<hbm>>, %arg3: memref<16384xi32, #tpu.memory_space<hbm>>, %arg4: memref<16384x64xf32, #tpu.memory_space<hbm>>, %arg5: memref<16384xf32, #tpu.memory_space<hbm>>, %arg6: memref<16384xf32, #tpu.memory_space<hbm>>, %arg7: memref<16384x64xf32, #tpu.memory_space<hbm>>, %arg8: memref<1024xi32, #tpu.memory_space<vmem>>, %arg9: memref<1024xi32, #tpu.memory_space<vmem>>, %arg10: memref<16xi32, #tpu.memory_space<vmem>>, %arg11: memref<16xi32, #tpu.memory_space<vmem>>, %arg12: memref<256xi32, #tpu.memory_space<vmem_shared>>, %arg13: memref<256xi32, #tpu.memory_space<vmem_shared>>, %arg14: memref<256xi32, #tpu.memory_space<vmem>>, %arg15: memref<256xi32, #tpu.memory_space<vmem>>, %arg16: memref<32xi32, #tpu.memory_space<vmem>>, %arg17: memref<32xi32, #tpu.memory_space<vmem>>, %arg18: memref<16384xf32, #tpu.memory_space<vmem>>, %arg19: memref<16384xf32, #tpu.memory_space<vmem>>, %arg20: memref<512x64xf32, #tpu.memory_space<vmem>>, %arg21: memref<!tpu.dma_semaphore, #tpu.memory_space<semaphore_mem>>, %arg22: memref<!tpu.dma_semaphore, #tpu.memory_space<semaphore_mem>>) attributes {dimension_semantics = [#tpu.dimension_semantics<core_parallel>, #tpu.dimension_semantics<subcore_parallel>], iteration_bounds = array<i64: 2, 16>, scalar_prefetch = 0 : i64, scratch_operands = 15 : i64, tpu.core_type = #tpu.core_type<sc_vector_subcore>, window_params = [{transform_indices = #map}, {transform_indices = #map}, {transform_indices = #map1}, {transform_indices = #map}, {transform_indices = #map}, {transform_indices = #map1}]} {
    %mul3A = arith.constant 1024 : i32
    %mul3A_0 = arith.muli %arg1, %mul3A : i32
    %mul3A_1 = arith.constant 512 : i32
    %mul3A_2 = arith.muli %arg0, %mul3A_1 : i32
    %add3A = arith.addi %mul3A_0, %mul3A_2 : i32
    %multiple_of3A = tpu.assume_multiple %add3A, 512 : i32
    %dma_start3A = arith.constant 0 : i32
    %dma_start3A_3 = tpu.memref_slice %arg4[%multiple_of3A, %dma_start3A] : memref<16384x64xf32, #tpu.memory_space<hbm>> -> memref<512x64xf32, #tpu.memory_space<hbm>>
    %dma_start3A_4 = arith.constant 0 : i32
    %dma_start3A_5 = tpu.memref_slice %arg4[%multiple_of3A, %dma_start3A_4] : memref<16384x64xf32, #tpu.memory_space<hbm>> -> memref<512x64xf32, #tpu.memory_space<hbm>>
    tpu.enqueue_dma source(%dma_start3A_5 : memref<512x64xf32, #tpu.memory_space<hbm>>) target(%arg20 : memref<512x64xf32, #tpu.memory_space<vmem>>) target_semaphore(%arg22 : memref<!tpu.dma_semaphore, #tpu.memory_space<semaphore_mem>>)
    tpu.enqueue_dma source(%arg5 : memref<16384xf32, #tpu.memory_space<hbm>>) target(%arg18 : memref<16384xf32, #tpu.memory_space<vmem>>) target_semaphore(%arg21 : memref<!tpu.dma_semaphore, #tpu.memory_space<semaphore_mem>>)
    tpu.enqueue_dma source(%arg6 : memref<16384xf32, #tpu.memory_space<hbm>>) target(%arg19 : memref<16384xf32, #tpu.memory_space<vmem>>) target_semaphore(%arg21 : memref<!tpu.dma_semaphore, #tpu.memory_space<semaphore_mem>>)
    %mul3A_6 = arith.constant 1024 : i32
    %mul3A_7 = arith.muli %arg1, %mul3A_6 : i32
    "tpu.region"() ({
      %run_scoped3A = tpu.sem_alloc : memref<!tpu.dma_semaphore, #tpu.memory_space<semaphore_mem>>
      %dma_start3A_230 = tpu.memref_slice %arg2[%mul3A_7] : memref<16384xi32, #tpu.memory_space<hbm>> -> memref<1024xi32, #tpu.memory_space<hbm>>
      %dma_start3A_231 = tpu.memref_slice %arg2[%mul3A_7] : memref<16384xi32, #tpu.memory_space<hbm>> -> memref<1024xi32, #tpu.memory_space<hbm>>
      tpu.enqueue_dma source(%dma_start3A_231 : memref<1024xi32, #tpu.memory_space<hbm>>) target(%arg8 : memref<1024xi32, #tpu.memory_space<vmem>>) target_semaphore(%run_scoped3A : memref<!tpu.dma_semaphore, #tpu.memory_space<semaphore_mem>>)
      %dma_wait3A_232 = tpu.memref_slice %arg2[%mul3A_7] : memref<16384xi32, #tpu.memory_space<hbm>> -> memref<1024xi32, #tpu.memory_space<hbm>>
      %dma_wait3A_233 = tpu.memref_slice %arg2[%mul3A_7] : memref<16384xi32, #tpu.memory_space<hbm>> -> memref<1024xi32, #tpu.memory_space<hbm>>
      tpu.wait_dma2 semaphore(%run_scoped3A : memref<!tpu.dma_semaphore, #tpu.memory_space<semaphore_mem>>) src(%dma_wait3A_233 : memref<1024xi32, #tpu.memory_space<hbm>>) dst(%arg8 : memref<1024xi32, #tpu.memory_space<vmem>>)
      tpu.yield
    }) : () -> ()
    %mul3A_8 = arith.constant 1024 : i32
    %mul3A_9 = arith.muli %arg1, %mul3A_8 : i32
    "tpu.region"() ({
      %run_scoped3A = tpu.sem_alloc : memref<!tpu.dma_semaphore, #tpu.memory_space<semaphore_mem>>
      %dma_start3A_230 = tpu.memref_slice %arg3[%mul3A_9] : memref<16384xi32, #tpu.memory_space<hbm>> -> memref<1024xi32, #tpu.memory_space<hbm>>
      %dma_start3A_231 = tpu.memref_slice %arg3[%mul3A_9] : memref<16384xi32, #tpu.memory_space<hbm>> -> memref<1024xi32, #tpu.memory_space<hbm>>
      tpu.enqueue_dma source(%dma_start3A_231 : memref<1024xi32, #tpu.memory_space<hbm>>) target(%arg9 : memref<1024xi32, #tpu.memory_space<vmem>>) target_semaphore(%run_scoped3A : memref<!tpu.dma_semaphore, #tpu.memory_space<semaphore_mem>>)
      %dma_wait3A_232 = tpu.memref_slice %arg3[%mul3A_9] : memref<16384xi32, #tpu.memory_space<hbm>> -> memref<1024xi32, #tpu.memory_space<hbm>>
      %dma_wait3A_233 = tpu.memref_slice %arg3[%mul3A_9] : memref<16384xi32, #tpu.memory_space<hbm>> -> memref<1024xi32, #tpu.memory_space<hbm>>
      tpu.wait_dma2 semaphore(%run_scoped3A : memref<!tpu.dma_semaphore, #tpu.memory_space<semaphore_mem>>) src(%dma_wait3A_233 : memref<1024xi32, #tpu.memory_space<hbm>>) dst(%arg9 : memref<1024xi32, #tpu.memory_space<vmem>>)
      tpu.yield
    }) : () -> ()
    %broadcast_in_dim3A = arith.constant 2147483647 : i32
    %broadcast_in_dim3A_10 = vector.broadcast %broadcast_in_dim3A : i32 to vector<16xi32>
    %broadcast_in_dim3A_11 = arith.constant 2147483647 : i32
    %broadcast_in_dim3A_12 = vector.broadcast %broadcast_in_dim3A_11 : i32 to vector<16xi32>
    %scan3A = arith.constant 0 : i32
    %scan3A_13 = arith.constant 64 : i32
    %scan3A_14 = arith.addi %scan3A, %scan3A_13 : i32
    %scan3A_15 = arith.constant 1 : i32
    %scan3A_16:2 = scf.for %scan3A_230 = %scan3A to %scan3A_14 step %scan3A_15 iter_args(%scan3A_231 = %broadcast_in_dim3A_10, %scan3A_232 = %broadcast_in_dim3A_12) -> (vector<16xi32>, vector<16xi32>)  : i32 {
      %mul3A_233 = arith.constant 16 : i32
      %mul3A_234 = arith.muli %scan3A_230, %mul3A_233 : i32
      %get3A_235 = arith.index_cast %mul3A_234 : i32 to index
      %get3A_236 = tpu.vector_load %arg8[%get3A_235] {strides = array<i32>} : memref<1024xi32, #tpu.memory_space<vmem>>, vector<16xi32>,
      %mul3A_237 = arith.constant 16 : i32
      %mul3A_238 = arith.muli %scan3A_230, %mul3A_237 : i32
      %get3A_239 = arith.index_cast %mul3A_238 : i32 to index
      %get3A_240 = tpu.vector_load %arg9[%get3A_239] {strides = array<i32>} : memref<1024xi32, #tpu.memory_space<vmem>>, vector<16xi32>,
      %min3A_241 = arith.minsi %scan3A_231, %get3A_236 : vector<16xi32>
      %min3A_242 = arith.minsi %scan3A_232, %get3A_240 : vector<16xi32>
      scf.yield %min3A_241, %min3A_242 : vector<16xi32>, vector<16xi32>
    }
    %scan3A_17 = arith.constant 64 : i32
    %swap3A = arith.constant 0 : index
    %swap3A_18 = tpu.vector_load %arg10[%swap3A] {strides = array<i32>} : memref<16xi32, #tpu.memory_space<vmem>>, vector<16xi32>,
    tpu.vector_store %arg10[%swap3A], %scan3A_16#0 {strides = array<i32>} : memref<16xi32, #tpu.memory_space<vmem>>, vector<16xi32>,
    %swap3A_19 = arith.constant 0 : index
    %swap3A_20 = tpu.vector_load %arg11[%swap3A_19] {strides = array<i32>} : memref<16xi32, #tpu.memory_space<vmem>>, vector<16xi32>,
    tpu.vector_store %arg11[%swap3A_19], %scan3A_16#1 {strides = array<i32>} : memref<16xi32, #tpu.memory_space<vmem>>, vector<16xi32>,
    %mul3A_21 = arith.constant 16 : i32
    %mul3A_22 = arith.muli %arg1, %mul3A_21 : i32
    "tpu.region"() ({
      %run_scoped3A = tpu.sem_alloc : memref<!tpu.dma_semaphore, #tpu.memory_space<semaphore_mem>>
      %dma_start3A_230 = tpu.memref_slice %arg12[%mul3A_22] : memref<256xi32, #tpu.memory_space<vmem_shared>> -> memref<16xi32, #tpu.memory_space<vmem_shared>>
      %dma_start3A_231 = tpu.memref_slice %arg12[%mul3A_22] : memref<256xi32, #tpu.memory_space<vmem_shared>> -> memref<16xi32, #tpu.memory_space<vmem_shared>>
      tpu.enqueue_dma source(%arg10 : memref<16xi32, #tpu.memory_space<vmem>>) target(%dma_start3A_231 : memref<16xi32, #tpu.memory_space<vmem_shared>>) target_semaphore(%run_scoped3A : memref<!tpu.dma_semaphore, #tpu.memory_space<semaphore_mem>>)
      %dma_wait3A_232 = tpu.memref_slice %arg12[%mul3A_22] : memref<256xi32, #tpu.memory_space<vmem_shared>> -> memref<16xi32, #tpu.memory_space<vmem_shared>>
      %dma_wait3A_233 = tpu.memref_slice %arg12[%mul3A_22] : memref<256xi32, #tpu.memory_space<vmem_shared>> -> memref<16xi32, #tpu.memory_space<vmem_shared>>
      tpu.wait_dma2 semaphore(%run_scoped3A : memref<!tpu.dma_semaphore, #tpu.memory_space<semaphore_mem>>) src(%arg10 : memref<16xi32, #tpu.memory_space<vmem>>) dst(%dma_wait3A_233 : memref<16xi32, #tpu.memory_space<vmem_shared>>)
      tpu.yield
    }) : () -> ()
    %mul3A_23 = arith.constant 16 : i32
    %mul3A_24 = arith.muli %arg1, %mul3A_23 : i32
    "tpu.region"() ({
      %run_scoped3A = tpu.sem_alloc : memref<!tpu.dma_semaphore, #tpu.memory_space<semaphore_mem>>
      %dma_start3A_230 = tpu.memref_slice %arg13[%mul3A_24] : memref<256xi32, #tpu.memory_space<vmem_shared>> -> memref<16xi32, #tpu.memory_space<vmem_shared>>
      %dma_start3A_231 = tpu.memref_slice %arg13[%mul3A_24] : memref<256xi32, #tpu.memory_space<vmem_shared>> -> memref<16xi32, #tpu.memory_space<vmem_shared>>
      tpu.enqueue_dma source(%arg11 : memref<16xi32, #tpu.memory_space<vmem>>) target(%dma_start3A_231 : memref<16xi32, #tpu.memory_space<vmem_shared>>) target_semaphore(%run_scoped3A : memref<!tpu.dma_semaphore, #tpu.memory_space<semaphore_mem>>)
      %dma_wait3A_232 = tpu.memref_slice %arg13[%mul3A_24] : memref<256xi32, #tpu.memory_space<vmem_shared>> -> memref<16xi32, #tpu.memory_space<vmem_shared>>
      %dma_wait3A_233 = tpu.memref_slice %arg13[%mul3A_24] : memref<256xi32, #tpu.memory_space<vmem_shared>> -> memref<16xi32, #tpu.memory_space<vmem_shared>>
      tpu.wait_dma2 semaphore(%run_scoped3A : memref<!tpu.dma_semaphore, #tpu.memory_space<semaphore_mem>>) src(%arg11 : memref<16xi32, #tpu.memory_space<vmem>>) dst(%dma_wait3A_233 : memref<16xi32, #tpu.memory_space<vmem_shared>>)
      tpu.yield
    }) : () -> ()
    %barrier3A = arith.constant 0 : index
    tpu.barrier barrier_id(%barrier3A)
    "tpu.region"() ({
      %run_scoped3A = tpu.sem_alloc : memref<!tpu.dma_semaphore, #tpu.memory_space<semaphore_mem>>
      tpu.enqueue_dma source(%arg12 : memref<256xi32, #tpu.memory_space<vmem_shared>>) target(%arg14 : memref<256xi32, #tpu.memory_space<vmem>>) target_semaphore(%run_scoped3A : memref<!tpu.dma_semaphore, #tpu.memory_space<semaphore_mem>>)
      tpu.wait_dma2 semaphore(%run_scoped3A : memref<!tpu.dma_semaphore, #tpu.memory_space<semaphore_mem>>) src(%arg12 : memref<256xi32, #tpu.memory_space<vmem_shared>>) dst(%arg14 : memref<256xi32, #tpu.memory_space<vmem>>)
      tpu.yield
    }) : () -> ()
    "tpu.region"() ({
      %run_scoped3A = tpu.sem_alloc : memref<!tpu.dma_semaphore, #tpu.memory_space<semaphore_mem>>
      tpu.enqueue_dma source(%arg13 : memref<256xi32, #tpu.memory_space<vmem_shared>>) target(%arg15 : memref<256xi32, #tpu.memory_space<vmem>>) target_semaphore(%run_scoped3A : memref<!tpu.dma_semaphore, #tpu.memory_space<semaphore_mem>>)
      tpu.wait_dma2 semaphore(%run_scoped3A : memref<!tpu.dma_semaphore, #tpu.memory_space<semaphore_mem>>) src(%arg13 : memref<256xi32, #tpu.memory_space<vmem_shared>>) dst(%arg15 : memref<256xi32, #tpu.memory_space<vmem>>)
      tpu.yield
    }) : () -> ()
    %get3A = arith.constant 0 : index
    %get3A_25 = tpu.vector_load %arg14[%get3A] {strides = array<i32>} : memref<256xi32, #tpu.memory_space<vmem>>, vector<16xi32>,
    %get3A_26 = arith.constant 0 : index
    %get3A_27 = tpu.vector_load %arg15[%get3A_26] {strides = array<i32>} : memref<256xi32, #tpu.memory_space<vmem>>, vector<16xi32>,
    %get3A_28 = arith.constant 16 : index
    %get3A_29 = tpu.vector_load %arg14[%get3A_28] {strides = array<i32>} : memref<256xi32, #tpu.memory_space<vmem>>, vector<16xi32>,
    %min3A = arith.minsi %get3A_25, %get3A_29 : vector<16xi32>
    %get3A_30 = arith.constant 16 : index
    %get3A_31 = tpu.vector_load %arg15[%get3A_30] {strides = array<i32>} : memref<256xi32, #tpu.memory_space<vmem>>, vector<16xi32>,
    %min3A_32 = arith.minsi %get3A_27, %get3A_31 : vector<16xi32>
    %get3A_33 = arith.constant 32 : index
    %get3A_34 = tpu.vector_load %arg14[%get3A_33] {strides = array<i32>} : memref<256xi32, #tpu.memory_space<vmem>>, vector<16xi32>,
    %min3A_35 = arith.minsi %min3A, %get3A_34 : vector<16xi32>
    %get3A_36 = arith.constant 32 : index
    %get3A_37 = tpu.vector_load %arg15[%get3A_36] {strides = array<i32>} : memref<256xi32, #tpu.memory_space<vmem>>, vector<16xi32>,
    %min3A_38 = arith.minsi %min3A_32, %get3A_37 : vector<16xi32>
    %get3A_39 = arith.constant 48 : index
    %get3A_40 = tpu.vector_load %arg14[%get3A_39] {strides = array<i32>} : memref<256xi32, #tpu.memory_space<vmem>>, vector<16xi32>,
    %min3A_41 = arith.minsi %min3A_35, %get3A_40 : vector<16xi32>
    %get3A_42 = arith.constant 48 : index
    %get3A_43 = tpu.vector_load %arg15[%get3A_42] {strides = array<i32>} : memref<256xi32, #tpu.memory_space<vmem>>, vector<16xi32>,
    %min3A_44 = arith.minsi %min3A_38, %get3A_43 : vector<16xi32>
    %get3A_45 = arith.constant 64 : index
    %get3A_46 = tpu.vector_load %arg14[%get3A_45] {strides = array<i32>} : memref<256xi32, #tpu.memory_space<vmem>>, vector<16xi32>,
    %min3A_47 = arith.minsi %min3A_41, %get3A_46 : vector<16xi32>
    %get3A_48 = arith.constant 64 : index
    %get3A_49 = tpu.vector_load %arg15[%get3A_48] {strides = array<i32>} : memref<256xi32, #tpu.memory_space<vmem>>, vector<16xi32>,
    %min3A_50 = arith.minsi %min3A_44, %get3A_49 : vector<16xi32>
    %get3A_51 = arith.constant 80 : index
    %get3A_52 = tpu.vector_load %arg14[%get3A_51] {strides = array<i32>} : memref<256xi32, #tpu.memory_space<vmem>>, vector<16xi32>,
    %min3A_53 = arith.minsi %min3A_47, %get3A_52 : vector<16xi32>
    %get3A_54 = arith.constant 80 : index
    %get3A_55 = tpu.vector_load %arg15[%get3A_54] {strides = array<i32>} : memref<256xi32, #tpu.memory_space<vmem>>, vector<16xi32>,
    %min3A_56 = arith.minsi %min3A_50, %get3A_55 : vector<16xi32>
    %get3A_57 = arith.constant 96 : index
    %get3A_58 = tpu.vector_load %arg14[%get3A_57] {strides = array<i32>} : memref<256xi32, #tpu.memory_space<vmem>>, vector<16xi32>,
    %min3A_59 = arith.minsi %min3A_53, %get3A_58 : vector<16xi32>
    %get3A_60 = arith.constant 96 : index
    %get3A_61 = tpu.vector_load %arg15[%get3A_60] {strides = array<i32>} : memref<256xi32, #tpu.memory_space<vmem>>, vector<16xi32>,
    %min3A_62 = arith.minsi %min3A_56, %get3A_61 : vector<16xi32>
    %get3A_63 = arith.constant 112 : index
    %get3A_64 = tpu.vector_load %arg14[%get3A_63] {strides = array<i32>} : memref<256xi32, #tpu.memory_space<vmem>>, vector<16xi32>,
    %min3A_65 = arith.minsi %min3A_59, %get3A_64 : vector<16xi32>
    %get3A_66 = arith.constant 112 : index
    %get3A_67 = tpu.vector_load %arg15[%get3A_66] {strides = array<i32>} : memref<256xi32, #tpu.memory_space<vmem>>, vector<16xi32>,
    %min3A_68 = arith.minsi %min3A_62, %get3A_67 : vector<16xi32>
    %get3A_69 = arith.constant 128 : index
    %get3A_70 = tpu.vector_load %arg14[%get3A_69] {strides = array<i32>} : memref<256xi32, #tpu.memory_space<vmem>>, vector<16xi32>,
    %min3A_71 = arith.minsi %min3A_65, %get3A_70 : vector<16xi32>
    %get3A_72 = arith.constant 128 : index
    %get3A_73 = tpu.vector_load %arg15[%get3A_72] {strides = array<i32>} : memref<256xi32, #tpu.memory_space<vmem>>, vector<16xi32>,
    %min3A_74 = arith.minsi %min3A_68, %get3A_73 : vector<16xi32>
    %get3A_75 = arith.constant 144 : index
    %get3A_76 = tpu.vector_load %arg14[%get3A_75] {strides = array<i32>} : memref<256xi32, #tpu.memory_space<vmem>>, vector<16xi32>,
    %min3A_77 = arith.minsi %min3A_71, %get3A_76 : vector<16xi32>
    %get3A_78 = arith.constant 144 : index
    %get3A_79 = tpu.vector_load %arg15[%get3A_78] {strides = array<i32>} : memref<256xi32, #tpu.memory_space<vmem>>, vector<16xi32>,
    %min3A_80 = arith.minsi %min3A_74, %get3A_79 : vector<16xi32>
    %get3A_81 = arith.constant 160 : index
    %get3A_82 = tpu.vector_load %arg14[%get3A_81] {strides = array<i32>} : memref<256xi32, #tpu.memory_space<vmem>>, vector<16xi32>,
    %min3A_83 = arith.minsi %min3A_77, %get3A_82 : vector<16xi32>
    %get3A_84 = arith.constant 160 : index
    %get3A_85 = tpu.vector_load %arg15[%get3A_84] {strides = array<i32>} : memref<256xi32, #tpu.memory_space<vmem>>, vector<16xi32>,
    %min3A_86 = arith.minsi %min3A_80, %get3A_85 : vector<16xi32>
    %get3A_87 = arith.constant 176 : index
    %get3A_88 = tpu.vector_load %arg14[%get3A_87] {strides = array<i32>} : memref<256xi32, #tpu.memory_space<vmem>>, vector<16xi32>,
    %min3A_89 = arith.minsi %min3A_83, %get3A_88 : vector<16xi32>
    %get3A_90 = arith.constant 176 : index
    %get3A_91 = tpu.vector_load %arg15[%get3A_90] {strides = array<i32>} : memref<256xi32, #tpu.memory_space<vmem>>, vector<16xi32>,
    %min3A_92 = arith.minsi %min3A_86, %get3A_91 : vector<16xi32>
    %get3A_93 = arith.constant 192 : index
    %get3A_94 = tpu.vector_load %arg14[%get3A_93] {strides = array<i32>} : memref<256xi32, #tpu.memory_space<vmem>>, vector<16xi32>,
    %min3A_95 = arith.minsi %min3A_89, %get3A_94 : vector<16xi32>
    %get3A_96 = arith.constant 192 : index
    %get3A_97 = tpu.vector_load %arg15[%get3A_96] {strides = array<i32>} : memref<256xi32, #tpu.memory_space<vmem>>, vector<16xi32>,
    %min3A_98 = arith.minsi %min3A_92, %get3A_97 : vector<16xi32>
    %get3A_99 = arith.constant 208 : index
    %get3A_100 = tpu.vector_load %arg14[%get3A_99] {strides = array<i32>} : memref<256xi32, #tpu.memory_space<vmem>>, vector<16xi32>,
    %min3A_101 = arith.minsi %min3A_95, %get3A_100 : vector<16xi32>
    %get3A_102 = arith.constant 208 : index
    %get3A_103 = tpu.vector_load %arg15[%get3A_102] {strides = array<i32>} : memref<256xi32, #tpu.memory_space<vmem>>, vector<16xi32>,
    %min3A_104 = arith.minsi %min3A_98, %get3A_103 : vector<16xi32>
    %get3A_105 = arith.constant 224 : index
    %get3A_106 = tpu.vector_load %arg14[%get3A_105] {strides = array<i32>} : memref<256xi32, #tpu.memory_space<vmem>>, vector<16xi32>,
    %min3A_107 = arith.minsi %min3A_101, %get3A_106 : vector<16xi32>
    %get3A_108 = arith.constant 224 : index
    %get3A_109 = tpu.vector_load %arg15[%get3A_108] {strides = array<i32>} : memref<256xi32, #tpu.memory_space<vmem>>, vector<16xi32>,
    %min3A_110 = arith.minsi %min3A_104, %get3A_109 : vector<16xi32>
    %get3A_111 = arith.constant 240 : index
    %get3A_112 = tpu.vector_load %arg14[%get3A_111] {strides = array<i32>} : memref<256xi32, #tpu.memory_space<vmem>>, vector<16xi32>,
    %min3A_113 = arith.minsi %min3A_107, %get3A_112 : vector<16xi32>
    %get3A_114 = arith.constant 240 : index
    %get3A_115 = tpu.vector_load %arg15[%get3A_114] {strides = array<i32>} : memref<256xi32, #tpu.memory_space<vmem>>, vector<16xi32>,
    %min3A_116 = arith.minsi %min3A_110, %get3A_115 : vector<16xi32>
    %swap3A_117 = arith.constant 0 : index
    %swap3A_118 = tpu.vector_load %arg16[%swap3A_117] {strides = array<i32>} : memref<32xi32, #tpu.memory_space<vmem>>, vector<16xi32>,
    tpu.vector_store %arg16[%swap3A_117], %min3A_113 {strides = array<i32>} : memref<32xi32, #tpu.memory_space<vmem>>, vector<16xi32>,
    %swap3A_119 = arith.constant 16 : index
    %swap3A_120 = tpu.vector_load %arg16[%swap3A_119] {strides = array<i32>} : memref<32xi32, #tpu.memory_space<vmem>>, vector<16xi32>,
    tpu.vector_store %arg16[%swap3A_119], %min3A_113 {strides = array<i32>} : memref<32xi32, #tpu.memory_space<vmem>>, vector<16xi32>,
    %swap3A_121 = arith.constant 0 : index
    %swap3A_122 = tpu.vector_load %arg17[%swap3A_121] {strides = array<i32>} : memref<32xi32, #tpu.memory_space<vmem>>, vector<16xi32>,
    tpu.vector_store %arg17[%swap3A_121], %min3A_116 {strides = array<i32>} : memref<32xi32, #tpu.memory_space<vmem>>, vector<16xi32>,
    %swap3A_123 = arith.constant 16 : index
    %swap3A_124 = tpu.vector_load %arg17[%swap3A_123] {strides = array<i32>} : memref<32xi32, #tpu.memory_space<vmem>>, vector<16xi32>,
    tpu.vector_store %arg17[%swap3A_123], %min3A_116 {strides = array<i32>} : memref<32xi32, #tpu.memory_space<vmem>>, vector<16xi32>,
    %get3A_125 = arith.constant 0 : index
    %get3A_126 = tpu.vector_load %arg16[%get3A_125] {strides = array<i32>} : memref<32xi32, #tpu.memory_space<vmem>>, vector<16xi32>,
    %get3A_127 = arith.constant 0 : index
    %get3A_128 = tpu.vector_load %arg17[%get3A_127] {strides = array<i32>} : memref<32xi32, #tpu.memory_space<vmem>>, vector<16xi32>,
    %get3A_129 = arith.constant 1 : index
    %get3A_130 = tpu.vector_load %arg16[%get3A_129] {strides = array<i32>} : memref<32xi32, #tpu.memory_space<vmem>>, vector<16xi32>,
    %min3A_131 = arith.minsi %get3A_126, %get3A_130 : vector<16xi32>
    %get3A_132 = arith.constant 1 : index
    %get3A_133 = tpu.vector_load %arg17[%get3A_132] {strides = array<i32>} : memref<32xi32, #tpu.memory_space<vmem>>, vector<16xi32>,
    %min3A_134 = arith.minsi %get3A_128, %get3A_133 : vector<16xi32>
    %get3A_135 = arith.constant 2 : index
    %get3A_136 = tpu.vector_load %arg16[%get3A_135] {strides = array<i32>} : memref<32xi32, #tpu.memory_space<vmem>>, vector<16xi32>,
    %min3A_137 = arith.minsi %min3A_131, %get3A_136 : vector<16xi32>
    %get3A_138 = arith.constant 2 : index
    %get3A_139 = tpu.vector_load %arg17[%get3A_138] {strides = array<i32>} : memref<32xi32, #tpu.memory_space<vmem>>, vector<16xi32>,
    %min3A_140 = arith.minsi %min3A_134, %get3A_139 : vector<16xi32>
    %get3A_141 = arith.constant 3 : index
    %get3A_142 = tpu.vector_load %arg16[%get3A_141] {strides = array<i32>} : memref<32xi32, #tpu.memory_space<vmem>>, vector<16xi32>,
    %min3A_143 = arith.minsi %min3A_137, %get3A_142 : vector<16xi32>
    %get3A_144 = arith.constant 3 : index
    %get3A_145 = tpu.vector_load %arg17[%get3A_144] {strides = array<i32>} : memref<32xi32, #tpu.memory_space<vmem>>, vector<16xi32>,
    %min3A_146 = arith.minsi %min3A_140, %get3A_145 : vector<16xi32>
    %get3A_147 = arith.constant 4 : index
    %get3A_148 = tpu.vector_load %arg16[%get3A_147] {strides = array<i32>} : memref<32xi32, #tpu.memory_space<vmem>>, vector<16xi32>,
    %min3A_149 = arith.minsi %min3A_143, %get3A_148 : vector<16xi32>
    %get3A_150 = arith.constant 4 : index
    %get3A_151 = tpu.vector_load %arg17[%get3A_150] {strides = array<i32>} : memref<32xi32, #tpu.memory_space<vmem>>, vector<16xi32>,
    %min3A_152 = arith.minsi %min3A_146, %get3A_151 : vector<16xi32>
    %get3A_153 = arith.constant 5 : index
    %get3A_154 = tpu.vector_load %arg16[%get3A_153] {strides = array<i32>} : memref<32xi32, #tpu.memory_space<vmem>>, vector<16xi32>,
    %min3A_155 = arith.minsi %min3A_149, %get3A_154 : vector<16xi32>
    %get3A_156 = arith.constant 5 : index
    %get3A_157 = tpu.vector_load %arg17[%get3A_156] {strides = array<i32>} : memref<32xi32, #tpu.memory_space<vmem>>, vector<16xi32>,
    %min3A_158 = arith.minsi %min3A_152, %get3A_157 : vector<16xi32>
    %get3A_159 = arith.constant 6 : index
    %get3A_160 = tpu.vector_load %arg16[%get3A_159] {strides = array<i32>} : memref<32xi32, #tpu.memory_space<vmem>>, vector<16xi32>,
    %min3A_161 = arith.minsi %min3A_155, %get3A_160 : vector<16xi32>
    %get3A_162 = arith.constant 6 : index
    %get3A_163 = tpu.vector_load %arg17[%get3A_162] {strides = array<i32>} : memref<32xi32, #tpu.memory_space<vmem>>, vector<16xi32>,
    %min3A_164 = arith.minsi %min3A_158, %get3A_163 : vector<16xi32>
    %get3A_165 = arith.constant 7 : index
    %get3A_166 = tpu.vector_load %arg16[%get3A_165] {strides = array<i32>} : memref<32xi32, #tpu.memory_space<vmem>>, vector<16xi32>,
    %min3A_167 = arith.minsi %min3A_161, %get3A_166 : vector<16xi32>
    %get3A_168 = arith.constant 7 : index
    %get3A_169 = tpu.vector_load %arg17[%get3A_168] {strides = array<i32>} : memref<32xi32, #tpu.memory_space<vmem>>, vector<16xi32>,
    %min3A_170 = arith.minsi %min3A_164, %get3A_169 : vector<16xi32>
    %get3A_171 = arith.constant 8 : index
    %get3A_172 = tpu.vector_load %arg16[%get3A_171] {strides = array<i32>} : memref<32xi32, #tpu.memory_space<vmem>>, vector<16xi32>,
    %min3A_173 = arith.minsi %min3A_167, %get3A_172 : vector<16xi32>
    %get3A_174 = arith.constant 8 : index
    %get3A_175 = tpu.vector_load %arg17[%get3A_174] {strides = array<i32>} : memref<32xi32, #tpu.memory_space<vmem>>, vector<16xi32>,
    %min3A_176 = arith.minsi %min3A_170, %get3A_175 : vector<16xi32>
    %get3A_177 = arith.constant 9 : index
    %get3A_178 = tpu.vector_load %arg16[%get3A_177] {strides = array<i32>} : memref<32xi32, #tpu.memory_space<vmem>>, vector<16xi32>,
    %min3A_179 = arith.minsi %min3A_173, %get3A_178 : vector<16xi32>
    %get3A_180 = arith.constant 9 : index
    %get3A_181 = tpu.vector_load %arg17[%get3A_180] {strides = array<i32>} : memref<32xi32, #tpu.memory_space<vmem>>, vector<16xi32>,
    %min3A_182 = arith.minsi %min3A_176, %get3A_181 : vector<16xi32>
    %get3A_183 = arith.constant 10 : index
    %get3A_184 = tpu.vector_load %arg16[%get3A_183] {strides = array<i32>} : memref<32xi32, #tpu.memory_space<vmem>>, vector<16xi32>,
    %min3A_185 = arith.minsi %min3A_179, %get3A_184 : vector<16xi32>
    %get3A_186 = arith.constant 10 : index
    %get3A_187 = tpu.vector_load %arg17[%get3A_186] {strides = array<i32>} : memref<32xi32, #tpu.memory_space<vmem>>, vector<16xi32>,
    %min3A_188 = arith.minsi %min3A_182, %get3A_187 : vector<16xi32>
    %get3A_189 = arith.constant 11 : index
    %get3A_190 = tpu.vector_load %arg16[%get3A_189] {strides = array<i32>} : memref<32xi32, #tpu.memory_space<vmem>>, vector<16xi32>,
    %min3A_191 = arith.minsi %min3A_185, %get3A_190 : vector<16xi32>
    %get3A_192 = arith.constant 11 : index
    %get3A_193 = tpu.vector_load %arg17[%get3A_192] {strides = array<i32>} : memref<32xi32, #tpu.memory_space<vmem>>, vector<16xi32>,
    %min3A_194 = arith.minsi %min3A_188, %get3A_193 : vector<16xi32>
    %get3A_195 = arith.constant 12 : index
    %get3A_196 = tpu.vector_load %arg16[%get3A_195] {strides = array<i32>} : memref<32xi32, #tpu.memory_space<vmem>>, vector<16xi32>,
    %min3A_197 = arith.minsi %min3A_191, %get3A_196 : vector<16xi32>
    %get3A_198 = arith.constant 12 : index
    %get3A_199 = tpu.vector_load %arg17[%get3A_198] {strides = array<i32>} : memref<32xi32, #tpu.memory_space<vmem>>, vector<16xi32>,
    %min3A_200 = arith.minsi %min3A_194, %get3A_199 : vector<16xi32>
    %get3A_201 = arith.constant 13 : index
    %get3A_202 = tpu.vector_load %arg16[%get3A_201] {strides = array<i32>} : memref<32xi32, #tpu.memory_space<vmem>>, vector<16xi32>,
    %min3A_203 = arith.minsi %min3A_197, %get3A_202 : vector<16xi32>
    %get3A_204 = arith.constant 13 : index
    %get3A_205 = tpu.vector_load %arg17[%get3A_204] {strides = array<i32>} : memref<32xi32, #tpu.memory_space<vmem>>, vector<16xi32>,
    %min3A_206 = arith.minsi %min3A_200, %get3A_205 : vector<16xi32>
    %get3A_207 = arith.constant 14 : index
    %get3A_208 = tpu.vector_load %arg16[%get3A_207] {strides = array<i32>} : memref<32xi32, #tpu.memory_space<vmem>>, vector<16xi32>,
    %min3A_209 = arith.minsi %min3A_203, %get3A_208 : vector<16xi32>
    %get3A_210 = arith.constant 14 : index
    %get3A_211 = tpu.vector_load %arg17[%get3A_210] {strides = array<i32>} : memref<32xi32, #tpu.memory_space<vmem>>, vector<16xi32>,
    %min3A_212 = arith.minsi %min3A_206, %get3A_211 : vector<16xi32>
    %get3A_213 = arith.constant 15 : index
    %get3A_214 = tpu.vector_load %arg16[%get3A_213] {strides = array<i32>} : memref<32xi32, #tpu.memory_space<vmem>>, vector<16xi32>,
    %min3A_215 = arith.minsi %min3A_209, %get3A_214 : vector<16xi32>
    %get3A_216 = arith.constant 15 : index
    %get3A_217 = tpu.vector_load %arg17[%get3A_216] {strides = array<i32>} : memref<32xi32, #tpu.memory_space<vmem>>, vector<16xi32>,
    %min3A_218 = arith.minsi %min3A_212, %get3A_217 : vector<16xi32>
    %mul3A_219 = arith.constant 512 : i32
    %mul3A_220 = arith.muli %arg0, %mul3A_219 : i32
    %broadcast_in_dim3A_221 = arith.constant 4 : i32
    %broadcast_in_dim3A_222 = vector.broadcast %broadcast_in_dim3A_221 : i32 to vector<16xi32>
    %broadcast_in_dim3A_223 = arith.constant 5 : i32
    %broadcast_in_dim3A_224 = vector.broadcast %broadcast_in_dim3A_223 : i32 to vector<16xi32>
    tpu.wait_dma2 semaphore(%arg21 : memref<!tpu.dma_semaphore, #tpu.memory_space<semaphore_mem>>) src(%arg5 : memref<16384xf32, #tpu.memory_space<hbm>>) dst(%arg18 : memref<16384xf32, #tpu.memory_space<vmem>>)
    tpu.wait_dma2 semaphore(%arg21 : memref<!tpu.dma_semaphore, #tpu.memory_space<semaphore_mem>>) src(%arg6 : memref<16384xf32, #tpu.memory_space<hbm>>) dst(%arg19 : memref<16384xf32, #tpu.memory_space<vmem>>)
    %dma_wait3A = arith.constant 0 : i32
    %dma_wait3A_225 = tpu.memref_slice %arg4[%multiple_of3A, %dma_wait3A] : memref<16384x64xf32, #tpu.memory_space<hbm>> -> memref<512x64xf32, #tpu.memory_space<hbm>>
    %dma_wait3A_226 = arith.constant 0 : i32
    %dma_wait3A_227 = tpu.memref_slice %arg4[%multiple_of3A, %dma_wait3A_226] : memref<16384x64xf32, #tpu.memory_space<hbm>> -> memref<512x64xf32, #tpu.memory_space<hbm>>
    tpu.wait_dma2 semaphore(%arg22 : memref<!tpu.dma_semaphore, #tpu.memory_space<semaphore_mem>>) src(%dma_wait3A_227 : memref<512x64xf32, #tpu.memory_space<hbm>>) dst(%arg20 : memref<512x64xf32, #tpu.memory_space<vmem>>)
    %parallel_loop3A = arith.constant 0 : i32
    %parallel_loop3A_228 = arith.constant 32 : i32
    %parallel_loop3A_229 = arith.constant 1 : i32
    scf.for %parallel_loop3A_230 = %parallel_loop3A to %parallel_loop3A_228 step %parallel_loop3A_229  : i32 {
      %parallel_loop3A_231 = arith.constant 16 : i32
      %parallel_loop3A_232 = arith.muli %parallel_loop3A_230, %parallel_loop3A_231 : i32
      %parallel_loop3A_233 = arith.addi %mul3A_220, %parallel_loop3A_232 : i32
      %parallel_loop3A_234 = arith.index_cast %parallel_loop3A_233 : i32 to index
      %parallel_loop3A_235 = tpu.vector_load %arg8[%parallel_loop3A_234] {strides = array<i32>} : memref<1024xi32, #tpu.memory_space<vmem>>, vector<16xi32>,
      %parallel_loop3A_236 = arith.constant 16 : i32
      %parallel_loop3A_237 = arith.muli %parallel_loop3A_230, %parallel_loop3A_236 : i32
      %parallel_loop3A_238 = arith.addi %mul3A_220, %parallel_loop3A_237 : i32
      %parallel_loop3A_239 = arith.index_cast %parallel_loop3A_238 : i32 to index
      %parallel_loop3A_240 = tpu.vector_load %arg9[%parallel_loop3A_239] {strides = array<i32>} : memref<1024xi32, #tpu.memory_space<vmem>>, vector<16xi32>,
      %parallel_loop3A_241 = arith.subi %parallel_loop3A_235, %min3A_215 : vector<16xi32>
      %parallel_loop3A_242 = arith.shrui %parallel_loop3A_241, %broadcast_in_dim3A_222 : vector<16xi32>
      %parallel_loop3A_243 = arith.shli %parallel_loop3A_242, %broadcast_in_dim3A_224 : vector<16xi32>
      %parallel_loop3A_244 = arith.subi %parallel_loop3A_240, %min3A_218 : vector<16xi32>
      %parallel_loop3A_245 = arith.shrui %parallel_loop3A_244, %broadcast_in_dim3A_222 : vector<16xi32>
      %parallel_loop3A_246 = arith.shli %parallel_loop3A_245, %broadcast_in_dim3A_224 : vector<16xi32>
      %parallel_loop3A_247 = vector.extract_strided_slice %parallel_loop3A_243 {offsets = [0], sizes = [1], strides = [1]} : vector<16xi32> to vector<1xi32>
      %parallel_loop3A_248 = vector.extract %parallel_loop3A_247[0] : i32 from vector<1xi32>
      %parallel_loop3A_249 = vector.extract_strided_slice %parallel_loop3A_246 {offsets = [0], sizes = [1], strides = [1]} : vector<16xi32> to vector<1xi32>
      %parallel_loop3A_250 = vector.extract %parallel_loop3A_249[0] : i32 from vector<1xi32>
      %parallel_loop3A_251 = arith.constant 16 : i32
      %parallel_loop3A_252 = arith.muli %parallel_loop3A_230, %parallel_loop3A_251 : i32
      %parallel_loop3A_253 = arith.constant 0 : i32
      %parallel_loop3A_254 = arith.addi %parallel_loop3A_252, %parallel_loop3A_253 : i32
      %parallel_loop3A_255 = arith.index_cast %parallel_loop3A_254 : i32 to index
      %parallel_loop3A_256 = arith.constant 0 : index
      %parallel_loop3A_257 = tpu.vector_load %arg20[%parallel_loop3A_255, %parallel_loop3A_256] {strides = array<i32>} : memref<512x64xf32, #tpu.memory_space<vmem>>, vector<16xf32>,
      %parallel_loop3A_258 = arith.index_cast %parallel_loop3A_248 : i32 to index
      %parallel_loop3A_259 = tpu.vector_load %arg18[%parallel_loop3A_258] {strides = array<i32>} : memref<16384xf32, #tpu.memory_space<vmem>>, vector<16xf32>,
      %parallel_loop3A_260 = arith.addf %parallel_loop3A_257, %parallel_loop3A_259 : vector<16xf32>
      %parallel_loop3A_261 = arith.index_cast %parallel_loop3A_254 : i32 to index
      %parallel_loop3A_262 = arith.constant 0 : index
      %parallel_loop3A_263 = tpu.vector_load %arg20[%parallel_loop3A_261, %parallel_loop3A_262] {strides = array<i32>} : memref<512x64xf32, #tpu.memory_space<vmem>>, vector<16xf32>,
      tpu.vector_store %arg20[%parallel_loop3A_261, %parallel_loop3A_262], %parallel_loop3A_260 {strides = array<i32>} : memref<512x64xf32, #tpu.memory_space<vmem>>, vector<16xf32>,
      %parallel_loop3A_264 = arith.index_cast %parallel_loop3A_254 : i32 to index
      %parallel_loop3A_265 = arith.constant 16 : index
      %parallel_loop3A_266 = tpu.vector_load %arg20[%parallel_loop3A_264, %parallel_loop3A_265] {strides = array<i32>} : memref<512x64xf32, #tpu.memory_space<vmem>>, vector<16xf32>,
      %parallel_loop3A_267 = arith.constant 16 : i32
      %parallel_loop3A_268 = arith.addi %parallel_loop3A_248, %parallel_loop3A_267 : i32
      %parallel_loop3A_269 = arith.index_cast %parallel_loop3A_268 : i32 to index
      %parallel_loop3A_270 = tpu.vector_load %arg18[%parallel_loop3A_269] {strides = array<i32>} : memref<16384xf32, #tpu.memory_space<vmem>>, vector<16xf32>,
      %parallel_loop3A_271 = arith.addf %parallel_loop3A_266, %parallel_loop3A_270 : vector<16xf32>
      %parallel_loop3A_272 = arith.index_cast %parallel_loop3A_254 : i32 to index
      %parallel_loop3A_273 = arith.constant 16 : index
      %parallel_loop3A_274 = tpu.vector_load %arg20[%parallel_loop3A_272, %parallel_loop3A_273] {strides = array<i32>} : memref<512x64xf32, #tpu.memory_space<vmem>>, vector<16xf32>,
      tpu.vector_store %arg20[%parallel_loop3A_272, %parallel_loop3A_273], %parallel_loop3A_271 {strides = array<i32>} : memref<512x64xf32, #tpu.memory_space<vmem>>, vector<16xf32>,
      %parallel_loop3A_275 = arith.index_cast %parallel_loop3A_254 : i32 to index
      %parallel_loop3A_276 = arith.constant 32 : index
      %parallel_loop3A_277 = tpu.vector_load %arg20[%parallel_loop3A_275, %parallel_loop3A_276] {strides = array<i32>} : memref<512x64xf32, #tpu.memory_space<vmem>>, vector<16xf32>,
      %parallel_loop3A_278 = arith.index_cast %parallel_loop3A_250 : i32 to index
      %parallel_loop3A_279 = tpu.vector_load %arg19[%parallel_loop3A_278] {strides = array<i32>} : memref<16384xf32, #tpu.memory_space<vmem>>, vector<16xf32>,
      %parallel_loop3A_280 = arith.addf %parallel_loop3A_277, %parallel_loop3A_279 : vector<16xf32>
      %parallel_loop3A_281 = arith.index_cast %parallel_loop3A_254 : i32 to index
      %parallel_loop3A_282 = arith.constant 32 : index
      %parallel_loop3A_283 = tpu.vector_load %arg20[%parallel_loop3A_281, %parallel_loop3A_282] {strides = array<i32>} : memref<512x64xf32, #tpu.memory_space<vmem>>, vector<16xf32>,
      tpu.vector_store %arg20[%parallel_loop3A_281, %parallel_loop3A_282], %parallel_loop3A_280 {strides = array<i32>} : memref<512x64xf32, #tpu.memory_space<vmem>>, vector<16xf32>,
      %parallel_loop3A_284 = arith.index_cast %parallel_loop3A_254 : i32 to index
      %parallel_loop3A_285 = arith.constant 48 : index
      %parallel_loop3A_286 = tpu.vector_load %arg20[%parallel_loop3A_284, %parallel_loop3A_285] {strides = array<i32>} : memref<512x64xf32, #tpu.memory_space<vmem>>, vector<16xf32>,
      %parallel_loop3A_287 = arith.constant 16 : i32
      %parallel_loop3A_288 = arith.addi %parallel_loop3A_250, %parallel_loop3A_287 : i32
      %parallel_loop3A_289 = arith.index_cast %parallel_loop3A_288 : i32 to index
      %parallel_loop3A_290 = tpu.vector_load %arg19[%parallel_loop3A_289] {strides = array<i32>} : memref<16384xf32, #tpu.memory_space<vmem>>, vector<16xf32>,
      %parallel_loop3A_291 = arith.addf %parallel_loop3A_286, %parallel_loop3A_290 : vector<16xf32>
      %parallel_loop3A_292 = arith.index_cast %parallel_loop3A_254 : i32 to index
      %parallel_loop3A_293 = arith.constant 48 : index
      %parallel_loop3A_294 = tpu.vector_load %arg20[%parallel_loop3A_292, %parallel_loop3A_293] {strides = array<i32>} : memref<512x64xf32, #tpu.memory_space<vmem>>, vector<16xf32>,
      tpu.vector_store %arg20[%parallel_loop3A_292, %parallel_loop3A_293], %parallel_loop3A_291 {strides = array<i32>} : memref<512x64xf32, #tpu.memory_space<vmem>>, vector<16xf32>,
      %parallel_loop3A_295 = vector.extract_strided_slice %parallel_loop3A_243 {offsets = [1], sizes = [1], strides = [1]} : vector<16xi32> to vector<1xi32>
      %parallel_loop3A_296 = vector.extract %parallel_loop3A_295[0] : i32 from vector<1xi32>
      %parallel_loop3A_297 = vector.extract_strided_slice %parallel_loop3A_246 {offsets = [1], sizes = [1], strides = [1]} : vector<16xi32> to vector<1xi32>
      %parallel_loop3A_298 = vector.extract %parallel_loop3A_297[0] : i32 from vector<1xi32>
      %parallel_loop3A_299 = arith.constant 16 : i32
      %parallel_loop3A_300 = arith.muli %parallel_loop3A_230, %parallel_loop3A_299 : i32
      %parallel_loop3A_301 = arith.constant 1 : i32
      %parallel_loop3A_302 = arith.addi %parallel_loop3A_300, %parallel_loop3A_301 : i32
      %parallel_loop3A_303 = arith.index_cast %parallel_loop3A_302 : i32 to index
      %parallel_loop3A_304 = arith.constant 0 : index
      %parallel_loop3A_305 = tpu.vector_load %arg20[%parallel_loop3A_303, %parallel_loop3A_304] {strides = array<i32>} : memref<512x64xf32, #tpu.memory_space<vmem>>, vector<16xf32>,
      %parallel_loop3A_306 = arith.index_cast %parallel_loop3A_296 : i32 to index
      %parallel_loop3A_307 = tpu.vector_load %arg18[%parallel_loop3A_306] {strides = array<i32>} : memref<16384xf32, #tpu.memory_space<vmem>>, vector<16xf32>,
      %parallel_loop3A_308 = arith.addf %parallel_loop3A_305, %parallel_loop3A_307 : vector<16xf32>
      %parallel_loop3A_309 = arith.index_cast %parallel_loop3A_302 : i32 to index
      %parallel_loop3A_310 = arith.constant 0 : index
      %parallel_loop3A_311 = tpu.vector_load %arg20[%parallel_loop3A_309, %parallel_loop3A_310] {strides = array<i32>} : memref<512x64xf32, #tpu.memory_space<vmem>>, vector<16xf32>,
      tpu.vector_store %arg20[%parallel_loop3A_309, %parallel_loop3A_310], %parallel_loop3A_308 {strides = array<i32>} : memref<512x64xf32, #tpu.memory_space<vmem>>, vector<16xf32>,
      %parallel_loop3A_312 = arith.index_cast %parallel_loop3A_302 : i32 to index
      %parallel_loop3A_313 = arith.constant 16 : index
      %parallel_loop3A_314 = tpu.vector_load %arg20[%parallel_loop3A_312, %parallel_loop3A_313] {strides = array<i32>} : memref<512x64xf32, #tpu.memory_space<vmem>>, vector<16xf32>,
      %parallel_loop3A_315 = arith.constant 16 : i32
      %parallel_loop3A_316 = arith.addi %parallel_loop3A_296, %parallel_loop3A_315 : i32
      %parallel_loop3A_317 = arith.index_cast %parallel_loop3A_316 : i32 to index
      %parallel_loop3A_318 = tpu.vector_load %arg18[%parallel_loop3A_317] {strides = array<i32>} : memref<16384xf32, #tpu.memory_space<vmem>>, vector<16xf32>,
      %parallel_loop3A_319 = arith.addf %parallel_loop3A_314, %parallel_loop3A_318 : vector<16xf32>
      %parallel_loop3A_320 = arith.index_cast %parallel_loop3A_302 : i32 to index
      %parallel_loop3A_321 = arith.constant 16 : index
      %parallel_loop3A_322 = tpu.vector_load %arg20[%parallel_loop3A_320, %parallel_loop3A_321] {strides = array<i32>} : memref<512x64xf32, #tpu.memory_space<vmem>>, vector<16xf32>,
      tpu.vector_store %arg20[%parallel_loop3A_320, %parallel_loop3A_321], %parallel_loop3A_319 {strides = array<i32>} : memref<512x64xf32, #tpu.memory_space<vmem>>, vector<16xf32>,
      %parallel_loop3A_323 = arith.index_cast %parallel_loop3A_302 : i32 to index
      %parallel_loop3A_324 = arith.constant 32 : index
      %parallel_loop3A_325 = tpu.vector_load %arg20[%parallel_loop3A_323, %parallel_loop3A_324] {strides = array<i32>} : memref<512x64xf32, #tpu.memory_space<vmem>>, vector<16xf32>,
      %parallel_loop3A_326 = arith.index_cast %parallel_loop3A_298 : i32 to index
      %parallel_loop3A_327 = tpu.vector_load %arg19[%parallel_loop3A_326] {strides = array<i32>} : memref<16384xf32, #tpu.memory_space<vmem>>, vector<16xf32>,
      %parallel_loop3A_328 = arith.addf %parallel_loop3A_325, %parallel_loop3A_327 : vector<16xf32>
      %parallel_loop3A_329 = arith.index_cast %parallel_loop3A_302 : i32 to index
      %parallel_loop3A_330 = arith.constant 32 : index
      %parallel_loop3A_331 = tpu.vector_load %arg20[%parallel_loop3A_329, %parallel_loop3A_330] {strides = array<i32>} : memref<512x64xf32, #tpu.memory_space<vmem>>, vector<16xf32>,
      tpu.vector_store %arg20[%parallel_loop3A_329, %parallel_loop3A_330], %parallel_loop3A_328 {strides = array<i32>} : memref<512x64xf32, #tpu.memory_space<vmem>>, vector<16xf32>,
      %parallel_loop3A_332 = arith.index_cast %parallel_loop3A_302 : i32 to index
      %parallel_loop3A_333 = arith.constant 48 : index
      %parallel_loop3A_334 = tpu.vector_load %arg20[%parallel_loop3A_332, %parallel_loop3A_333] {strides = array<i32>} : memref<512x64xf32, #tpu.memory_space<vmem>>, vector<16xf32>,
      %parallel_loop3A_335 = arith.constant 16 : i32
      %parallel_loop3A_336 = arith.addi %parallel_loop3A_298, %parallel_loop3A_335 : i32
      %parallel_loop3A_337 = arith.index_cast %parallel_loop3A_336 : i32 to index
      %parallel_loop3A_338 = tpu.vector_load %arg19[%parallel_loop3A_337] {strides = array<i32>} : memref<16384xf32, #tpu.memory_space<vmem>>, vector<16xf32>,
      %parallel_loop3A_339 = arith.addf %parallel_loop3A_334, %parallel_loop3A_338 : vector<16xf32>
      %parallel_loop3A_340 = arith.index_cast %parallel_loop3A_302 : i32 to index
      %parallel_loop3A_341 = arith.constant 48 : index
      %parallel_loop3A_342 = tpu.vector_load %arg20[%parallel_loop3A_340, %parallel_loop3A_341] {strides = array<i32>} : memref<512x64xf32, #tpu.memory_space<vmem>>, vector<16xf32>,
      tpu.vector_store %arg20[%parallel_loop3A_340, %parallel_loop3A_341], %parallel_loop3A_339 {strides = array<i32>} : memref<512x64xf32, #tpu.memory_space<vmem>>, vector<16xf32>,
      %parallel_loop3A_343 = vector.extract_strided_slice %parallel_loop3A_243 {offsets = [2], sizes = [1], strides = [1]} : vector<16xi32> to vector<1xi32>
      %parallel_loop3A_344 = vector.extract %parallel_loop3A_343[0] : i32 from vector<1xi32>
      %parallel_loop3A_345 = vector.extract_strided_slice %parallel_loop3A_246 {offsets = [2], sizes = [1], strides = [1]} : vector<16xi32> to vector<1xi32>
      %parallel_loop3A_346 = vector.extract %parallel_loop3A_345[0] : i32 from vector<1xi32>
      %parallel_loop3A_347 = arith.constant 16 : i32
      %parallel_loop3A_348 = arith.muli %parallel_loop3A_230, %parallel_loop3A_347 : i32
      %parallel_loop3A_349 = arith.constant 2 : i32
      %parallel_loop3A_350 = arith.addi %parallel_loop3A_348, %parallel_loop3A_349 : i32
      %parallel_loop3A_351 = arith.index_cast %parallel_loop3A_350 : i32 to index
      %parallel_loop3A_352 = arith.constant 0 : index
      %parallel_loop3A_353 = tpu.vector_load %arg20[%parallel_loop3A_351, %parallel_loop3A_352] {strides = array<i32>} : memref<512x64xf32, #tpu.memory_space<vmem>>, vector<16xf32>,
      %parallel_loop3A_354 = arith.index_cast %parallel_loop3A_344 : i32 to index
      %parallel_loop3A_355 = tpu.vector_load %arg18[%parallel_loop3A_354] {strides = array<i32>} : memref<16384xf32, #tpu.memory_space<vmem>>, vector<16xf32>,
      %parallel_loop3A_356 = arith.addf %parallel_loop3A_353, %parallel_loop3A_355 : vector<16xf32>
      %parallel_loop3A_357 = arith.index_cast %parallel_loop3A_350 : i32 to index
      %parallel_loop3A_358 = arith.constant 0 : index
      %parallel_loop3A_359 = tpu.vector_load %arg20[%parallel_loop3A_357, %parallel_loop3A_358] {strides = array<i32>} : memref<512x64xf32, #tpu.memory_space<vmem>>, vector<16xf32>,
      tpu.vector_store %arg20[%parallel_loop3A_357, %parallel_loop3A_358], %parallel_loop3A_356 {strides = array<i32>} : memref<512x64xf32, #tpu.memory_space<vmem>>, vector<16xf32>,
      %parallel_loop3A_360 = arith.index_cast %parallel_loop3A_350 : i32 to index
      %parallel_loop3A_361 = arith.constant 16 : index
      %parallel_loop3A_362 = tpu.vector_load %arg20[%parallel_loop3A_360, %parallel_loop3A_361] {strides = array<i32>} : memref<512x64xf32, #tpu.memory_space<vmem>>, vector<16xf32>,
      %parallel_loop3A_363 = arith.constant 16 : i32
      %parallel_loop3A_364 = arith.addi %parallel_loop3A_344, %parallel_loop3A_363 : i32
      %parallel_loop3A_365 = arith.index_cast %parallel_loop3A_364 : i32 to index
      %parallel_loop3A_366 = tpu.vector_load %arg18[%parallel_loop3A_365] {strides = array<i32>} : memref<16384xf32, #tpu.memory_space<vmem>>, vector<16xf32>,
      %parallel_loop3A_367 = arith.addf %parallel_loop3A_362, %parallel_loop3A_366 : vector<16xf32>
      %parallel_loop3A_368 = arith.index_cast %parallel_loop3A_350 : i32 to index
      %parallel_loop3A_369 = arith.constant 16 : index
      %parallel_loop3A_370 = tpu.vector_load %arg20[%parallel_loop3A_368, %parallel_loop3A_369] {strides = array<i32>} : memref<512x64xf32, #tpu.memory_space<vmem>>, vector<16xf32>,
      tpu.vector_store %arg20[%parallel_loop3A_368, %parallel_loop3A_369], %parallel_loop3A_367 {strides = array<i32>} : memref<512x64xf32, #tpu.memory_space<vmem>>, vector<16xf32>,
      %parallel_loop3A_371 = arith.index_cast %parallel_loop3A_350 : i32 to index
      %parallel_loop3A_372 = arith.constant 32 : index
      %parallel_loop3A_373 = tpu.vector_load %arg20[%parallel_loop3A_371, %parallel_loop3A_372] {strides = array<i32>} : memref<512x64xf32, #tpu.memory_space<vmem>>, vector<16xf32>,
      %parallel_loop3A_374 = arith.index_cast %parallel_loop3A_346 : i32 to index
      %parallel_loop3A_375 = tpu.vector_load %arg19[%parallel_loop3A_374] {strides = array<i32>} : memref<16384xf32, #tpu.memory_space<vmem>>, vector<16xf32>,
      %parallel_loop3A_376 = arith.addf %parallel_loop3A_373, %parallel_loop3A_375 : vector<16xf32>
      %parallel_loop3A_377 = arith.index_cast %parallel_loop3A_350 : i32 to index
      %parallel_loop3A_378 = arith.constant 32 : index
      %parallel_loop3A_379 = tpu.vector_load %arg20[%parallel_loop3A_377, %parallel_loop3A_378] {strides = array<i32>} : memref<512x64xf32, #tpu.memory_space<vmem>>, vector<16xf32>,
      tpu.vector_store %arg20[%parallel_loop3A_377, %parallel_loop3A_378], %parallel_loop3A_376 {strides = array<i32>} : memref<512x64xf32, #tpu.memory_space<vmem>>, vector<16xf32>,
      %parallel_loop3A_380 = arith.index_cast %parallel_loop3A_350 : i32 to index
      %parallel_loop3A_381 = arith.constant 48 : index
      %parallel_loop3A_382 = tpu.vector_load %arg20[%parallel_loop3A_380, %parallel_loop3A_381] {strides = array<i32>} : memref<512x64xf32, #tpu.memory_space<vmem>>, vector<16xf32>,
      %parallel_loop3A_383 = arith.constant 16 : i32
      %parallel_loop3A_384 = arith.addi %parallel_loop3A_346, %parallel_loop3A_383 : i32
      %parallel_loop3A_385 = arith.index_cast %parallel_loop3A_384 : i32 to index
      %parallel_loop3A_386 = tpu.vector_load %arg19[%parallel_loop3A_385] {strides = array<i32>} : memref<16384xf32, #tpu.memory_space<vmem>>, vector<16xf32>,
      %parallel_loop3A_387 = arith.addf %parallel_loop3A_382, %parallel_loop3A_386 : vector<16xf32>
      %parallel_loop3A_388 = arith.index_cast %parallel_loop3A_350 : i32 to index
      %parallel_loop3A_389 = arith.constant 48 : index
      %parallel_loop3A_390 = tpu.vector_load %arg20[%parallel_loop3A_388, %parallel_loop3A_389] {strides = array<i32>} : memref<512x64xf32, #tpu.memory_space<vmem>>, vector<16xf32>,
      tpu.vector_store %arg20[%parallel_loop3A_388, %parallel_loop3A_389], %parallel_loop3A_387 {strides = array<i32>} : memref<512x64xf32, #tpu.memory_space<vmem>>, vector<16xf32>,
      %parallel_loop3A_391 = vector.extract_strided_slice %parallel_loop3A_243 {offsets = [3], sizes = [1], strides = [1]} : vector<16xi32> to vector<1xi32>
      %parallel_loop3A_392 = vector.extract %parallel_loop3A_391[0] : i32 from vector<1xi32>
      %parallel_loop3A_393 = vector.extract_strided_slice %parallel_loop3A_246 {offsets = [3], sizes = [1], strides = [1]} : vector<16xi32> to vector<1xi32>
      %parallel_loop3A_394 = vector.extract %parallel_loop3A_393[0] : i32 from vector<1xi32>
      %parallel_loop3A_395 = arith.constant 16 : i32
      %parallel_loop3A_396 = arith.muli %parallel_loop3A_230, %parallel_loop3A_395 : i32
      %parallel_loop3A_397 = arith.constant 3 : i32
      %parallel_loop3A_398 = arith.addi %parallel_loop3A_396, %parallel_loop3A_397 : i32
      %parallel_loop3A_399 = arith.index_cast %parallel_loop3A_398 : i32 to index
      %parallel_loop3A_400 = arith.constant 0 : index
      %parallel_loop3A_401 = tpu.vector_load %arg20[%parallel_loop3A_399, %parallel_loop3A_400] {strides = array<i32>} : memref<512x64xf32, #tpu.memory_space<vmem>>, vector<16xf32>,
      %parallel_loop3A_402 = arith.index_cast %parallel_loop3A_392 : i32 to index
      %parallel_loop3A_403 = tpu.vector_load %arg18[%parallel_loop3A_402] {strides = array<i32>} : memref<16384xf32, #tpu.memory_space<vmem>>, vector<16xf32>,
      %parallel_loop3A_404 = arith.addf %parallel_loop3A_401, %parallel_loop3A_403 : vector<16xf32>
      %parallel_loop3A_405 = arith.index_cast %parallel_loop3A_398 : i32 to index
      %parallel_loop3A_406 = arith.constant 0 : index
      %parallel_loop3A_407 = tpu.vector_load %arg20[%parallel_loop3A_405, %parallel_loop3A_406] {strides = array<i32>} : memref<512x64xf32, #tpu.memory_space<vmem>>, vector<16xf32>,
      tpu.vector_store %arg20[%parallel_loop3A_405, %parallel_loop3A_406], %parallel_loop3A_404 {strides = array<i32>} : memref<512x64xf32, #tpu.memory_space<vmem>>, vector<16xf32>,
      %parallel_loop3A_408 = arith.index_cast %parallel_loop3A_398 : i32 to index
      %parallel_loop3A_409 = arith.constant 16 : index
      %parallel_loop3A_410 = tpu.vector_load %arg20[%parallel_loop3A_408, %parallel_loop3A_409] {strides = array<i32>} : memref<512x64xf32, #tpu.memory_space<vmem>>, vector<16xf32>,
      %parallel_loop3A_411 = arith.constant 16 : i32
      %parallel_loop3A_412 = arith.addi %parallel_loop3A_392, %parallel_loop3A_411 : i32
      %parallel_loop3A_413 = arith.index_cast %parallel_loop3A_412 : i32 to index
      %parallel_loop3A_414 = tpu.vector_load %arg18[%parallel_loop3A_413] {strides = array<i32>} : memref<16384xf32, #tpu.memory_space<vmem>>, vector<16xf32>,
      %parallel_loop3A_415 = arith.addf %parallel_loop3A_410, %parallel_loop3A_414 : vector<16xf32>
      %parallel_loop3A_416 = arith.index_cast %parallel_loop3A_398 : i32 to index
      %parallel_loop3A_417 = arith.constant 16 : index
      %parallel_loop3A_418 = tpu.vector_load %arg20[%parallel_loop3A_416, %parallel_loop3A_417] {strides = array<i32>} : memref<512x64xf32, #tpu.memory_space<vmem>>, vector<16xf32>,
      tpu.vector_store %arg20[%parallel_loop3A_416, %parallel_loop3A_417], %parallel_loop3A_415 {strides = array<i32>} : memref<512x64xf32, #tpu.memory_space<vmem>>, vector<16xf32>,
      %parallel_loop3A_419 = arith.index_cast %parallel_loop3A_398 : i32 to index
      %parallel_loop3A_420 = arith.constant 32 : index
      %parallel_loop3A_421 = tpu.vector_load %arg20[%parallel_loop3A_419, %parallel_loop3A_420] {strides = array<i32>} : memref<512x64xf32, #tpu.memory_space<vmem>>, vector<16xf32>,
      %parallel_loop3A_422 = arith.index_cast %parallel_loop3A_394 : i32 to index
      %parallel_loop3A_423 = tpu.vector_load %arg19[%parallel_loop3A_422] {strides = array<i32>} : memref<16384xf32, #tpu.memory_space<vmem>>, vector<16xf32>,
      %parallel_loop3A_424 = arith.addf %parallel_loop3A_421, %parallel_loop3A_423 : vector<16xf32>
      %parallel_loop3A_425 = arith.index_cast %parallel_loop3A_398 : i32 to index
      %parallel_loop3A_426 = arith.constant 32 : index
      %parallel_loop3A_427 = tpu.vector_load %arg20[%parallel_loop3A_425, %parallel_loop3A_426] {strides = array<i32>} : memref<512x64xf32, #tpu.memory_space<vmem>>, vector<16xf32>,
      tpu.vector_store %arg20[%parallel_loop3A_425, %parallel_loop3A_426], %parallel_loop3A_424 {strides = array<i32>} : memref<512x64xf32, #tpu.memory_space<vmem>>, vector<16xf32>,
      %parallel_loop3A_428 = arith.index_cast %parallel_loop3A_398 : i32 to index
      %parallel_loop3A_429 = arith.constant 48 : index
      %parallel_loop3A_430 = tpu.vector_load %arg20[%parallel_loop3A_428, %parallel_loop3A_429] {strides = array<i32>} : memref<512x64xf32, #tpu.memory_space<vmem>>, vector<16xf32>,
      %parallel_loop3A_431 = arith.constant 16 : i32
      %parallel_loop3A_432 = arith.addi %parallel_loop3A_394, %parallel_loop3A_431 : i32
      %parallel_loop3A_433 = arith.index_cast %parallel_loop3A_432 : i32 to index
      %parallel_loop3A_434 = tpu.vector_load %arg19[%parallel_loop3A_433] {strides = array<i32>} : memref<16384xf32, #tpu.memory_space<vmem>>, vector<16xf32>,
      %parallel_loop3A_435 = arith.addf %parallel_loop3A_430, %parallel_loop3A_434 : vector<16xf32>
      %parallel_loop3A_436 = arith.index_cast %parallel_loop3A_398 : i32 to index
      %parallel_loop3A_437 = arith.constant 48 : index
      %parallel_loop3A_438 = tpu.vector_load %arg20[%parallel_loop3A_436, %parallel_loop3A_437] {strides = array<i32>} : memref<512x64xf32, #tpu.memory_space<vmem>>, vector<16xf32>,
      tpu.vector_store %arg20[%parallel_loop3A_436, %parallel_loop3A_437], %parallel_loop3A_435 {strides = array<i32>} : memref<512x64xf32, #tpu.memory_space<vmem>>, vector<16xf32>,
      %parallel_loop3A_439 = vector.extract_strided_slice %parallel_loop3A_243 {offsets = [4], sizes = [1], strides = [1]} : vector<16xi32> to vector<1xi32>
      %parallel_loop3A_440 = vector.extract %parallel_loop3A_439[0] : i32 from vector<1xi32>
      %parallel_loop3A_441 = vector.extract_strided_slice %parallel_loop3A_246 {offsets = [4], sizes = [1], strides = [1]} : vector<16xi32> to vector<1xi32>
      %parallel_loop3A_442 = vector.extract %parallel_loop3A_441[0] : i32 from vector<1xi32>
      %parallel_loop3A_443 = arith.constant 16 : i32
      %parallel_loop3A_444 = arith.muli %parallel_loop3A_230, %parallel_loop3A_443 : i32
      %parallel_loop3A_445 = arith.constant 4 : i32
      %parallel_loop3A_446 = arith.addi %parallel_loop3A_444, %parallel_loop3A_445 : i32
      %parallel_loop3A_447 = arith.index_cast %parallel_loop3A_446 : i32 to index
      %parallel_loop3A_448 = arith.constant 0 : index
      %parallel_loop3A_449 = tpu.vector_load %arg20[%parallel_loop3A_447, %parallel_loop3A_448] {strides = array<i32>} : memref<512x64xf32, #tpu.memory_space<vmem>>, vector<16xf32>,
      %parallel_loop3A_450 = arith.index_cast %parallel_loop3A_440 : i32 to index
      %parallel_loop3A_451 = tpu.vector_load %arg18[%parallel_loop3A_450] {strides = array<i32>} : memref<16384xf32, #tpu.memory_space<vmem>>, vector<16xf32>,
      %parallel_loop3A_452 = arith.addf %parallel_loop3A_449, %parallel_loop3A_451 : vector<16xf32>
      %parallel_loop3A_453 = arith.index_cast %parallel_loop3A_446 : i32 to index
      %parallel_loop3A_454 = arith.constant 0 : index
      %parallel_loop3A_455 = tpu.vector_load %arg20[%parallel_loop3A_453, %parallel_loop3A_454] {strides = array<i32>} : memref<512x64xf32, #tpu.memory_space<vmem>>, vector<16xf32>,
      tpu.vector_store %arg20[%parallel_loop3A_453, %parallel_loop3A_454], %parallel_loop3A_452 {strides = array<i32>} : memref<512x64xf32, #tpu.memory_space<vmem>>, vector<16xf32>,
      %parallel_loop3A_456 = arith.index_cast %parallel_loop3A_446 : i32 to index
      %parallel_loop3A_457 = arith.constant 16 : index
      %parallel_loop3A_458 = tpu.vector_load %arg20[%parallel_loop3A_456, %parallel_loop3A_457] {strides = array<i32>} : memref<512x64xf32, #tpu.memory_space<vmem>>, vector<16xf32>,
      %parallel_loop3A_459 = arith.constant 16 : i32
      %parallel_loop3A_460 = arith.addi %parallel_loop3A_440, %parallel_loop3A_459 : i32
      %parallel_loop3A_461 = arith.index_cast %parallel_loop3A_460 : i32 to index
      %parallel_loop3A_462 = tpu.vector_load %arg18[%parallel_loop3A_461] {strides = array<i32>} : memref<16384xf32, #tpu.memory_space<vmem>>, vector<16xf32>,
      %parallel_loop3A_463 = arith.addf %parallel_loop3A_458, %parallel_loop3A_462 : vector<16xf32>
      %parallel_loop3A_464 = arith.index_cast %parallel_loop3A_446 : i32 to index
      %parallel_loop3A_465 = arith.constant 16 : index
      %parallel_loop3A_466 = tpu.vector_load %arg20[%parallel_loop3A_464, %parallel_loop3A_465] {strides = array<i32>} : memref<512x64xf32, #tpu.memory_space<vmem>>, vector<16xf32>,
      tpu.vector_store %arg20[%parallel_loop3A_464, %parallel_loop3A_465], %parallel_loop3A_463 {strides = array<i32>} : memref<512x64xf32, #tpu.memory_space<vmem>>, vector<16xf32>,
      %parallel_loop3A_467 = arith.index_cast %parallel_loop3A_446 : i32 to index
      %parallel_loop3A_468 = arith.constant 32 : index
      %parallel_loop3A_469 = tpu.vector_load %arg20[%parallel_loop3A_467, %parallel_loop3A_468] {strides = array<i32>} : memref<512x64xf32, #tpu.memory_space<vmem>>, vector<16xf32>,
      %parallel_loop3A_470 = arith.index_cast %parallel_loop3A_442 : i32 to index
      %parallel_loop3A_471 = tpu.vector_load %arg19[%parallel_loop3A_470] {strides = array<i32>} : memref<16384xf32, #tpu.memory_space<vmem>>, vector<16xf32>,
      %parallel_loop3A_472 = arith.addf %parallel_loop3A_469, %parallel_loop3A_471 : vector<16xf32>
      %parallel_loop3A_473 = arith.index_cast %parallel_loop3A_446 : i32 to index
      %parallel_loop3A_474 = arith.constant 32 : index
      %parallel_loop3A_475 = tpu.vector_load %arg20[%parallel_loop3A_473, %parallel_loop3A_474] {strides = array<i32>} : memref<512x64xf32, #tpu.memory_space<vmem>>, vector<16xf32>,
      tpu.vector_store %arg20[%parallel_loop3A_473, %parallel_loop3A_474], %parallel_loop3A_472 {strides = array<i32>} : memref<512x64xf32, #tpu.memory_space<vmem>>, vector<16xf32>,
      %parallel_loop3A_476 = arith.index_cast %parallel_loop3A_446 : i32 to index
      %parallel_loop3A_477 = arith.constant 48 : index
      %parallel_loop3A_478 = tpu.vector_load %arg20[%parallel_loop3A_476, %parallel_loop3A_477] {strides = array<i32>} : memref<512x64xf32, #tpu.memory_space<vmem>>, vector<16xf32>,
      %parallel_loop3A_479 = arith.constant 16 : i32
      %parallel_loop3A_480 = arith.addi %parallel_loop3A_442, %parallel_loop3A_479 : i32
      %parallel_loop3A_481 = arith.index_cast %parallel_loop3A_480 : i32 to index
      %parallel_loop3A_482 = tpu.vector_load %arg19[%parallel_loop3A_481] {strides = array<i32>} : memref<16384xf32, #tpu.memory_space<vmem>>, vector<16xf32>,
      %parallel_loop3A_483 = arith.addf %parallel_loop3A_478, %parallel_loop3A_482 : vector<16xf32>
      %parallel_loop3A_484 = arith.index_cast %parallel_loop3A_446 : i32 to index
      %parallel_loop3A_485 = arith.constant 48 : index
      %parallel_loop3A_486 = tpu.vector_load %arg20[%parallel_loop3A_484, %parallel_loop3A_485] {strides = array<i32>} : memref<512x64xf32, #tpu.memory_space<vmem>>, vector<16xf32>,
      tpu.vector_store %arg20[%parallel_loop3A_484, %parallel_loop3A_485], %parallel_loop3A_483 {strides = array<i32>} : memref<512x64xf32, #tpu.memory_space<vmem>>, vector<16xf32>,
      %parallel_loop3A_487 = vector.extract_strided_slice %parallel_loop3A_243 {offsets = [5], sizes = [1], strides = [1]} : vector<16xi32> to vector<1xi32>
      %parallel_loop3A_488 = vector.extract %parallel_loop3A_487[0] : i32 from vector<1xi32>
      %parallel_loop3A_489 = vector.extract_strided_slice %parallel_loop3A_246 {offsets = [5], sizes = [1], strides = [1]} : vector<16xi32> to vector<1xi32>
      %parallel_loop3A_490 = vector.extract %parallel_loop3A_489[0] : i32 from vector<1xi32>
      %parallel_loop3A_491 = arith.constant 16 : i32
      %parallel_loop3A_492 = arith.muli %parallel_loop3A_230, %parallel_loop3A_491 : i32
      %parallel_loop3A_493 = arith.constant 5 : i32
      %parallel_loop3A_494 = arith.addi %parallel_loop3A_492, %parallel_loop3A_493 : i32
      %parallel_loop3A_495 = arith.index_cast %parallel_loop3A_494 : i32 to index
      %parallel_loop3A_496 = arith.constant 0 : index
      %parallel_loop3A_497 = tpu.vector_load %arg20[%parallel_loop3A_495, %parallel_loop3A_496] {strides = array<i32>} : memref<512x64xf32, #tpu.memory_space<vmem>>, vector<16xf32>,
      %parallel_loop3A_498 = arith.index_cast %parallel_loop3A_488 : i32 to index
      %parallel_loop3A_499 = tpu.vector_load %arg18[%parallel_loop3A_498] {strides = array<i32>} : memref<16384xf32, #tpu.memory_space<vmem>>, vector<16xf32>,
      %parallel_loop3A_500 = arith.addf %parallel_loop3A_497, %parallel_loop3A_499 : vector<16xf32>
      %parallel_loop3A_501 = arith.index_cast %parallel_loop3A_494 : i32 to index
      %parallel_loop3A_502 = arith.constant 0 : index
      %parallel_loop3A_503 = tpu.vector_load %arg20[%parallel_loop3A_501, %parallel_loop3A_502] {strides = array<i32>} : memref<512x64xf32, #tpu.memory_space<vmem>>, vector<16xf32>,
      tpu.vector_store %arg20[%parallel_loop3A_501, %parallel_loop3A_502], %parallel_loop3A_500 {strides = array<i32>} : memref<512x64xf32, #tpu.memory_space<vmem>>, vector<16xf32>,
      %parallel_loop3A_504 = arith.index_cast %parallel_loop3A_494 : i32 to index
      %parallel_loop3A_505 = arith.constant 16 : index
      %parallel_loop3A_506 = tpu.vector_load %arg20[%parallel_loop3A_504, %parallel_loop3A_505] {strides = array<i32>} : memref<512x64xf32, #tpu.memory_space<vmem>>, vector<16xf32>,
      %parallel_loop3A_507 = arith.constant 16 : i32
      %parallel_loop3A_508 = arith.addi %parallel_loop3A_488, %parallel_loop3A_507 : i32
      %parallel_loop3A_509 = arith.index_cast %parallel_loop3A_508 : i32 to index
      %parallel_loop3A_510 = tpu.vector_load %arg18[%parallel_loop3A_509] {strides = array<i32>} : memref<16384xf32, #tpu.memory_space<vmem>>, vector<16xf32>,
      %parallel_loop3A_511 = arith.addf %parallel_loop3A_506, %parallel_loop3A_510 : vector<16xf32>
      %parallel_loop3A_512 = arith.index_cast %parallel_loop3A_494 : i32 to index
      %parallel_loop3A_513 = arith.constant 16 : index
      %parallel_loop3A_514 = tpu.vector_load %arg20[%parallel_loop3A_512, %parallel_loop3A_513] {strides = array<i32>} : memref<512x64xf32, #tpu.memory_space<vmem>>, vector<16xf32>,
      tpu.vector_store %arg20[%parallel_loop3A_512, %parallel_loop3A_513], %parallel_loop3A_511 {strides = array<i32>} : memref<512x64xf32, #tpu.memory_space<vmem>>, vector<16xf32>,
      %parallel_loop3A_515 = arith.index_cast %parallel_loop3A_494 : i32 to index
      %parallel_loop3A_516 = arith.constant 32 : index
      %parallel_loop3A_517 = tpu.vector_load %arg20[%parallel_loop3A_515, %parallel_loop3A_516] {strides = array<i32>} : memref<512x64xf32, #tpu.memory_space<vmem>>, vector<16xf32>,
      %parallel_loop3A_518 = arith.index_cast %parallel_loop3A_490 : i32 to index
      %parallel_loop3A_519 = tpu.vector_load %arg19[%parallel_loop3A_518] {strides = array<i32>} : memref<16384xf32, #tpu.memory_space<vmem>>, vector<16xf32>,
      %parallel_loop3A_520 = arith.addf %parallel_loop3A_517, %parallel_loop3A_519 : vector<16xf32>
      %parallel_loop3A_521 = arith.index_cast %parallel_loop3A_494 : i32 to index
      %parallel_loop3A_522 = arith.constant 32 : index
      %parallel_loop3A_523 = tpu.vector_load %arg20[%parallel_loop3A_521, %parallel_loop3A_522] {strides = array<i32>} : memref<512x64xf32, #tpu.memory_space<vmem>>, vector<16xf32>,
      tpu.vector_store %arg20[%parallel_loop3A_521, %parallel_loop3A_522], %parallel_loop3A_520 {strides = array<i32>} : memref<512x64xf32, #tpu.memory_space<vmem>>, vector<16xf32>,
      %parallel_loop3A_524 = arith.index_cast %parallel_loop3A_494 : i32 to index
      %parallel_loop3A_525 = arith.constant 48 : index
      %parallel_loop3A_526 = tpu.vector_load %arg20[%parallel_loop3A_524, %parallel_loop3A_525] {strides = array<i32>} : memref<512x64xf32, #tpu.memory_space<vmem>>, vector<16xf32>,
      %parallel_loop3A_527 = arith.constant 16 : i32
      %parallel_loop3A_528 = arith.addi %parallel_loop3A_490, %parallel_loop3A_527 : i32
      %parallel_loop3A_529 = arith.index_cast %parallel_loop3A_528 : i32 to index
      %parallel_loop3A_530 = tpu.vector_load %arg19[%parallel_loop3A_529] {strides = array<i32>} : memref<16384xf32, #tpu.memory_space<vmem>>, vector<16xf32>,
      %parallel_loop3A_531 = arith.addf %parallel_loop3A_526, %parallel_loop3A_530 : vector<16xf32>
      %parallel_loop3A_532 = arith.index_cast %parallel_loop3A_494 : i32 to index
      %parallel_loop3A_533 = arith.constant 48 : index
      %parallel_loop3A_534 = tpu.vector_load %arg20[%parallel_loop3A_532, %parallel_loop3A_533] {strides = array<i32>} : memref<512x64xf32, #tpu.memory_space<vmem>>, vector<16xf32>,
      tpu.vector_store %arg20[%parallel_loop3A_532, %parallel_loop3A_533], %parallel_loop3A_531 {strides = array<i32>} : memref<512x64xf32, #tpu.memory_space<vmem>>, vector<16xf32>,
      %parallel_loop3A_535 = vector.extract_strided_slice %parallel_loop3A_243 {offsets = [6], sizes = [1], strides = [1]} : vector<16xi32> to vector<1xi32>
      %parallel_loop3A_536 = vector.extract %parallel_loop3A_535[0] : i32 from vector<1xi32>
      %parallel_loop3A_537 = vector.extract_strided_slice %parallel_loop3A_246 {offsets = [6], sizes = [1], strides = [1]} : vector<16xi32> to vector<1xi32>
      %parallel_loop3A_538 = vector.extract %parallel_loop3A_537[0] : i32 from vector<1xi32>
      %parallel_loop3A_539 = arith.constant 16 : i32
      %parallel_loop3A_540 = arith.muli %parallel_loop3A_230, %parallel_loop3A_539 : i32
      %parallel_loop3A_541 = arith.constant 6 : i32
      %parallel_loop3A_542 = arith.addi %parallel_loop3A_540, %parallel_loop3A_541 : i32
      %parallel_loop3A_543 = arith.index_cast %parallel_loop3A_542 : i32 to index
      %parallel_loop3A_544 = arith.constant 0 : index
      %parallel_loop3A_545 = tpu.vector_load %arg20[%parallel_loop3A_543, %parallel_loop3A_544] {strides = array<i32>} : memref<512x64xf32, #tpu.memory_space<vmem>>, vector<16xf32>,
      %parallel_loop3A_546 = arith.index_cast %parallel_loop3A_536 : i32 to index
      %parallel_loop3A_547 = tpu.vector_load %arg18[%parallel_loop3A_546] {strides = array<i32>} : memref<16384xf32, #tpu.memory_space<vmem>>, vector<16xf32>,
      %parallel_loop3A_548 = arith.addf %parallel_loop3A_545, %parallel_loop3A_547 : vector<16xf32>
      %parallel_loop3A_549 = arith.index_cast %parallel_loop3A_542 : i32 to index
      %parallel_loop3A_550 = arith.constant 0 : index
      %parallel_loop3A_551 = tpu.vector_load %arg20[%parallel_loop3A_549, %parallel_loop3A_550] {strides = array<i32>} : memref<512x64xf32, #tpu.memory_space<vmem>>, vector<16xf32>,
      tpu.vector_store %arg20[%parallel_loop3A_549, %parallel_loop3A_550], %parallel_loop3A_548 {strides = array<i32>} : memref<512x64xf32, #tpu.memory_space<vmem>>, vector<16xf32>,
      %parallel_loop3A_552 = arith.index_cast %parallel_loop3A_542 : i32 to index
      %parallel_loop3A_553 = arith.constant 16 : index
      %parallel_loop3A_554 = tpu.vector_load %arg20[%parallel_loop3A_552, %parallel_loop3A_553] {strides = array<i32>} : memref<512x64xf32, #tpu.memory_space<vmem>>, vector<16xf32>,
      %parallel_loop3A_555 = arith.constant 16 : i32
      %parallel_loop3A_556 = arith.addi %parallel_loop3A_536, %parallel_loop3A_555 : i32
      %parallel_loop3A_557 = arith.index_cast %parallel_loop3A_556 : i32 to index
      %parallel_loop3A_558 = tpu.vector_load %arg18[%parallel_loop3A_557] {strides = array<i32>} : memref<16384xf32, #tpu.memory_space<vmem>>, vector<16xf32>,
      %parallel_loop3A_559 = arith.addf %parallel_loop3A_554, %parallel_loop3A_558 : vector<16xf32>
      %parallel_loop3A_560 = arith.index_cast %parallel_loop3A_542 : i32 to index
      %parallel_loop3A_561 = arith.constant 16 : index
      %parallel_loop3A_562 = tpu.vector_load %arg20[%parallel_loop3A_560, %parallel_loop3A_561] {strides = array<i32>} : memref<512x64xf32, #tpu.memory_space<vmem>>, vector<16xf32>,
      tpu.vector_store %arg20[%parallel_loop3A_560, %parallel_loop3A_561], %parallel_loop3A_559 {strides = array<i32>} : memref<512x64xf32, #tpu.memory_space<vmem>>, vector<16xf32>,
      %parallel_loop3A_563 = arith.index_cast %parallel_loop3A_542 : i32 to index
      %parallel_loop3A_564 = arith.constant 32 : index
      %parallel_loop3A_565 = tpu.vector_load %arg20[%parallel_loop3A_563, %parallel_loop3A_564] {strides = array<i32>} : memref<512x64xf32, #tpu.memory_space<vmem>>, vector<16xf32>,
      %parallel_loop3A_566 = arith.index_cast %parallel_loop3A_538 : i32 to index
      %parallel_loop3A_567 = tpu.vector_load %arg19[%parallel_loop3A_566] {strides = array<i32>} : memref<16384xf32, #tpu.memory_space<vmem>>, vector<16xf32>,
      %parallel_loop3A_568 = arith.addf %parallel_loop3A_565, %parallel_loop3A_567 : vector<16xf32>
      %parallel_loop3A_569 = arith.index_cast %parallel_loop3A_542 : i32 to index
      %parallel_loop3A_570 = arith.constant 32 : index
      %parallel_loop3A_571 = tpu.vector_load %arg20[%parallel_loop3A_569, %parallel_loop3A_570] {strides = array<i32>} : memref<512x64xf32, #tpu.memory_space<vmem>>, vector<16xf32>,
      tpu.vector_store %arg20[%parallel_loop3A_569, %parallel_loop3A_570], %parallel_loop3A_568 {strides = array<i32>} : memref<512x64xf32, #tpu.memory_space<vmem>>, vector<16xf32>,
      %parallel_loop3A_572 = arith.index_cast %parallel_loop3A_542 : i32 to index
      %parallel_loop3A_573 = arith.constant 48 : index
      %parallel_loop3A_574 = tpu.vector_load %arg20[%parallel_loop3A_572, %parallel_loop3A_573] {strides = array<i32>} : memref<512x64xf32, #tpu.memory_space<vmem>>, vector<16xf32>,
      %parallel_loop3A_575 = arith.constant 16 : i32
      %parallel_loop3A_576 = arith.addi %parallel_loop3A_538, %parallel_loop3A_575 : i32
      %parallel_loop3A_577 = arith.index_cast %parallel_loop3A_576 : i32 to index
      %parallel_loop3A_578 = tpu.vector_load %arg19[%parallel_loop3A_577] {strides = array<i32>} : memref<16384xf32, #tpu.memory_space<vmem>>, vector<16xf32>,
      %parallel_loop3A_579 = arith.addf %parallel_loop3A_574, %parallel_loop3A_578 : vector<16xf32>
      %parallel_loop3A_580 = arith.index_cast %parallel_loop3A_542 : i32 to index
      %parallel_loop3A_581 = arith.constant 48 : index
      %parallel_loop3A_582 = tpu.vector_load %arg20[%parallel_loop3A_580, %parallel_loop3A_581] {strides = array<i32>} : memref<512x64xf32, #tpu.memory_space<vmem>>, vector<16xf32>,
      tpu.vector_store %arg20[%parallel_loop3A_580, %parallel_loop3A_581], %parallel_loop3A_579 {strides = array<i32>} : memref<512x64xf32, #tpu.memory_space<vmem>>, vector<16xf32>,
      %parallel_loop3A_583 = vector.extract_strided_slice %parallel_loop3A_243 {offsets = [7], sizes = [1], strides = [1]} : vector<16xi32> to vector<1xi32>
      %parallel_loop3A_584 = vector.extract %parallel_loop3A_583[0] : i32 from vector<1xi32>
      %parallel_loop3A_585 = vector.extract_strided_slice %parallel_loop3A_246 {offsets = [7], sizes = [1], strides = [1]} : vector<16xi32> to vector<1xi32>
      %parallel_loop3A_586 = vector.extract %parallel_loop3A_585[0] : i32 from vector<1xi32>
      %parallel_loop3A_587 = arith.constant 16 : i32
      %parallel_loop3A_588 = arith.muli %parallel_loop3A_230, %parallel_loop3A_587 : i32
      %parallel_loop3A_589 = arith.constant 7 : i32
      %parallel_loop3A_590 = arith.addi %parallel_loop3A_588, %parallel_loop3A_589 : i32
      %parallel_loop3A_591 = arith.index_cast %parallel_loop3A_590 : i32 to index
      %parallel_loop3A_592 = arith.constant 0 : index
      %parallel_loop3A_593 = tpu.vector_load %arg20[%parallel_loop3A_591, %parallel_loop3A_592] {strides = array<i32>} : memref<512x64xf32, #tpu.memory_space<vmem>>, vector<16xf32>,
      %parallel_loop3A_594 = arith.index_cast %parallel_loop3A_584 : i32 to index
      %parallel_loop3A_595 = tpu.vector_load %arg18[%parallel_loop3A_594] {strides = array<i32>} : memref<16384xf32, #tpu.memory_space<vmem>>, vector<16xf32>,
      %parallel_loop3A_596 = arith.addf %parallel_loop3A_593, %parallel_loop3A_595 : vector<16xf32>
      %parallel_loop3A_597 = arith.index_cast %parallel_loop3A_590 : i32 to index
      %parallel_loop3A_598 = arith.constant 0 : index
      %parallel_loop3A_599 = tpu.vector_load %arg20[%parallel_loop3A_597, %parallel_loop3A_598] {strides = array<i32>} : memref<512x64xf32, #tpu.memory_space<vmem>>, vector<16xf32>,
      tpu.vector_store %arg20[%parallel_loop3A_597, %parallel_loop3A_598], %parallel_loop3A_596 {strides = array<i32>} : memref<512x64xf32, #tpu.memory_space<vmem>>, vector<16xf32>,
      %parallel_loop3A_600 = arith.index_cast %parallel_loop3A_590 : i32 to index
      %parallel_loop3A_601 = arith.constant 16 : index
      %parallel_loop3A_602 = tpu.vector_load %arg20[%parallel_loop3A_600, %parallel_loop3A_601] {strides = array<i32>} : memref<512x64xf32, #tpu.memory_space<vmem>>, vector<16xf32>,
      %parallel_loop3A_603 = arith.constant 16 : i32
      %parallel_loop3A_604 = arith.addi %parallel_loop3A_584, %parallel_loop3A_603 : i32
      %parallel_loop3A_605 = arith.index_cast %parallel_loop3A_604 : i32 to index
      %parallel_loop3A_606 = tpu.vector_load %arg18[%parallel_loop3A_605] {strides = array<i32>} : memref<16384xf32, #tpu.memory_space<vmem>>, vector<16xf32>,
      %parallel_loop3A_607 = arith.addf %parallel_loop3A_602, %parallel_loop3A_606 : vector<16xf32>
      %parallel_loop3A_608 = arith.index_cast %parallel_loop3A_590 : i32 to index
      %parallel_loop3A_609 = arith.constant 16 : index
      %parallel_loop3A_610 = tpu.vector_load %arg20[%parallel_loop3A_608, %parallel_loop3A_609] {strides = array<i32>} : memref<512x64xf32, #tpu.memory_space<vmem>>, vector<16xf32>,
      tpu.vector_store %arg20[%parallel_loop3A_608, %parallel_loop3A_609], %parallel_loop3A_607 {strides = array<i32>} : memref<512x64xf32, #tpu.memory_space<vmem>>, vector<16xf32>,
      %parallel_loop3A_611 = arith.index_cast %parallel_loop3A_590 : i32 to index
      %parallel_loop3A_612 = arith.constant 32 : index
      %parallel_loop3A_613 = tpu.vector_load %arg20[%parallel_loop3A_611, %parallel_loop3A_612] {strides = array<i32>} : memref<512x64xf32, #tpu.memory_space<vmem>>, vector<16xf32>,
      %parallel_loop3A_614 = arith.index_cast %parallel_loop3A_586 : i32 to index
      %parallel_loop3A_615 = tpu.vector_load %arg19[%parallel_loop3A_614] {strides = array<i32>} : memref<16384xf32, #tpu.memory_space<vmem>>, vector<16xf32>,
      %parallel_loop3A_616 = arith.addf %parallel_loop3A_613, %parallel_loop3A_615 : vector<16xf32>
      %parallel_loop3A_617 = arith.index_cast %parallel_loop3A_590 : i32 to index
      %parallel_loop3A_618 = arith.constant 32 : index
      %parallel_loop3A_619 = tpu.vector_load %arg20[%parallel_loop3A_617, %parallel_loop3A_618] {strides = array<i32>} : memref<512x64xf32, #tpu.memory_space<vmem>>, vector<16xf32>,
      tpu.vector_store %arg20[%parallel_loop3A_617, %parallel_loop3A_618], %parallel_loop3A_616 {strides = array<i32>} : memref<512x64xf32, #tpu.memory_space<vmem>>, vector<16xf32>,
      %parallel_loop3A_620 = arith.index_cast %parallel_loop3A_590 : i32 to index
      %parallel_loop3A_621 = arith.constant 48 : index
      %parallel_loop3A_622 = tpu.vector_load %arg20[%parallel_loop3A_620, %parallel_loop3A_621] {strides = array<i32>} : memref<512x64xf32, #tpu.memory_space<vmem>>, vector<16xf32>,
      %parallel_loop3A_623 = arith.constant 16 : i32
      %parallel_loop3A_624 = arith.addi %parallel_loop3A_586, %parallel_loop3A_623 : i32
      %parallel_loop3A_625 = arith.index_cast %parallel_loop3A_624 : i32 to index
      %parallel_loop3A_626 = tpu.vector_load %arg19[%parallel_loop3A_625] {strides = array<i32>} : memref<16384xf32, #tpu.memory_space<vmem>>, vector<16xf32>,
      %parallel_loop3A_627 = arith.addf %parallel_loop3A_622, %parallel_loop3A_626 : vector<16xf32>
      %parallel_loop3A_628 = arith.index_cast %parallel_loop3A_590 : i32 to index
      %parallel_loop3A_629 = arith.constant 48 : index
      %parallel_loop3A_630 = tpu.vector_load %arg20[%parallel_loop3A_628, %parallel_loop3A_629] {strides = array<i32>} : memref<512x64xf32, #tpu.memory_space<vmem>>, vector<16xf32>,
      tpu.vector_store %arg20[%parallel_loop3A_628, %parallel_loop3A_629], %parallel_loop3A_627 {strides = array<i32>} : memref<512x64xf32, #tpu.memory_space<vmem>>, vector<16xf32>,
      %parallel_loop3A_631 = vector.extract_strided_slice %parallel_loop3A_243 {offsets = [8], sizes = [1], strides = [1]} : vector<16xi32> to vector<1xi32>
      %parallel_loop3A_632 = vector.extract %parallel_loop3A_631[0] : i32 from vector<1xi32>
      %parallel_loop3A_633 = vector.extract_strided_slice %parallel_loop3A_246 {offsets = [8], sizes = [1], strides = [1]} : vector<16xi32> to vector<1xi32>
      %parallel_loop3A_634 = vector.extract %parallel_loop3A_633[0] : i32 from vector<1xi32>
      %parallel_loop3A_635 = arith.constant 16 : i32
      %parallel_loop3A_636 = arith.muli %parallel_loop3A_230, %parallel_loop3A_635 : i32
      %parallel_loop3A_637 = arith.constant 8 : i32
      %parallel_loop3A_638 = arith.addi %parallel_loop3A_636, %parallel_loop3A_637 : i32
      %parallel_loop3A_639 = arith.index_cast %parallel_loop3A_638 : i32 to index
      %parallel_loop3A_640 = arith.constant 0 : index
      %parallel_loop3A_641 = tpu.vector_load %arg20[%parallel_loop3A_639, %parallel_loop3A_640] {strides = array<i32>} : memref<512x64xf32, #tpu.memory_space<vmem>>, vector<16xf32>,
      %parallel_loop3A_642 = arith.index_cast %parallel_loop3A_632 : i32 to index
      %parallel_loop3A_643 = tpu.vector_load %arg18[%parallel_loop3A_642] {strides = array<i32>} : memref<16384xf32, #tpu.memory_space<vmem>>, vector<16xf32>,
      %parallel_loop3A_644 = arith.addf %parallel_loop3A_641, %parallel_loop3A_643 : vector<16xf32>
      %parallel_loop3A_645 = arith.index_cast %parallel_loop3A_638 : i32 to index
      %parallel_loop3A_646 = arith.constant 0 : index
      %parallel_loop3A_647 = tpu.vector_load %arg20[%parallel_loop3A_645, %parallel_loop3A_646] {strides = array<i32>} : memref<512x64xf32, #tpu.memory_space<vmem>>, vector<16xf32>,
      tpu.vector_store %arg20[%parallel_loop3A_645, %parallel_loop3A_646], %parallel_loop3A_644 {strides = array<i32>} : memref<512x64xf32, #tpu.memory_space<vmem>>, vector<16xf32>,
      %parallel_loop3A_648 = arith.index_cast %parallel_loop3A_638 : i32 to index
      %parallel_loop3A_649 = arith.constant 16 : index
      %parallel_loop3A_650 = tpu.vector_load %arg20[%parallel_loop3A_648, %parallel_loop3A_649] {strides = array<i32>} : memref<512x64xf32, #tpu.memory_space<vmem>>, vector<16xf32>,
      %parallel_loop3A_651 = arith.constant 16 : i32
      %parallel_loop3A_652 = arith.addi %parallel_loop3A_632, %parallel_loop3A_651 : i32
      %parallel_loop3A_653 = arith.index_cast %parallel_loop3A_652 : i32 to index
      %parallel_loop3A_654 = tpu.vector_load %arg18[%parallel_loop3A_653] {strides = array<i32>} : memref<16384xf32, #tpu.memory_space<vmem>>, vector<16xf32>,
      %parallel_loop3A_655 = arith.addf %parallel_loop3A_650, %parallel_loop3A_654 : vector<16xf32>
      %parallel_loop3A_656 = arith.index_cast %parallel_loop3A_638 : i32 to index
      %parallel_loop3A_657 = arith.constant 16 : index
      %parallel_loop3A_658 = tpu.vector_load %arg20[%parallel_loop3A_656, %parallel_loop3A_657] {strides = array<i32>} : memref<512x64xf32, #tpu.memory_space<vmem>>, vector<16xf32>,
      tpu.vector_store %arg20[%parallel_loop3A_656, %parallel_loop3A_657], %parallel_loop3A_655 {strides = array<i32>} : memref<512x64xf32, #tpu.memory_space<vmem>>, vector<16xf32>,
      %parallel_loop3A_659 = arith.index_cast %parallel_loop3A_638 : i32 to index
      %parallel_loop3A_660 = arith.constant 32 : index
      %parallel_loop3A_661 = tpu.vector_load %arg20[%parallel_loop3A_659, %parallel_loop3A_660] {strides = array<i32>} : memref<512x64xf32, #tpu.memory_space<vmem>>, vector<16xf32>,
      %parallel_loop3A_662 = arith.index_cast %parallel_loop3A_634 : i32 to index
      %parallel_loop3A_663 = tpu.vector_load %arg19[%parallel_loop3A_662] {strides = array<i32>} : memref<16384xf32, #tpu.memory_space<vmem>>, vector<16xf32>,
      %parallel_loop3A_664 = arith.addf %parallel_loop3A_661, %parallel_loop3A_663 : vector<16xf32>
      %parallel_loop3A_665 = arith.index_cast %parallel_loop3A_638 : i32 to index
      %parallel_loop3A_666 = arith.constant 32 : index
      %parallel_loop3A_667 = tpu.vector_load %arg20[%parallel_loop3A_665, %parallel_loop3A_666] {strides = array<i32>} : memref<512x64xf32, #tpu.memory_space<vmem>>, vector<16xf32>,
      tpu.vector_store %arg20[%parallel_loop3A_665, %parallel_loop3A_666], %parallel_loop3A_664 {strides = array<i32>} : memref<512x64xf32, #tpu.memory_space<vmem>>, vector<16xf32>,
      %parallel_loop3A_668 = arith.index_cast %parallel_loop3A_638 : i32 to index
      %parallel_loop3A_669 = arith.constant 48 : index
      %parallel_loop3A_670 = tpu.vector_load %arg20[%parallel_loop3A_668, %parallel_loop3A_669] {strides = array<i32>} : memref<512x64xf32, #tpu.memory_space<vmem>>, vector<16xf32>,
      %parallel_loop3A_671 = arith.constant 16 : i32
      %parallel_loop3A_672 = arith.addi %parallel_loop3A_634, %parallel_loop3A_671 : i32
      %parallel_loop3A_673 = arith.index_cast %parallel_loop3A_672 : i32 to index
      %parallel_loop3A_674 = tpu.vector_load %arg19[%parallel_loop3A_673] {strides = array<i32>} : memref<16384xf32, #tpu.memory_space<vmem>>, vector<16xf32>,
      %parallel_loop3A_675 = arith.addf %parallel_loop3A_670, %parallel_loop3A_674 : vector<16xf32>
      %parallel_loop3A_676 = arith.index_cast %parallel_loop3A_638 : i32 to index
      %parallel_loop3A_677 = arith.constant 48 : index
      %parallel_loop3A_678 = tpu.vector_load %arg20[%parallel_loop3A_676, %parallel_loop3A_677] {strides = array<i32>} : memref<512x64xf32, #tpu.memory_space<vmem>>, vector<16xf32>,
      tpu.vector_store %arg20[%parallel_loop3A_676, %parallel_loop3A_677], %parallel_loop3A_675 {strides = array<i32>} : memref<512x64xf32, #tpu.memory_space<vmem>>, vector<16xf32>,
      %parallel_loop3A_679 = vector.extract_strided_slice %parallel_loop3A_243 {offsets = [9], sizes = [1], strides = [1]} : vector<16xi32> to vector<1xi32>
      %parallel_loop3A_680 = vector.extract %parallel_loop3A_679[0] : i32 from vector<1xi32>
      %parallel_loop3A_681 = vector.extract_strided_slice %parallel_loop3A_246 {offsets = [9], sizes = [1], strides = [1]} : vector<16xi32> to vector<1xi32>
      %parallel_loop3A_682 = vector.extract %parallel_loop3A_681[0] : i32 from vector<1xi32>
      %parallel_loop3A_683 = arith.constant 16 : i32
      %parallel_loop3A_684 = arith.muli %parallel_loop3A_230, %parallel_loop3A_683 : i32
      %parallel_loop3A_685 = arith.constant 9 : i32
      %parallel_loop3A_686 = arith.addi %parallel_loop3A_684, %parallel_loop3A_685 : i32
      %parallel_loop3A_687 = arith.index_cast %parallel_loop3A_686 : i32 to index
      %parallel_loop3A_688 = arith.constant 0 : index
      %parallel_loop3A_689 = tpu.vector_load %arg20[%parallel_loop3A_687, %parallel_loop3A_688] {strides = array<i32>} : memref<512x64xf32, #tpu.memory_space<vmem>>, vector<16xf32>,
      %parallel_loop3A_690 = arith.index_cast %parallel_loop3A_680 : i32 to index
      %parallel_loop3A_691 = tpu.vector_load %arg18[%parallel_loop3A_690] {strides = array<i32>} : memref<16384xf32, #tpu.memory_space<vmem>>, vector<16xf32>,
      %parallel_loop3A_692 = arith.addf %parallel_loop3A_689, %parallel_loop3A_691 : vector<16xf32>
      %parallel_loop3A_693 = arith.index_cast %parallel_loop3A_686 : i32 to index
      %parallel_loop3A_694 = arith.constant 0 : index
      %parallel_loop3A_695 = tpu.vector_load %arg20[%parallel_loop3A_693, %parallel_loop3A_694] {strides = array<i32>} : memref<512x64xf32, #tpu.memory_space<vmem>>, vector<16xf32>,
      tpu.vector_store %arg20[%parallel_loop3A_693, %parallel_loop3A_694], %parallel_loop3A_692 {strides = array<i32>} : memref<512x64xf32, #tpu.memory_space<vmem>>, vector<16xf32>,
      %parallel_loop3A_696 = arith.index_cast %parallel_loop3A_686 : i32 to index
      %parallel_loop3A_697 = arith.constant 16 : index
      %parallel_loop3A_698 = tpu.vector_load %arg20[%parallel_loop3A_696, %parallel_loop3A_697] {strides = array<i32>} : memref<512x64xf32, #tpu.memory_space<vmem>>, vector<16xf32>,
      %parallel_loop3A_699 = arith.constant 16 : i32
      %parallel_loop3A_700 = arith.addi %parallel_loop3A_680, %parallel_loop3A_699 : i32
      %parallel_loop3A_701 = arith.index_cast %parallel_loop3A_700 : i32 to index
      %parallel_loop3A_702 = tpu.vector_load %arg18[%parallel_loop3A_701] {strides = array<i32>} : memref<16384xf32, #tpu.memory_space<vmem>>, vector<16xf32>,
      %parallel_loop3A_703 = arith.addf %parallel_loop3A_698, %parallel_loop3A_702 : vector<16xf32>
      %parallel_loop3A_704 = arith.index_cast %parallel_loop3A_686 : i32 to index
      %parallel_loop3A_705 = arith.constant 16 : index
      %parallel_loop3A_706 = tpu.vector_load %arg20[%parallel_loop3A_704, %parallel_loop3A_705] {strides = array<i32>} : memref<512x64xf32, #tpu.memory_space<vmem>>, vector<16xf32>,
      tpu.vector_store %arg20[%parallel_loop3A_704, %parallel_loop3A_705], %parallel_loop3A_703 {strides = array<i32>} : memref<512x64xf32, #tpu.memory_space<vmem>>, vector<16xf32>,
      %parallel_loop3A_707 = arith.index_cast %parallel_loop3A_686 : i32 to index
      %parallel_loop3A_708 = arith.constant 32 : index
      %parallel_loop3A_709 = tpu.vector_load %arg20[%parallel_loop3A_707, %parallel_loop3A_708] {strides = array<i32>} : memref<512x64xf32, #tpu.memory_space<vmem>>, vector<16xf32>,
      %parallel_loop3A_710 = arith.index_cast %parallel_loop3A_682 : i32 to index
      %parallel_loop3A_711 = tpu.vector_load %arg19[%parallel_loop3A_710] {strides = array<i32>} : memref<16384xf32, #tpu.memory_space<vmem>>, vector<16xf32>,
      %parallel_loop3A_712 = arith.addf %parallel_loop3A_709, %parallel_loop3A_711 : vector<16xf32>
      %parallel_loop3A_713 = arith.index_cast %parallel_loop3A_686 : i32 to index
      %parallel_loop3A_714 = arith.constant 32 : index
      %parallel_loop3A_715 = tpu.vector_load %arg20[%parallel_loop3A_713, %parallel_loop3A_714] {strides = array<i32>} : memref<512x64xf32, #tpu.memory_space<vmem>>, vector<16xf32>,
      tpu.vector_store %arg20[%parallel_loop3A_713, %parallel_loop3A_714], %parallel_loop3A_712 {strides = array<i32>} : memref<512x64xf32, #tpu.memory_space<vmem>>, vector<16xf32>,
      %parallel_loop3A_716 = arith.index_cast %parallel_loop3A_686 : i32 to index
      %parallel_loop3A_717 = arith.constant 48 : index
      %parallel_loop3A_718 = tpu.vector_load %arg20[%parallel_loop3A_716, %parallel_loop3A_717] {strides = array<i32>} : memref<512x64xf32, #tpu.memory_space<vmem>>, vector<16xf32>,
      %parallel_loop3A_719 = arith.constant 16 : i32
      %parallel_loop3A_720 = arith.addi %parallel_loop3A_682, %parallel_loop3A_719 : i32
      %parallel_loop3A_721 = arith.index_cast %parallel_loop3A_720 : i32 to index
      %parallel_loop3A_722 = tpu.vector_load %arg19[%parallel_loop3A_721] {strides = array<i32>} : memref<16384xf32, #tpu.memory_space<vmem>>, vector<16xf32>,
      %parallel_loop3A_723 = arith.addf %parallel_loop3A_718, %parallel_loop3A_722 : vector<16xf32>
      %parallel_loop3A_724 = arith.index_cast %parallel_loop3A_686 : i32 to index
      %parallel_loop3A_725 = arith.constant 48 : index
      %parallel_loop3A_726 = tpu.vector_load %arg20[%parallel_loop3A_724, %parallel_loop3A_725] {strides = array<i32>} : memref<512x64xf32, #tpu.memory_space<vmem>>, vector<16xf32>,
      tpu.vector_store %arg20[%parallel_loop3A_724, %parallel_loop3A_725], %parallel_loop3A_723 {strides = array<i32>} : memref<512x64xf32, #tpu.memory_space<vmem>>, vector<16xf32>,
      %parallel_loop3A_727 = vector.extract_strided_slice %parallel_loop3A_243 {offsets = [10], sizes = [1], strides = [1]} : vector<16xi32> to vector<1xi32>
      %parallel_loop3A_728 = vector.extract %parallel_loop3A_727[0] : i32 from vector<1xi32>
      %parallel_loop3A_729 = vector.extract_strided_slice %parallel_loop3A_246 {offsets = [10], sizes = [1], strides = [1]} : vector<16xi32> to vector<1xi32>
      %parallel_loop3A_730 = vector.extract %parallel_loop3A_729[0] : i32 from vector<1xi32>
      %parallel_loop3A_731 = arith.constant 16 : i32
      %parallel_loop3A_732 = arith.muli %parallel_loop3A_230, %parallel_loop3A_731 : i32
      %parallel_loop3A_733 = arith.constant 10 : i32
      %parallel_loop3A_734 = arith.addi %parallel_loop3A_732, %parallel_loop3A_733 : i32
      %parallel_loop3A_735 = arith.index_cast %parallel_loop3A_734 : i32 to index
      %parallel_loop3A_736 = arith.constant 0 : index
      %parallel_loop3A_737 = tpu.vector_load %arg20[%parallel_loop3A_735, %parallel_loop3A_736] {strides = array<i32>} : memref<512x64xf32, #tpu.memory_space<vmem>>, vector<16xf32>,
      %parallel_loop3A_738 = arith.index_cast %parallel_loop3A_728 : i32 to index
      %parallel_loop3A_739 = tpu.vector_load %arg18[%parallel_loop3A_738] {strides = array<i32>} : memref<16384xf32, #tpu.memory_space<vmem>>, vector<16xf32>,
      %parallel_loop3A_740 = arith.addf %parallel_loop3A_737, %parallel_loop3A_739 : vector<16xf32>
      %parallel_loop3A_741 = arith.index_cast %parallel_loop3A_734 : i32 to index
      %parallel_loop3A_742 = arith.constant 0 : index
      %parallel_loop3A_743 = tpu.vector_load %arg20[%parallel_loop3A_741, %parallel_loop3A_742] {strides = array<i32>} : memref<512x64xf32, #tpu.memory_space<vmem>>, vector<16xf32>,
      tpu.vector_store %arg20[%parallel_loop3A_741, %parallel_loop3A_742], %parallel_loop3A_740 {strides = array<i32>} : memref<512x64xf32, #tpu.memory_space<vmem>>, vector<16xf32>,
      %parallel_loop3A_744 = arith.index_cast %parallel_loop3A_734 : i32 to index
      %parallel_loop3A_745 = arith.constant 16 : index
      %parallel_loop3A_746 = tpu.vector_load %arg20[%parallel_loop3A_744, %parallel_loop3A_745] {strides = array<i32>} : memref<512x64xf32, #tpu.memory_space<vmem>>, vector<16xf32>,
      %parallel_loop3A_747 = arith.constant 16 : i32
      %parallel_loop3A_748 = arith.addi %parallel_loop3A_728, %parallel_loop3A_747 : i32
      %parallel_loop3A_749 = arith.index_cast %parallel_loop3A_748 : i32 to index
      %parallel_loop3A_750 = tpu.vector_load %arg18[%parallel_loop3A_749] {strides = array<i32>} : memref<16384xf32, #tpu.memory_space<vmem>>, vector<16xf32>,
      %parallel_loop3A_751 = arith.addf %parallel_loop3A_746, %parallel_loop3A_750 : vector<16xf32>
      %parallel_loop3A_752 = arith.index_cast %parallel_loop3A_734 : i32 to index
      %parallel_loop3A_753 = arith.constant 16 : index
      %parallel_loop3A_754 = tpu.vector_load %arg20[%parallel_loop3A_752, %parallel_loop3A_753] {strides = array<i32>} : memref<512x64xf32, #tpu.memory_space<vmem>>, vector<16xf32>,
      tpu.vector_store %arg20[%parallel_loop3A_752, %parallel_loop3A_753], %parallel_loop3A_751 {strides = array<i32>} : memref<512x64xf32, #tpu.memory_space<vmem>>, vector<16xf32>,
      %parallel_loop3A_755 = arith.index_cast %parallel_loop3A_734 : i32 to index
      %parallel_loop3A_756 = arith.constant 32 : index
      %parallel_loop3A_757 = tpu.vector_load %arg20[%parallel_loop3A_755, %parallel_loop3A_756] {strides = array<i32>} : memref<512x64xf32, #tpu.memory_space<vmem>>, vector<16xf32>,
      %parallel_loop3A_758 = arith.index_cast %parallel_loop3A_730 : i32 to index
      %parallel_loop3A_759 = tpu.vector_load %arg19[%parallel_loop3A_758] {strides = array<i32>} : memref<16384xf32, #tpu.memory_space<vmem>>, vector<16xf32>,
      %parallel_loop3A_760 = arith.addf %parallel_loop3A_757, %parallel_loop3A_759 : vector<16xf32>
      %parallel_loop3A_761 = arith.index_cast %parallel_loop3A_734 : i32 to index
      %parallel_loop3A_762 = arith.constant 32 : index
      %parallel_loop3A_763 = tpu.vector_load %arg20[%parallel_loop3A_761, %parallel_loop3A_762] {strides = array<i32>} : memref<512x64xf32, #tpu.memory_space<vmem>>, vector<16xf32>,
      tpu.vector_store %arg20[%parallel_loop3A_761, %parallel_loop3A_762], %parallel_loop3A_760 {strides = array<i32>} : memref<512x64xf32, #tpu.memory_space<vmem>>, vector<16xf32>,
      %parallel_loop3A_764 = arith.index_cast %parallel_loop3A_734 : i32 to index
      %parallel_loop3A_765 = arith.constant 48 : index
      %parallel_loop3A_766 = tpu.vector_load %arg20[%parallel_loop3A_764, %parallel_loop3A_765] {strides = array<i32>} : memref<512x64xf32, #tpu.memory_space<vmem>>, vector<16xf32>,
      %parallel_loop3A_767 = arith.constant 16 : i32
      %parallel_loop3A_768 = arith.addi %parallel_loop3A_730, %parallel_loop3A_767 : i32
      %parallel_loop3A_769 = arith.index_cast %parallel_loop3A_768 : i32 to index
      %parallel_loop3A_770 = tpu.vector_load %arg19[%parallel_loop3A_769] {strides = array<i32>} : memref<16384xf32, #tpu.memory_space<vmem>>, vector<16xf32>,
      %parallel_loop3A_771 = arith.addf %parallel_loop3A_766, %parallel_loop3A_770 : vector<16xf32>
      %parallel_loop3A_772 = arith.index_cast %parallel_loop3A_734 : i32 to index
      %parallel_loop3A_773 = arith.constant 48 : index
      %parallel_loop3A_774 = tpu.vector_load %arg20[%parallel_loop3A_772, %parallel_loop3A_773] {strides = array<i32>} : memref<512x64xf32, #tpu.memory_space<vmem>>, vector<16xf32>,
      tpu.vector_store %arg20[%parallel_loop3A_772, %parallel_loop3A_773], %parallel_loop3A_771 {strides = array<i32>} : memref<512x64xf32, #tpu.memory_space<vmem>>, vector<16xf32>,
      %parallel_loop3A_775 = vector.extract_strided_slice %parallel_loop3A_243 {offsets = [11], sizes = [1], strides = [1]} : vector<16xi32> to vector<1xi32>
      %parallel_loop3A_776 = vector.extract %parallel_loop3A_775[0] : i32 from vector<1xi32>
      %parallel_loop3A_777 = vector.extract_strided_slice %parallel_loop3A_246 {offsets = [11], sizes = [1], strides = [1]} : vector<16xi32> to vector<1xi32>
      %parallel_loop3A_778 = vector.extract %parallel_loop3A_777[0] : i32 from vector<1xi32>
      %parallel_loop3A_779 = arith.constant 16 : i32
      %parallel_loop3A_780 = arith.muli %parallel_loop3A_230, %parallel_loop3A_779 : i32
      %parallel_loop3A_781 = arith.constant 11 : i32
      %parallel_loop3A_782 = arith.addi %parallel_loop3A_780, %parallel_loop3A_781 : i32
      %parallel_loop3A_783 = arith.index_cast %parallel_loop3A_782 : i32 to index
      %parallel_loop3A_784 = arith.constant 0 : index
      %parallel_loop3A_785 = tpu.vector_load %arg20[%parallel_loop3A_783, %parallel_loop3A_784] {strides = array<i32>} : memref<512x64xf32, #tpu.memory_space<vmem>>, vector<16xf32>,
      %parallel_loop3A_786 = arith.index_cast %parallel_loop3A_776 : i32 to index
      %parallel_loop3A_787 = tpu.vector_load %arg18[%parallel_loop3A_786] {strides = array<i32>} : memref<16384xf32, #tpu.memory_space<vmem>>, vector<16xf32>,
      %parallel_loop3A_788 = arith.addf %parallel_loop3A_785, %parallel_loop3A_787 : vector<16xf32>
      %parallel_loop3A_789 = arith.index_cast %parallel_loop3A_782 : i32 to index
      %parallel_loop3A_790 = arith.constant 0 : index
      %parallel_loop3A_791 = tpu.vector_load %arg20[%parallel_loop3A_789, %parallel_loop3A_790] {strides = array<i32>} : memref<512x64xf32, #tpu.memory_space<vmem>>, vector<16xf32>,
      tpu.vector_store %arg20[%parallel_loop3A_789, %parallel_loop3A_790], %parallel_loop3A_788 {strides = array<i32>} : memref<512x64xf32, #tpu.memory_space<vmem>>, vector<16xf32>,
      %parallel_loop3A_792 = arith.index_cast %parallel_loop3A_782 : i32 to index
      %parallel_loop3A_793 = arith.constant 16 : index
      %parallel_loop3A_794 = tpu.vector_load %arg20[%parallel_loop3A_792, %parallel_loop3A_793] {strides = array<i32>} : memref<512x64xf32, #tpu.memory_space<vmem>>, vector<16xf32>,
      %parallel_loop3A_795 = arith.constant 16 : i32
      %parallel_loop3A_796 = arith.addi %parallel_loop3A_776, %parallel_loop3A_795 : i32
      %parallel_loop3A_797 = arith.index_cast %parallel_loop3A_796 : i32 to index
      %parallel_loop3A_798 = tpu.vector_load %arg18[%parallel_loop3A_797] {strides = array<i32>} : memref<16384xf32, #tpu.memory_space<vmem>>, vector<16xf32>,
      %parallel_loop3A_799 = arith.addf %parallel_loop3A_794, %parallel_loop3A_798 : vector<16xf32>
      %parallel_loop3A_800 = arith.index_cast %parallel_loop3A_782 : i32 to index
      %parallel_loop3A_801 = arith.constant 16 : index
      %parallel_loop3A_802 = tpu.vector_load %arg20[%parallel_loop3A_800, %parallel_loop3A_801] {strides = array<i32>} : memref<512x64xf32, #tpu.memory_space<vmem>>, vector<16xf32>,
      tpu.vector_store %arg20[%parallel_loop3A_800, %parallel_loop3A_801], %parallel_loop3A_799 {strides = array<i32>} : memref<512x64xf32, #tpu.memory_space<vmem>>, vector<16xf32>,
      %parallel_loop3A_803 = arith.index_cast %parallel_loop3A_782 : i32 to index
      %parallel_loop3A_804 = arith.constant 32 : index
      %parallel_loop3A_805 = tpu.vector_load %arg20[%parallel_loop3A_803, %parallel_loop3A_804] {strides = array<i32>} : memref<512x64xf32, #tpu.memory_space<vmem>>, vector<16xf32>,
      %parallel_loop3A_806 = arith.index_cast %parallel_loop3A_778 : i32 to index
      %parallel_loop3A_807 = tpu.vector_load %arg19[%parallel_loop3A_806] {strides = array<i32>} : memref<16384xf32, #tpu.memory_space<vmem>>, vector<16xf32>,
      %parallel_loop3A_808 = arith.addf %parallel_loop3A_805, %parallel_loop3A_807 : vector<16xf32>
      %parallel_loop3A_809 = arith.index_cast %parallel_loop3A_782 : i32 to index
      %parallel_loop3A_810 = arith.constant 32 : index
      %parallel_loop3A_811 = tpu.vector_load %arg20[%parallel_loop3A_809, %parallel_loop3A_810] {strides = array<i32>} : memref<512x64xf32, #tpu.memory_space<vmem>>, vector<16xf32>,
      tpu.vector_store %arg20[%parallel_loop3A_809, %parallel_loop3A_810], %parallel_loop3A_808 {strides = array<i32>} : memref<512x64xf32, #tpu.memory_space<vmem>>, vector<16xf32>,
      %parallel_loop3A_812 = arith.index_cast %parallel_loop3A_782 : i32 to index
      %parallel_loop3A_813 = arith.constant 48 : index
      %parallel_loop3A_814 = tpu.vector_load %arg20[%parallel_loop3A_812, %parallel_loop3A_813] {strides = array<i32>} : memref<512x64xf32, #tpu.memory_space<vmem>>, vector<16xf32>,
      %parallel_loop3A_815 = arith.constant 16 : i32
      %parallel_loop3A_816 = arith.addi %parallel_loop3A_778, %parallel_loop3A_815 : i32
      %parallel_loop3A_817 = arith.index_cast %parallel_loop3A_816 : i32 to index
      %parallel_loop3A_818 = tpu.vector_load %arg19[%parallel_loop3A_817] {strides = array<i32>} : memref<16384xf32, #tpu.memory_space<vmem>>, vector<16xf32>,
      %parallel_loop3A_819 = arith.addf %parallel_loop3A_814, %parallel_loop3A_818 : vector<16xf32>
      %parallel_loop3A_820 = arith.index_cast %parallel_loop3A_782 : i32 to index
      %parallel_loop3A_821 = arith.constant 48 : index
      %parallel_loop3A_822 = tpu.vector_load %arg20[%parallel_loop3A_820, %parallel_loop3A_821] {strides = array<i32>} : memref<512x64xf32, #tpu.memory_space<vmem>>, vector<16xf32>,
      tpu.vector_store %arg20[%parallel_loop3A_820, %parallel_loop3A_821], %parallel_loop3A_819 {strides = array<i32>} : memref<512x64xf32, #tpu.memory_space<vmem>>, vector<16xf32>,
      %parallel_loop3A_823 = vector.extract_strided_slice %parallel_loop3A_243 {offsets = [12], sizes = [1], strides = [1]} : vector<16xi32> to vector<1xi32>
      %parallel_loop3A_824 = vector.extract %parallel_loop3A_823[0] : i32 from vector<1xi32>
      %parallel_loop3A_825 = vector.extract_strided_slice %parallel_loop3A_246 {offsets = [12], sizes = [1], strides = [1]} : vector<16xi32> to vector<1xi32>
      %parallel_loop3A_826 = vector.extract %parallel_loop3A_825[0] : i32 from vector<1xi32>
      %parallel_loop3A_827 = arith.constant 16 : i32
      %parallel_loop3A_828 = arith.muli %parallel_loop3A_230, %parallel_loop3A_827 : i32
      %parallel_loop3A_829 = arith.constant 12 : i32
      %parallel_loop3A_830 = arith.addi %parallel_loop3A_828, %parallel_loop3A_829 : i32
      %parallel_loop3A_831 = arith.index_cast %parallel_loop3A_830 : i32 to index
      %parallel_loop3A_832 = arith.constant 0 : index
      %parallel_loop3A_833 = tpu.vector_load %arg20[%parallel_loop3A_831, %parallel_loop3A_832] {strides = array<i32>} : memref<512x64xf32, #tpu.memory_space<vmem>>, vector<16xf32>,
      %parallel_loop3A_834 = arith.index_cast %parallel_loop3A_824 : i32 to index
      %parallel_loop3A_835 = tpu.vector_load %arg18[%parallel_loop3A_834] {strides = array<i32>} : memref<16384xf32, #tpu.memory_space<vmem>>, vector<16xf32>,
      %parallel_loop3A_836 = arith.addf %parallel_loop3A_833, %parallel_loop3A_835 : vector<16xf32>
      %parallel_loop3A_837 = arith.index_cast %parallel_loop3A_830 : i32 to index
      %parallel_loop3A_838 = arith.constant 0 : index
      %parallel_loop3A_839 = tpu.vector_load %arg20[%parallel_loop3A_837, %parallel_loop3A_838] {strides = array<i32>} : memref<512x64xf32, #tpu.memory_space<vmem>>, vector<16xf32>,
      tpu.vector_store %arg20[%parallel_loop3A_837, %parallel_loop3A_838], %parallel_loop3A_836 {strides = array<i32>} : memref<512x64xf32, #tpu.memory_space<vmem>>, vector<16xf32>,
      %parallel_loop3A_840 = arith.index_cast %parallel_loop3A_830 : i32 to index
      %parallel_loop3A_841 = arith.constant 16 : index
      %parallel_loop3A_842 = tpu.vector_load %arg20[%parallel_loop3A_840, %parallel_loop3A_841] {strides = array<i32>} : memref<512x64xf32, #tpu.memory_space<vmem>>, vector<16xf32>,
      %parallel_loop3A_843 = arith.constant 16 : i32
      %parallel_loop3A_844 = arith.addi %parallel_loop3A_824, %parallel_loop3A_843 : i32
      %parallel_loop3A_845 = arith.index_cast %parallel_loop3A_844 : i32 to index
      %parallel_loop3A_846 = tpu.vector_load %arg18[%parallel_loop3A_845] {strides = array<i32>} : memref<16384xf32, #tpu.memory_space<vmem>>, vector<16xf32>,
      %parallel_loop3A_847 = arith.addf %parallel_loop3A_842, %parallel_loop3A_846 : vector<16xf32>
      %parallel_loop3A_848 = arith.index_cast %parallel_loop3A_830 : i32 to index
      %parallel_loop3A_849 = arith.constant 16 : index
      %parallel_loop3A_850 = tpu.vector_load %arg20[%parallel_loop3A_848, %parallel_loop3A_849] {strides = array<i32>} : memref<512x64xf32, #tpu.memory_space<vmem>>, vector<16xf32>,
      tpu.vector_store %arg20[%parallel_loop3A_848, %parallel_loop3A_849], %parallel_loop3A_847 {strides = array<i32>} : memref<512x64xf32, #tpu.memory_space<vmem>>, vector<16xf32>,
      %parallel_loop3A_851 = arith.index_cast %parallel_loop3A_830 : i32 to index
      %parallel_loop3A_852 = arith.constant 32 : index
      %parallel_loop3A_853 = tpu.vector_load %arg20[%parallel_loop3A_851, %parallel_loop3A_852] {strides = array<i32>} : memref<512x64xf32, #tpu.memory_space<vmem>>, vector<16xf32>,
      %parallel_loop3A_854 = arith.index_cast %parallel_loop3A_826 : i32 to index
      %parallel_loop3A_855 = tpu.vector_load %arg19[%parallel_loop3A_854] {strides = array<i32>} : memref<16384xf32, #tpu.memory_space<vmem>>, vector<16xf32>,
      %parallel_loop3A_856 = arith.addf %parallel_loop3A_853, %parallel_loop3A_855 : vector<16xf32>
      %parallel_loop3A_857 = arith.index_cast %parallel_loop3A_830 : i32 to index
      %parallel_loop3A_858 = arith.constant 32 : index
      %parallel_loop3A_859 = tpu.vector_load %arg20[%parallel_loop3A_857, %parallel_loop3A_858] {strides = array<i32>} : memref<512x64xf32, #tpu.memory_space<vmem>>, vector<16xf32>,
      tpu.vector_store %arg20[%parallel_loop3A_857, %parallel_loop3A_858], %parallel_loop3A_856 {strides = array<i32>} : memref<512x64xf32, #tpu.memory_space<vmem>>, vector<16xf32>,
      %parallel_loop3A_860 = arith.index_cast %parallel_loop3A_830 : i32 to index
      %parallel_loop3A_861 = arith.constant 48 : index
      %parallel_loop3A_862 = tpu.vector_load %arg20[%parallel_loop3A_860, %parallel_loop3A_861] {strides = array<i32>} : memref<512x64xf32, #tpu.memory_space<vmem>>, vector<16xf32>,
      %parallel_loop3A_863 = arith.constant 16 : i32
      %parallel_loop3A_864 = arith.addi %parallel_loop3A_826, %parallel_loop3A_863 : i32
      %parallel_loop3A_865 = arith.index_cast %parallel_loop3A_864 : i32 to index
      %parallel_loop3A_866 = tpu.vector_load %arg19[%parallel_loop3A_865] {strides = array<i32>} : memref<16384xf32, #tpu.memory_space<vmem>>, vector<16xf32>,
      %parallel_loop3A_867 = arith.addf %parallel_loop3A_862, %parallel_loop3A_866 : vector<16xf32>
      %parallel_loop3A_868 = arith.index_cast %parallel_loop3A_830 : i32 to index
      %parallel_loop3A_869 = arith.constant 48 : index
      %parallel_loop3A_870 = tpu.vector_load %arg20[%parallel_loop3A_868, %parallel_loop3A_869] {strides = array<i32>} : memref<512x64xf32, #tpu.memory_space<vmem>>, vector<16xf32>,
      tpu.vector_store %arg20[%parallel_loop3A_868, %parallel_loop3A_869], %parallel_loop3A_867 {strides = array<i32>} : memref<512x64xf32, #tpu.memory_space<vmem>>, vector<16xf32>,
      %parallel_loop3A_871 = vector.extract_strided_slice %parallel_loop3A_243 {offsets = [13], sizes = [1], strides = [1]} : vector<16xi32> to vector<1xi32>
      %parallel_loop3A_872 = vector.extract %parallel_loop3A_871[0] : i32 from vector<1xi32>
      %parallel_loop3A_873 = vector.extract_strided_slice %parallel_loop3A_246 {offsets = [13], sizes = [1], strides = [1]} : vector<16xi32> to vector<1xi32>
      %parallel_loop3A_874 = vector.extract %parallel_loop3A_873[0] : i32 from vector<1xi32>
      %parallel_loop3A_875 = arith.constant 16 : i32
      %parallel_loop3A_876 = arith.muli %parallel_loop3A_230, %parallel_loop3A_875 : i32
      %parallel_loop3A_877 = arith.constant 13 : i32
      %parallel_loop3A_878 = arith.addi %parallel_loop3A_876, %parallel_loop3A_877 : i32
      %parallel_loop3A_879 = arith.index_cast %parallel_loop3A_878 : i32 to index
      %parallel_loop3A_880 = arith.constant 0 : index
      %parallel_loop3A_881 = tpu.vector_load %arg20[%parallel_loop3A_879, %parallel_loop3A_880] {strides = array<i32>} : memref<512x64xf32, #tpu.memory_space<vmem>>, vector<16xf32>,
      %parallel_loop3A_882 = arith.index_cast %parallel_loop3A_872 : i32 to index
      %parallel_loop3A_883 = tpu.vector_load %arg18[%parallel_loop3A_882] {strides = array<i32>} : memref<16384xf32, #tpu.memory_space<vmem>>, vector<16xf32>,
      %parallel_loop3A_884 = arith.addf %parallel_loop3A_881, %parallel_loop3A_883 : vector<16xf32>
      %parallel_loop3A_885 = arith.index_cast %parallel_loop3A_878 : i32 to index
      %parallel_loop3A_886 = arith.constant 0 : index
      %parallel_loop3A_887 = tpu.vector_load %arg20[%parallel_loop3A_885, %parallel_loop3A_886] {strides = array<i32>} : memref<512x64xf32, #tpu.memory_space<vmem>>, vector<16xf32>,
      tpu.vector_store %arg20[%parallel_loop3A_885, %parallel_loop3A_886], %parallel_loop3A_884 {strides = array<i32>} : memref<512x64xf32, #tpu.memory_space<vmem>>, vector<16xf32>,
      %parallel_loop3A_888 = arith.index_cast %parallel_loop3A_878 : i32 to index
      %parallel_loop3A_889 = arith.constant 16 : index
      %parallel_loop3A_890 = tpu.vector_load %arg20[%parallel_loop3A_888, %parallel_loop3A_889] {strides = array<i32>} : memref<512x64xf32, #tpu.memory_space<vmem>>, vector<16xf32>,
      %parallel_loop3A_891 = arith.constant 16 : i32
      %parallel_loop3A_892 = arith.addi %parallel_loop3A_872, %parallel_loop3A_891 : i32
      %parallel_loop3A_893 = arith.index_cast %parallel_loop3A_892 : i32 to index
      %parallel_loop3A_894 = tpu.vector_load %arg18[%parallel_loop3A_893] {strides = array<i32>} : memref<16384xf32, #tpu.memory_space<vmem>>, vector<16xf32>,
      %parallel_loop3A_895 = arith.addf %parallel_loop3A_890, %parallel_loop3A_894 : vector<16xf32>
      %parallel_loop3A_896 = arith.index_cast %parallel_loop3A_878 : i32 to index
      %parallel_loop3A_897 = arith.constant 16 : index
      %parallel_loop3A_898 = tpu.vector_load %arg20[%parallel_loop3A_896, %parallel_loop3A_897] {strides = array<i32>} : memref<512x64xf32, #tpu.memory_space<vmem>>, vector<16xf32>,
      tpu.vector_store %arg20[%parallel_loop3A_896, %parallel_loop3A_897], %parallel_loop3A_895 {strides = array<i32>} : memref<512x64xf32, #tpu.memory_space<vmem>>, vector<16xf32>,
      %parallel_loop3A_899 = arith.index_cast %parallel_loop3A_878 : i32 to index
      %parallel_loop3A_900 = arith.constant 32 : index
      %parallel_loop3A_901 = tpu.vector_load %arg20[%parallel_loop3A_899, %parallel_loop3A_900] {strides = array<i32>} : memref<512x64xf32, #tpu.memory_space<vmem>>, vector<16xf32>,
      %parallel_loop3A_902 = arith.index_cast %parallel_loop3A_874 : i32 to index
      %parallel_loop3A_903 = tpu.vector_load %arg19[%parallel_loop3A_902] {strides = array<i32>} : memref<16384xf32, #tpu.memory_space<vmem>>, vector<16xf32>,
      %parallel_loop3A_904 = arith.addf %parallel_loop3A_901, %parallel_loop3A_903 : vector<16xf32>
      %parallel_loop3A_905 = arith.index_cast %parallel_loop3A_878 : i32 to index
      %parallel_loop3A_906 = arith.constant 32 : index
      %parallel_loop3A_907 = tpu.vector_load %arg20[%parallel_loop3A_905, %parallel_loop3A_906] {strides = array<i32>} : memref<512x64xf32, #tpu.memory_space<vmem>>, vector<16xf32>,
      tpu.vector_store %arg20[%parallel_loop3A_905, %parallel_loop3A_906], %parallel_loop3A_904 {strides = array<i32>} : memref<512x64xf32, #tpu.memory_space<vmem>>, vector<16xf32>,
      %parallel_loop3A_908 = arith.index_cast %parallel_loop3A_878 : i32 to index
      %parallel_loop3A_909 = arith.constant 48 : index
      %parallel_loop3A_910 = tpu.vector_load %arg20[%parallel_loop3A_908, %parallel_loop3A_909] {strides = array<i32>} : memref<512x64xf32, #tpu.memory_space<vmem>>, vector<16xf32>,
      %parallel_loop3A_911 = arith.constant 16 : i32
      %parallel_loop3A_912 = arith.addi %parallel_loop3A_874, %parallel_loop3A_911 : i32
      %parallel_loop3A_913 = arith.index_cast %parallel_loop3A_912 : i32 to index
      %parallel_loop3A_914 = tpu.vector_load %arg19[%parallel_loop3A_913] {strides = array<i32>} : memref<16384xf32, #tpu.memory_space<vmem>>, vector<16xf32>,
      %parallel_loop3A_915 = arith.addf %parallel_loop3A_910, %parallel_loop3A_914 : vector<16xf32>
      %parallel_loop3A_916 = arith.index_cast %parallel_loop3A_878 : i32 to index
      %parallel_loop3A_917 = arith.constant 48 : index
      %parallel_loop3A_918 = tpu.vector_load %arg20[%parallel_loop3A_916, %parallel_loop3A_917] {strides = array<i32>} : memref<512x64xf32, #tpu.memory_space<vmem>>, vector<16xf32>,
      tpu.vector_store %arg20[%parallel_loop3A_916, %parallel_loop3A_917], %parallel_loop3A_915 {strides = array<i32>} : memref<512x64xf32, #tpu.memory_space<vmem>>, vector<16xf32>,
      %parallel_loop3A_919 = vector.extract_strided_slice %parallel_loop3A_243 {offsets = [14], sizes = [1], strides = [1]} : vector<16xi32> to vector<1xi32>
      %parallel_loop3A_920 = vector.extract %parallel_loop3A_919[0] : i32 from vector<1xi32>
      %parallel_loop3A_921 = vector.extract_strided_slice %parallel_loop3A_246 {offsets = [14], sizes = [1], strides = [1]} : vector<16xi32> to vector<1xi32>
      %parallel_loop3A_922 = vector.extract %parallel_loop3A_921[0] : i32 from vector<1xi32>
      %parallel_loop3A_923 = arith.constant 16 : i32
      %parallel_loop3A_924 = arith.muli %parallel_loop3A_230, %parallel_loop3A_923 : i32
      %parallel_loop3A_925 = arith.constant 14 : i32
      %parallel_loop3A_926 = arith.addi %parallel_loop3A_924, %parallel_loop3A_925 : i32
      %parallel_loop3A_927 = arith.index_cast %parallel_loop3A_926 : i32 to index
      %parallel_loop3A_928 = arith.constant 0 : index
      %parallel_loop3A_929 = tpu.vector_load %arg20[%parallel_loop3A_927, %parallel_loop3A_928] {strides = array<i32>} : memref<512x64xf32, #tpu.memory_space<vmem>>, vector<16xf32>,
      %parallel_loop3A_930 = arith.index_cast %parallel_loop3A_920 : i32 to index
      %parallel_loop3A_931 = tpu.vector_load %arg18[%parallel_loop3A_930] {strides = array<i32>} : memref<16384xf32, #tpu.memory_space<vmem>>, vector<16xf32>,
      %parallel_loop3A_932 = arith.addf %parallel_loop3A_929, %parallel_loop3A_931 : vector<16xf32>
      %parallel_loop3A_933 = arith.index_cast %parallel_loop3A_926 : i32 to index
      %parallel_loop3A_934 = arith.constant 0 : index
      %parallel_loop3A_935 = tpu.vector_load %arg20[%parallel_loop3A_933, %parallel_loop3A_934] {strides = array<i32>} : memref<512x64xf32, #tpu.memory_space<vmem>>, vector<16xf32>,
      tpu.vector_store %arg20[%parallel_loop3A_933, %parallel_loop3A_934], %parallel_loop3A_932 {strides = array<i32>} : memref<512x64xf32, #tpu.memory_space<vmem>>, vector<16xf32>,
      %parallel_loop3A_936 = arith.index_cast %parallel_loop3A_926 : i32 to index
      %parallel_loop3A_937 = arith.constant 16 : index
      %parallel_loop3A_938 = tpu.vector_load %arg20[%parallel_loop3A_936, %parallel_loop3A_937] {strides = array<i32>} : memref<512x64xf32, #tpu.memory_space<vmem>>, vector<16xf32>,
      %parallel_loop3A_939 = arith.constant 16 : i32
      %parallel_loop3A_940 = arith.addi %parallel_loop3A_920, %parallel_loop3A_939 : i32
      %parallel_loop3A_941 = arith.index_cast %parallel_loop3A_940 : i32 to index
      %parallel_loop3A_942 = tpu.vector_load %arg18[%parallel_loop3A_941] {strides = array<i32>} : memref<16384xf32, #tpu.memory_space<vmem>>, vector<16xf32>,
      %parallel_loop3A_943 = arith.addf %parallel_loop3A_938, %parallel_loop3A_942 : vector<16xf32>
      %parallel_loop3A_944 = arith.index_cast %parallel_loop3A_926 : i32 to index
      %parallel_loop3A_945 = arith.constant 16 : index
      %parallel_loop3A_946 = tpu.vector_load %arg20[%parallel_loop3A_944, %parallel_loop3A_945] {strides = array<i32>} : memref<512x64xf32, #tpu.memory_space<vmem>>, vector<16xf32>,
      tpu.vector_store %arg20[%parallel_loop3A_944, %parallel_loop3A_945], %parallel_loop3A_943 {strides = array<i32>} : memref<512x64xf32, #tpu.memory_space<vmem>>, vector<16xf32>,
      %parallel_loop3A_947 = arith.index_cast %parallel_loop3A_926 : i32 to index
      %parallel_loop3A_948 = arith.constant 32 : index
      %parallel_loop3A_949 = tpu.vector_load %arg20[%parallel_loop3A_947, %parallel_loop3A_948] {strides = array<i32>} : memref<512x64xf32, #tpu.memory_space<vmem>>, vector<16xf32>,
      %parallel_loop3A_950 = arith.index_cast %parallel_loop3A_922 : i32 to index
      %parallel_loop3A_951 = tpu.vector_load %arg19[%parallel_loop3A_950] {strides = array<i32>} : memref<16384xf32, #tpu.memory_space<vmem>>, vector<16xf32>,
      %parallel_loop3A_952 = arith.addf %parallel_loop3A_949, %parallel_loop3A_951 : vector<16xf32>
      %parallel_loop3A_953 = arith.index_cast %parallel_loop3A_926 : i32 to index
      %parallel_loop3A_954 = arith.constant 32 : index
      %parallel_loop3A_955 = tpu.vector_load %arg20[%parallel_loop3A_953, %parallel_loop3A_954] {strides = array<i32>} : memref<512x64xf32, #tpu.memory_space<vmem>>, vector<16xf32>,
      tpu.vector_store %arg20[%parallel_loop3A_953, %parallel_loop3A_954], %parallel_loop3A_952 {strides = array<i32>} : memref<512x64xf32, #tpu.memory_space<vmem>>, vector<16xf32>,
      %parallel_loop3A_956 = arith.index_cast %parallel_loop3A_926 : i32 to index
      %parallel_loop3A_957 = arith.constant 48 : index
      %parallel_loop3A_958 = tpu.vector_load %arg20[%parallel_loop3A_956, %parallel_loop3A_957] {strides = array<i32>} : memref<512x64xf32, #tpu.memory_space<vmem>>, vector<16xf32>,
      %parallel_loop3A_959 = arith.constant 16 : i32
      %parallel_loop3A_960 = arith.addi %parallel_loop3A_922, %parallel_loop3A_959 : i32
      %parallel_loop3A_961 = arith.index_cast %parallel_loop3A_960 : i32 to index
      %parallel_loop3A_962 = tpu.vector_load %arg19[%parallel_loop3A_961] {strides = array<i32>} : memref<16384xf32, #tpu.memory_space<vmem>>, vector<16xf32>,
      %parallel_loop3A_963 = arith.addf %parallel_loop3A_958, %parallel_loop3A_962 : vector<16xf32>
      %parallel_loop3A_964 = arith.index_cast %parallel_loop3A_926 : i32 to index
      %parallel_loop3A_965 = arith.constant 48 : index
      %parallel_loop3A_966 = tpu.vector_load %arg20[%parallel_loop3A_964, %parallel_loop3A_965] {strides = array<i32>} : memref<512x64xf32, #tpu.memory_space<vmem>>, vector<16xf32>,
      tpu.vector_store %arg20[%parallel_loop3A_964, %parallel_loop3A_965], %parallel_loop3A_963 {strides = array<i32>} : memref<512x64xf32, #tpu.memory_space<vmem>>, vector<16xf32>,
      %parallel_loop3A_967 = vector.extract_strided_slice %parallel_loop3A_243 {offsets = [15], sizes = [1], strides = [1]} : vector<16xi32> to vector<1xi32>
      %parallel_loop3A_968 = vector.extract %parallel_loop3A_967[0] : i32 from vector<1xi32>
      %parallel_loop3A_969 = vector.extract_strided_slice %parallel_loop3A_246 {offsets = [15], sizes = [1], strides = [1]} : vector<16xi32> to vector<1xi32>
      %parallel_loop3A_970 = vector.extract %parallel_loop3A_969[0] : i32 from vector<1xi32>
      %parallel_loop3A_971 = arith.constant 16 : i32
      %parallel_loop3A_972 = arith.muli %parallel_loop3A_230, %parallel_loop3A_971 : i32
      %parallel_loop3A_973 = arith.constant 15 : i32
      %parallel_loop3A_974 = arith.addi %parallel_loop3A_972, %parallel_loop3A_973 : i32
      %parallel_loop3A_975 = arith.index_cast %parallel_loop3A_974 : i32 to index
      %parallel_loop3A_976 = arith.constant 0 : index
      %parallel_loop3A_977 = tpu.vector_load %arg20[%parallel_loop3A_975, %parallel_loop3A_976] {strides = array<i32>} : memref<512x64xf32, #tpu.memory_space<vmem>>, vector<16xf32>,
      %parallel_loop3A_978 = arith.index_cast %parallel_loop3A_968 : i32 to index
      %parallel_loop3A_979 = tpu.vector_load %arg18[%parallel_loop3A_978] {strides = array<i32>} : memref<16384xf32, #tpu.memory_space<vmem>>, vector<16xf32>,
      %parallel_loop3A_980 = arith.addf %parallel_loop3A_977, %parallel_loop3A_979 : vector<16xf32>
      %parallel_loop3A_981 = arith.index_cast %parallel_loop3A_974 : i32 to index
      %parallel_loop3A_982 = arith.constant 0 : index
      %parallel_loop3A_983 = tpu.vector_load %arg20[%parallel_loop3A_981, %parallel_loop3A_982] {strides = array<i32>} : memref<512x64xf32, #tpu.memory_space<vmem>>, vector<16xf32>,
      tpu.vector_store %arg20[%parallel_loop3A_981, %parallel_loop3A_982], %parallel_loop3A_980 {strides = array<i32>} : memref<512x64xf32, #tpu.memory_space<vmem>>, vector<16xf32>,
      %parallel_loop3A_984 = arith.index_cast %parallel_loop3A_974 : i32 to index
      %parallel_loop3A_985 = arith.constant 16 : index
      %parallel_loop3A_986 = tpu.vector_load %arg20[%parallel_loop3A_984, %parallel_loop3A_985] {strides = array<i32>} : memref<512x64xf32, #tpu.memory_space<vmem>>, vector<16xf32>,
      %parallel_loop3A_987 = arith.constant 16 : i32
      %parallel_loop3A_988 = arith.addi %parallel_loop3A_968, %parallel_loop3A_987 : i32
      %parallel_loop3A_989 = arith.index_cast %parallel_loop3A_988 : i32 to index
      %parallel_loop3A_990 = tpu.vector_load %arg18[%parallel_loop3A_989] {strides = array<i32>} : memref<16384xf32, #tpu.memory_space<vmem>>, vector<16xf32>,
      %parallel_loop3A_991 = arith.addf %parallel_loop3A_986, %parallel_loop3A_990 : vector<16xf32>
      %parallel_loop3A_992 = arith.index_cast %parallel_loop3A_974 : i32 to index
      %parallel_loop3A_993 = arith.constant 16 : index
      %parallel_loop3A_994 = tpu.vector_load %arg20[%parallel_loop3A_992, %parallel_loop3A_993] {strides = array<i32>} : memref<512x64xf32, #tpu.memory_space<vmem>>, vector<16xf32>,
      tpu.vector_store %arg20[%parallel_loop3A_992, %parallel_loop3A_993], %parallel_loop3A_991 {strides = array<i32>} : memref<512x64xf32, #tpu.memory_space<vmem>>, vector<16xf32>,
      %parallel_loop3A_995 = arith.index_cast %parallel_loop3A_974 : i32 to index
      %parallel_loop3A_996 = arith.constant 32 : index
      %parallel_loop3A_997 = tpu.vector_load %arg20[%parallel_loop3A_995, %parallel_loop3A_996] {strides = array<i32>} : memref<512x64xf32, #tpu.memory_space<vmem>>, vector<16xf32>,
      %parallel_loop3A_998 = arith.index_cast %parallel_loop3A_970 : i32 to index
      %parallel_loop3A_999 = tpu.vector_load %arg19[%parallel_loop3A_998] {strides = array<i32>} : memref<16384xf32, #tpu.memory_space<vmem>>, vector<16xf32>,
      %parallel_loop3A_1000 = arith.addf %parallel_loop3A_997, %parallel_loop3A_999 : vector<16xf32>
      %parallel_loop3A_1001 = arith.index_cast %parallel_loop3A_974 : i32 to index
      %parallel_loop3A_1002 = arith.constant 32 : index
      %parallel_loop3A_1003 = tpu.vector_load %arg20[%parallel_loop3A_1001, %parallel_loop3A_1002] {strides = array<i32>} : memref<512x64xf32, #tpu.memory_space<vmem>>, vector<16xf32>,
      tpu.vector_store %arg20[%parallel_loop3A_1001, %parallel_loop3A_1002], %parallel_loop3A_1000 {strides = array<i32>} : memref<512x64xf32, #tpu.memory_space<vmem>>, vector<16xf32>,
      %parallel_loop3A_1004 = arith.index_cast %parallel_loop3A_974 : i32 to index
      %parallel_loop3A_1005 = arith.constant 48 : index
      %parallel_loop3A_1006 = tpu.vector_load %arg20[%parallel_loop3A_1004, %parallel_loop3A_1005] {strides = array<i32>} : memref<512x64xf32, #tpu.memory_space<vmem>>, vector<16xf32>,
      %parallel_loop3A_1007 = arith.constant 16 : i32
      %parallel_loop3A_1008 = arith.addi %parallel_loop3A_970, %parallel_loop3A_1007 : i32
      %parallel_loop3A_1009 = arith.index_cast %parallel_loop3A_1008 : i32 to index
      %parallel_loop3A_1010 = tpu.vector_load %arg19[%parallel_loop3A_1009] {strides = array<i32>} : memref<16384xf32, #tpu.memory_space<vmem>>, vector<16xf32>,
      %parallel_loop3A_1011 = arith.addf %parallel_loop3A_1006, %parallel_loop3A_1010 : vector<16xf32>
      %parallel_loop3A_1012 = arith.index_cast %parallel_loop3A_974 : i32 to index
      %parallel_loop3A_1013 = arith.constant 48 : index
      %parallel_loop3A_1014 = tpu.vector_load %arg20[%parallel_loop3A_1012, %parallel_loop3A_1013] {strides = array<i32>} : memref<512x64xf32, #tpu.memory_space<vmem>>, vector<16xf32>,
      tpu.vector_store %arg20[%parallel_loop3A_1012, %parallel_loop3A_1013], %parallel_loop3A_1011 {strides = array<i32>} : memref<512x64xf32, #tpu.memory_space<vmem>>, vector<16xf32>,
    } {sc.loop_unroll_factor = 1 : i64, sc.parallel_access}
    "tpu.region"() ({
      %run_scoped3A = tpu.sem_alloc : memref<!tpu.dma_semaphore, #tpu.memory_space<semaphore_mem>>
      %dma_start3A_230 = arith.constant 0 : i32
      %dma_start3A_231 = tpu.memref_slice %arg7[%multiple_of3A, %dma_start3A_230] : memref<16384x64xf32, #tpu.memory_space<hbm>> -> memref<512x64xf32, #tpu.memory_space<hbm>>
      %dma_start3A_232 = arith.constant 0 : i32
      %dma_start3A_233 = tpu.memref_slice %arg7[%multiple_of3A, %dma_start3A_232] : memref<16384x64xf32, #tpu.memory_space<hbm>> -> memref<512x64xf32, #tpu.memory_space<hbm>>
      tpu.enqueue_dma source(%arg20 : memref<512x64xf32, #tpu.memory_space<vmem>>) target(%dma_start3A_233 : memref<512x64xf32, #tpu.memory_space<hbm>>) target_semaphore(%run_scoped3A : memref<!tpu.dma_semaphore, #tpu.memory_space<semaphore_mem>>)
      %dma_wait3A_234 = arith.constant 0 : i32
      %dma_wait3A_235 = tpu.memref_slice %arg7[%multiple_of3A, %dma_wait3A_234] : memref<16384x64xf32, #tpu.memory_space<hbm>> -> memref<512x64xf32, #tpu.memory_space<hbm>>
      %dma_wait3A_236 = arith.constant 0 : i32
      %dma_wait3A_237 = tpu.memref_slice %arg7[%multiple_of3A, %dma_wait3A_236] : memref<16384x64xf32, #tpu.memory_space<hbm>> -> memref<512x64xf32, #tpu.memory_space<hbm>>
      tpu.wait_dma2 semaphore(%run_scoped3A : memref<!tpu.dma_semaphore, #tpu.memory_space<semaphore_mem>>) src(%arg20 : memref<512x64xf32, #tpu.memory_space<vmem>>) dst(%dma_wait3A_237 : memref<512x64xf32, #tpu.memory_space<hbm>>)
      tpu.yield
    }) : () -> ()
    return
  }
}

</mosaic_0001>

<sc_bundles>
// kernel: kernel.3.cloned.1.call-start
scs
__scs_entry_jumppad:
0x0: {  	(pc) =	sbr.rel $0x88, $3  }
0x1: {  	(tag) =	ssettag $0x0;
	lr =	simm.s32 $0x1  }
0x2: {  	[smem:$0x3F9D] =	sst lr;
	_ =	strace $0xD0000000  }
0x3: {  	_ = 	snop  }
0x4: {  	_ = 	snop  }
0x5: {  	_ = 	snop  }
0x6: {  	_ = 	snop  }
0x7: {  	_ = 	snop  }
__scs_overlays_trampoline_lowered:
0x8: {  	[smem:$0x3FAC] =	sst s0  }
0x9: {  	[smem:$0x3FAD] =	sst s1  }
0xa: {  	[smem:$0x3FAE] =	sst s2  }
0xb: {  	[smem:$0x3FAF] =	sst s3  }
0xc: {  	[smem:$0x3FB0] =	sst s4  }
0xd: {  	[smem:$0x3FB1] =	sst s5  }
0xe: {  	[smem:$0x3FB2] =	sst s6  }
0xf: {  	[smem:$0x3FB3] =	sst s7  }
0x10: {  	[smem:$0x3FB4] =	sst s8  }
0x11: {  	[smem:$0x3FB5] =	sst s9;
	s0 =	simm.s32 @!p0 $0x0  }
0x12: {  	s1 =	sld [smem:$0x3F9B];
	s0 =	simm.s32 @p0 $0x1  }
0x13: {  	[smem:$0x3FB6] =	sst s0;
	s0 =	simm.s32 @!p1 $0x0  }
0x14: {  	s2 =	sld [smem:$0x3F9A];
	s0 =	simm.s32 @p1 $0x1  }
0x15: {  	[smem:$0x3FB7] =	sst s0;
	s0 =	simm.s32 @!p2 $0x0  }
0x16: {  	s3 =	sld [smem:$0x3FDB];
	s0 =	simm.s32 @p2 $0x1  }
0x17: {  	s4 =	simm.s32 $0x1BF5;
	[smem:$0x3FB9] =	sst s0  }
0x18: {  	s0 =	sld [smem:$0x3F9C];
	_ =	swait.ge [sflag:s4], $0x0  }
0x19: {  	s7 =	sld [smem:$0x3F9D]  }
0x1a: {  	s8 =	sadd.s32 $0xFFFFE003, lr  }
0x1b: {  	s9 =	sadd.s32 $0xFFFFFEF7, lr;
	s5 =	simm.s32 $0xFFFFFFFF;
	p2 =	slt.u32 s8, $0xFFFFF086  }
0x1c: {  	p1 =	slt.u32 s9, $0xF7A;
	s5 =	simm.s32 @!p2 $0x0  }
0x1d: {  	s5 =	simm.s32 @p1 $0x1;
	p0 =	seq.s32 s7, s2  }
0x1e: {  	s7 =	smul.u32 @!p0 $0xF7A, s2;
	p2 =	seq.s32 @!p0 s5, $0x0  }
0x1f: {  	s9 =	smul.u32 $0xF7A, s1;
	s8 =	simm.s32 @!p0 $0x1BF5;
	p2 =	por !p2, p0  }
0x20: {  	[sflag:s8] =	ssyncset.s32 @!p0 $0xFFFFF086;
	s6 =	sadd.s32 @!p0 s3, s7;
	s7 =	simm.s32 @!p0 $0x108  }
0x21: {  	s3 =	sadd.s32 s3, s9;
	s6 =	sadd.s32 @!p0 $0x88, s6;
	s7 =	simm.s32 @p2 $0x1082  }
0x22: {  	[simem:s7], [sflag:s8] =	dma.local @!p0 [hbm:s6], $0xF7A  }
0x23: {  	s9 =	sor.u32 $0xD0000000, s2;
	s6 =	simm.s32 $0x108;
	_ =	swait.ge @!p0 [sflag:s8], $0x0  }
0x24: {  	s3 =	sadd.s32 $0x88, s3;
	s6 =	simm.s32 @!p1 $0x1082;
	[sflag:s4] =	ssyncset.s32 $0xFFFFF086  }
0x25: {  	[simem:s6], [sflag:s4] =	dma.local [hbm:s3], $0xF7A  }
0x26: {  	[smem:$0x3F9D] =	sst s1;
	(tag) =	ssettag s2;
	_ =	strace s9  }
0x27: {  	s1 =	sld [smem:$0x3FAD]  }
0x28: {  	s2 =	sld [smem:$0x3FAE]  }
0x29: {  	s4 =	sld [smem:$0x3FB0]  }
0x2a: {  	p0 =	seq.s32 s5, $0x0;
	s5 =	sld [smem:$0x3FB1]  }
0x2b: {  	s6 =	sld [smem:$0x3FB2]  }
0x2c: {  	s7 =	sld [smem:$0x3FB3]  }
0x2d: {  	s3 =	simm.s32 $0x108;
	s8 =	sld [smem:$0x3FB4]  }
0x2e: {  	s3 =	simm.s32 @!p0 $0x1082;
	s9 =	sld [smem:$0x3FB5]  }
0x2f: {  	lr =	sadd.s32 s0, s3;
	s0 =	sld [smem:$0x3FAC]  }
0x30: {  	s3 =	sld [smem:$0x3FAF]  }
0x31: {  	[smem:$0x3FB8] =	sst s10  }
0x32: {  	s10 =	sld [smem:$0x3FB6];
	_ =	sdelay $0x3  }
0x33: {  	p0 =	seq.s32 s10, $0x1;
	s10 =	sld [smem:$0x3FB8];
	_ =	sdelay $0x3  }
0x34: {  	[smem:$0x3FB8] =	sst s10  }
0x35: {  	s10 =	sld [smem:$0x3FB7];
	_ =	sdelay $0x3  }
0x36: {  	p1 =	seq.s32 s10, $0x1;
	s10 =	sld [smem:$0x3FB8];
	_ =	sdelay $0x3  }
0x37: {  	[smem:$0x3FB8] =	sst s10  }
0x38: {  	s10 =	sld [smem:$0x3FB9]  }
0x39: {  	_ = 	snop;
	(pc) =	sbr.ind lr, $3  }
0x3a: {  	_ = 	snop  }
0x3b: {  	_ = 	snop  }
0x3c: {  	p2 =	seq.s32 s10, $0x1;
	s10 =	sld [smem:$0x3FB8]  }
0x3d: {  	_ =	shalt  }
0x3e: {  	_ =	shalt  }
0x3f: {  	_ =	shalt  }
0x40: {  	_ =	shalt  }
0x41: {  	_ =	shalt  }
0x42: {  	_ =	shalt  }
0x43: {  	_ =	shalt  }
0x44: {  	_ =	shalt  }
0x45: {  	_ =	shalt  }
0x46: {  	_ =	shalt  }
0x47: {  	_ =	shalt  }
0x48: {  	_ =	shalt  }
0x49: {  	_ =	shalt  }
0x4a: {  	_ =	shalt  }
0x4b: {  	_ =	shalt  }
0x4c: {  	_ =	shalt  }
0x4d: {  	_ =	shalt  }
0x4e: {  	_ =	shalt  }
0x4f: {  	_ =	shalt  }
0x50: {  	_ =	shalt  }
0x51: {  	_ =	shalt  }
0x52: {  	_ =	shalt  }
0x53: {  	_ =	shalt  }
0x54: {  	_ =	shalt  }
0x55: {  	_ =	shalt  }
0x56: {  	_ =	shalt  }
0x57: {  	_ =	shalt  }
0x58: {  	_ =	shalt  }
0x59: {  	_ =	shalt  }
0x5a: {  	_ =	shalt  }
0x5b: {  	_ =	shalt  }
0x5c: {  	_ =	shalt  }
0x5d: {  	_ =	shalt  }
0x5e: {  	_ =	shalt  }
0x5f: {  	_ =	shalt  }
0x60: {  	_ =	shalt  }
0x61: {  	_ =	shalt  }
0x62: {  	_ =	shalt  }
0x63: {  	_ =	shalt  }
0x64: {  	_ =	shalt  }
0x65: {  	_ =	shalt  }
0x66: {  	_ =	shalt  }
0x67: {  	_ =	shalt  }
0x68: {  	_ =	shalt  }
0x69: {  	_ =	shalt  }
0x6a: {  	_ =	shalt  }
0x6b: {  	_ =	shalt  }
0x6c: {  	_ =	shalt  }
0x6d: {  	_ =	shalt  }
0x6e: {  	_ =	shalt  }
0x6f: {  	_ =	shalt  }
0x70: {  	_ =	shalt  }
0x71: {  	_ =	shalt  }
0x72: {  	_ =	shalt  }
0x73: {  	_ =	shalt  }
0x74: {  	_ =	shalt  }
0x75: {  	_ =	shalt  }
0x76: {  	_ =	shalt  }
0x77: {  	_ =	shalt  }
0x78: {  	_ =	shalt  }
0x79: {  	_ =	shalt  }
0x7a: {  	_ =	shalt  }
0x7b: {  	_ =	shalt  }
0x7c: {  	_ =	shalt  }
0x7d: {  	_ =	shalt  }
0x7e: {  	_ =	shalt  }
0x7f: {  	_ =	shalt  }
0x80: {  	_ =	shalt  }
0x81: {  	_ =	shalt  }
0x82: {  	_ =	shalt  }
0x83: {  	_ =	shalt  }
0x84: {  	_ =	shalt  }
0x85: {  	_ =	shalt  }
0x86: {  	_ =	shalt  }
0x87: {  	_ =	shalt  }
.Lfunc_end0:
.L_simem_size_0:
called_computation_lowered:
.L_overlay_start_0:
0x88: {  	s2 =	sld [smem:$0x3FD9]  }
0x89: {  	s3 =	sld [smem:$0x3FFE];
	_ =	sdelay $0x1  }
0x8a: {  	s1 =	srdreg.scid  }
0x8b: {  	s0 =	sand.u32 $0x1, s1  }
0x8c: {  	s17 =	sshll.u32 s0, $0xA;
	s2 =	sadd.s32 s3, s2  }
0x8d: {  	s2 =	sadd.s32 s2, s17  }
0x8e: {  	[smem:$0x3FC4] =	sst s2  }
0x8f: {  	_ = 	snop  }
0x90: {  	s2 =	sld [smem:$0x3FD0];
	(tm) =	ssettm $0x1  }
0x91: {  	s18 =	sld [smem:$0x3FFB];
	_ =	sdelay $0x3  }
0x92: {  	_ =	strace s18  }
0x93: {  	s3 =	sld [smem:$0x3FFC];
	_ =	sdelay $0x3  }
0x94: {  	_ =	strace s3  }
0x95: {  	s3 =	sld [smem:$0x3FFD];
	_ =	sdelay $0x3  }
0x96: {  	_ =	strace s3  }
0x97: {  	_ =	strace $0x8FFFFFFF  }
0x98: {  	s19 =	sld [smem:$0x3FDB];
	_ =	sdelay $0x1  }
0x99: {  	s4 =	simm.s32 $_scs_section_size  }
0x9a: {  	s5 =	simm.s32 $_size__tile_overlayer_lowered;
	s6 =	simm.s32 $_tile_overlayer_lowered  }
0x9b: {  	s22 =	simm.s32 $0x1BFF;
	s21 =	sshll.u32 s6, $0x1;
	s3 =	sadd.s32 s4, s19  }
0x9c: {  	s7 =	simm.s32 $0x0;
	s20 =	sshll.u32 s5, $0x1;
	s5 =	sadd.s32 s21, s3  }
0x9d: {  	[timem:s7], [sflag:s22] =	dma.local [hbm:s5], s20  }
0x9e: {  	_ =	swait.ge [sflag:s22], s20  }
0x9f: {  	s4 =	ssub.s32 $0x0, s20;
	[sflag:s22] =	ssyncset.done $0x0  }
0xa0: {  	[sflag:s22] =	ssyncadd.s32 s4;
	_ =	sdelay $0x1  }
0xa1: {  	s23 =	simm.s32 $0x1B8B  }
0xa2: {  	_ =	swait.ge [sflag:s23], $0x1  }
0xa3: {  	[sflag:s23] =	ssyncset.done $0x0  }
0xa4: {  	s25 =	simm.s32 $0x1B8E;
	s24 =	sld [smem:$0x3FFE];
	[sflag:s23] =	ssyncadd.s32 $0xFFFFFFFF  }
0xa5: {  	s26 =	simm.s32 $execute0_lowered;
	[smem:$0x3FD2] =	sst s25  }
0xa6: {  	s5 =	sshll.u32 s26, $0x1;
	_ =	strace $0x80000046;
	[dreg:$0x1] =	wrdreg $0xFFFFFFFF  }
0xa7: {  	s28 =	simm.s32 $_size_execute0_lowered;
	s3 =	sadd.s32 s3, s5;
	[dreg:$0x0] =	wrdreg $0x0  }
0xa8: {  	s5 =	sshll.u32 s28, $0x1;
	[dreg:$0x2] =	wrdreg s3  }
0xa9: {  	[dreg:$0x3] =	wrdreg s5  }
0xaa: {  	[dreg:$0x4] =	wrdreg $0xC0  }
0xab: {  	_ =	task [dreg:s7], $0x5FFFF  }
0xac: {  	[dreg:$0x1] =	wrdreg $0xFFFFFFFF  }
0xad: {  	[dreg:$0x0] =	wrdreg $0x60  }
0xae: {  	[dreg:$0x2] =	wrdreg s24  }
0xaf: {  	[dreg:$0x3] =	wrdreg s2  }
0xb0: {  	[dreg:$0x4] =	wrdreg $0x9000  }
0xb1: {  	[dreg:$0x5] =	wrdreg $0x9100  }
0xb2: {  	[dreg:$0x6] =	wrdreg $0x9  }
0xb3: {  	_ =	task.clear_ibuf [dreg:s7], $0x7FFFF;
	_ =	strace $0x90000046  }
0xb4: {  	s29 =	simm.s32 $0x9;
	_ =	strace $0x80000048  }
0xb5: {  	_ =	swait.ge [sflag:s29], $0x1  }
0xb6: {  	[sflag:s29] =	ssyncadd.s32 $0xFFFFFFFF  }
0xb7: {  	_ =	strace $0x90000048  }
0xb8: {  	_ =	sfence  }
0xb9: {  	s30 =	sld [smem:$0x0];
	_ =	sdelay $0x2  }
0xba: {  	s31 =	sshll.u32 s1, $0xD;
	s1 =	sshrl.u32 s1, $0x2  }
0xbb: {  	s3 =	sand.u32 $0x4000, s31;
	s1 =	sadd.s32 s1, s30  }
0xbc: {  	s0 =	sor.u32 s3, s0;
	s1 =	sshll.u32 s1, $0x11  }
0xbd: {  	s0 =	sor.u32 s1, s0  }
0xbe: {  	s0 =	sadd.s32 $0x8F2B, s0  }
0xbf: {  	[sflag:s0] =	ssyncadd.remote.s32 $0x1  }
0xc0: {  	_ =	sfence.sel $0xFFFF  }
0xc1: {  	[dreg:$0x0] =	wrdreg $0xFFFFFFFF;
	(pc) =	sbr.abs _section_cstart, $3  }
0xc2: {  	[dreg:$0x1] =	wrdreg $0xFFFFFFFF  }
0xc3: {  	_ =	task.clear_ibuf [dreg:s7], $0x2FFFF;
	_ =	strace $0x9FFFFFFF  }
0xc4: {  	(tm) =	ssettm $0x7FFFFFFF  }
0xc5: {  	_ =	shalt  }
tec
execute0_lowered:
.L_overlay_start_1:
0x0: {  	(tag) =	ssettag $0x1  }
0x1: {  	s0 =	rddreg [dreg:$0x0]  }
0x2: {  	s1 =	rddreg [dreg:$0x1]  }
0x3: {  	s8 =	rddreg [dreg:$0x2]  }
0x4: {  	s9 =	rddreg [dreg:$0x3]  }
0x5: {  	s11 =	simm.s32 $0x0;
	s2 =	srdreg.scid;
	s10 =	stileid.u32  }
0x6: {  	s17 =	simm.s32 $0x3;
	[smem:$0x7FF] =	sst s11;
	s2 =	sand.u32 $0x1, s2  }
0x7: {  	s3 =	sshll.u32 s10, $0x7;
	s4 =	sshll.u32 s10, $0xE;
	s7 =	sadd.s32 $0xE00, s0  }
0x8: {  	s26 =	sshll.u32 s10, $0x4;
	_ =	strace $0x80000047;
	s5 =	sshll.u32 s2, $0xD  }
0x9: {  	s6 =	sadd.s32 s3, s0;
	[dreg:$0x5] =	wrdreg s7;
	s1 =	sadd.s32 s1, s3  }
0xa: {  	s21 =	ssub.s32 $0x2, s2;
	s28 =	sadd.s32 s26, s8;
	[dreg:$0x9] =	wrdreg s1  }
0xb: {  	s29 =	sshll.u32 s2, $0x9;
	s25 =	sadd.s32 $0x600, s6;
	[dreg:$0xa] =	wrdreg s28  }
0xc: {  	s4 =	sor.u32 s5, s4;
	s1 =	sadd.s32 s26, s9;
	[dreg:$0x8] =	wrdreg s25  }
0xd: {  	v0 =	vmov s29;
	s4 =	sadd.s32 s4, s0;
	s0 =	sadd.s32 $0x1600, s0;
	[dreg:$0xb] =	wrdreg s1  }
0xe: {  	s22 =	sshrl.u32 s21, $0x1;
	[dreg:$0x6] =	wrdreg s0;
	s24 =	sadd.s32 $0x1E00, s4  }
0xf: {  	s23 =	ssub.s32 s21, s22;
	s30 =	sadd.s32 $0x41E00, s4;
	[dreg:$0x7] =	wrdreg s24  }
0x10: {  	s31 =	sor.u32 $0x400, s29;
	s0 =	smax.u32 s23, $0x1;
	[dreg:$0xc] =	wrdreg s30  }
0x11: {  	s2 =	simm.s32 $0x8C20;
	v1 =	vmov s31;
	s25 =	simm.s32 $0x0;
	[dreg:$0xd] =	wrdreg s0  }
.LBB2_1:
0x12: {  	s0 =	rddreg [dreg:$0x7]  }
0x13: {  	[tilespmem:s2], [sflag:$0x2] =	stream.linear.gather [hbm4b:s0+s11], $0x10000, $0x38;
	[tilespmem:$0x18C20] =	vst v63  }
0x14: {  	s23 =	rddreg [dreg:$0x5];
	s1 =	simm.s32 $0xC20  }
0x15: {  	[tilespmem:s1], [sflag:$0x1] =	stream.linear.gather [hbm4b:s23+s11], $0x4000, $0x38;
	[tilespmem:$0x18C20] =	vst v63  }
0x16: {  	s24 =	rddreg [dreg:$0x6];
	s26 =	simm.s32 $0x4C20  }
0x17: {  	[tilespmem:s26], [sflag:$0x1] =	stream.linear.gather [hbm4b:s24+s11], $0x4000, $0x38;
	[tilespmem:$0x18C20] =	vst v63  }
0x18: {  	s28 =	rddreg [dreg:$0x8]  }
0x19: {  	[tilespmem:s11], [sflag:$0x3] =	stream.linear.gather [hbm4b:s28+s11], $0x400, $0x38;
	[tilespmem:$0x18C20] =	vst v63  }
0x1a: {  	_ =	swait.ge [sflag:s17], $0x400  }
0x1b: {  	[sflag:s17] =	ssyncset.done $0x0  }
0x1c: {  	s30 =	simm.s32 $0x400;
	s29 =	rddreg [dreg:$0x9];
	[sflag:s17] =	ssyncadd.s32 $0xFFFFFC00  }
0x1d: {  	[tilespmem:s30], [sflag:$0x3] =	stream.linear.gather [hbm4b:s29+s11], $0x400, $0x38;
	[tilespmem:$0x18C20] =	vst v63  }
0x1e: {  	_ =	swait.ge [sflag:s17], $0x400  }
0x1f: {  	[sflag:s17] =	ssyncset.done $0x0  }
0x20: {  	s31 =	simm.s32 $0x0;
	[sflag:s17] =	ssyncadd.s32 $0xFFFFFC00  }
0x21: {  	v3 =	vld [tilespmem:s31+$0x0]  }
0x22: {  	v2 =	vimm.s32 $0x7FFFFFFF;
	v4 =	vimm.s32 $0x7FFFFFFF;
	s0 =	simm.s32 $0x40;
	v5 =	vld [tilespmem:s31+$0x400]  }
.LBB2_2:
0x23: {  	p0 =	sne.s32 s0, $0xFC0  }
.Ltmp0:
0x24: {  	_ = 	snop;
	(pc) =	sbr.rel @p0 .LBB2_2-.Ltmp0, $4  }
0x25: {  	_ = 	snop  }
0x26: {  	s1 =	sshra.s32 s0, $0x2;
	v6 =	vmov v3  }
0x27: {  	s0 =	sadd.s32 $0x40, s0;
	v3 =	vld [tilespmem:s1+$0x0];
	vm0 =	vlt.s32 v2, v6;
	vm1 =	vlt.s32 v4, v5  }
0x28: {  	v2 =	vsel vm0, v2, v6;
	v4 =	vsel vm1, v4, v5;
	v5 =	vld [tilespmem:s1+$0x400]  }
0x29: {  	_ =	sdelay $0x2  }
0x2a: {  	vm0 =	vlt.s32 v2, v3  }
0x2b: {  	vm1 =	vlt.s32 v4, v5;
	v2 =	vsel vm0, v2, v3  }
0x2c: {  	v3 =	vsel vm1, v4, v5;
	[tilespmem:$0x800] =	vst v2  }
0x2d: {  	s0 =	rddreg [dreg:$0xa];
	s1 =	simm.s32 $0x800;
	[tilespmem:$0x880] =	vst v3  }
0x2e: {  	[spmem:s0] =	stream.linear.scatter [tilespmem:s1], [sflag:$0x3], $0x10, $0x38;
	[tilespmem:$0x18C20] =	vst v63  }
0x2f: {  	_ =	swait.ge [sflag:s17], $0x10  }
0x30: {  	[sflag:s17] =	ssyncset.done $0x0  }
0x31: {  	s10 =	simm.s32 $0x880;
	s9 =	rddreg [dreg:$0xb];
	[sflag:s17] =	ssyncadd.s32 $0xFFFFFFF0  }
0x32: {  	[spmem:s9] =	stream.linear.scatter [tilespmem:s10], [sflag:$0x3], $0x10, $0x38;
	[tilespmem:$0x18C20] =	vst v63  }
0x33: {  	_ =	swait.ge [sflag:s17], $0x10  }
0x34: {  	[sflag:s17] =	ssyncset.done $0x0  }
0x35: {  	[sflag:s17] =	ssyncadd.s32 $0xFFFFFFF0  }
0x36: {  	[bflag:$0x0] =	sbarrier.arrive $0xFFFF  }
0x37: {  	s12 =	simm.s32 $0x920;
	s11 =	rddreg [dreg:$0x2]  }
0x38: {  	[tilespmem:s12], [sflag:$0x3] =	stream.linear.gather [spmem:s11], $0x100, $0x38;
	[tilespmem:$0x18C20] =	vst v63  }
0x39: {  	_ =	swait.ge [sflag:s17], $0x100  }
0x3a: {  	[sflag:s17] =	ssyncset.done $0x0  }
0x3b: {  	[sflag:s17] =	ssyncadd.s32 $0xFFFFFF00  }
0x3c: {  	s14 =	simm.s32 $0xA20;
	s13 =	rddreg [dreg:$0x3]  }
0x3d: {  	[tilespmem:s14], [sflag:$0x3] =	stream.linear.gather [spmem:s13], $0x100, $0x38;
	[tilespmem:$0x18C20] =	vst v63  }
0x3e: {  	_ =	swait.ge [sflag:s17], $0x100  }
0x3f: {  	[sflag:s17] =	ssyncset.done $0x0  }
0x40: {  	[sflag:s17] =	ssyncadd.s32 $0xFFFFFF00  }
0x41: {  	v2 =	vld [tilespmem:$0x920]  }
0x42: {  	v3 =	vld [tilespmem:$0xA20]  }
0x43: {  	v4 =	vld [tilespmem:$0x930]  }
0x44: {  	v5 =	vld [tilespmem:$0xA30]  }
0x45: {  	v6 =	vld [tilespmem:$0x940]  }
0x46: {  	v7 =	vld [tilespmem:$0xA40]  }
0x47: {  	v8 =	vld [tilespmem:$0x950]  }
0x48: {  	v9 =	vld [tilespmem:$0xA50];
	vm10 =	vlt.s32 v2, v4  }
0x49: {  	v2 =	vsel vm10, v2, v4;
	v4 =	vld [tilespmem:$0x960]  }
0x4a: {  	v10 =	vld [tilespmem:$0xA60];
	vm11 =	vlt.s32 v3, v5;
	vm12 =	vlt.s32 v2, v6  }
0x4b: {  	v3 =	vsel vm11, v3, v5;
	v5 =	vld [tilespmem:$0x970];
	v2 =	vsel vm12, v2, v6  }
0x4c: {  	vm0 =	vlt.s32 v3, v7;
	v6 =	vld [tilespmem:$0xA70];
	vm1 =	vlt.s32 v2, v8  }
0x4d: {  	v3 =	vsel vm0, v3, v7;
	v7 =	vld [tilespmem:$0x980];
	v2 =	vsel vm1, v2, v8  }
0x4e: {  	vm0 =	vlt.s32 v3, v9;
	vm1 =	vlt.s32 v2, v4  }
0x4f: {  	v3 =	vsel vm0, v3, v9;
	v2 =	vsel vm1, v2, v4;
	v4 =	vld [tilespmem:$0x990]  }
0x50: {  	v8 =	vld [tilespmem:$0xA80];
	vm0 =	vlt.s32 v3, v10;
	vm1 =	vlt.s32 v2, v5  }
0x51: {  	v3 =	vsel vm0, v3, v10;
	v2 =	vsel vm1, v2, v5;
	v5 =	vld [tilespmem:$0x9A0]  }
0x52: {  	v9 =	vld [tilespmem:$0xA90];
	vm0 =	vlt.s32 v3, v6;
	vm1 =	vlt.s32 v2, v7  }
0x53: {  	v3 =	vsel vm0, v3, v6;
	v6 =	vld [tilespmem:$0x9B0];
	v2 =	vsel vm1, v2, v7  }
0x54: {  	v10 =	vld [tilespmem:$0xAA0];
	vm1 =	vlt.s32 v2, v4  }
0x55: {  	vm0 =	vlt.s32 v3, v8;
	v2 =	vsel vm1, v2, v4;
	v4 =	vld [tilespmem:$0x9C0]  }
0x56: {  	v7 =	vld [tilespmem:$0xAB0];
	v3 =	vsel vm0, v3, v8;
	vm1 =	vlt.s32 v2, v5  }
0x57: {  	vm0 =	vlt.s32 v3, v9;
	v2 =	vsel vm1, v2, v5;
	v5 =	vld [tilespmem:$0x9D0]  }
0x58: {  	v8 =	vld [tilespmem:$0xAC0];
	v3 =	vsel vm0, v3, v9;
	vm1 =	vlt.s32 v2, v6  }
0x59: {  	vm0 =	vlt.s32 v3, v10;
	v2 =	vsel vm1, v2, v6;
	v6 =	vld [tilespmem:$0x9E0]  }
0x5a: {  	v9 =	vld [tilespmem:$0xAD0];
	v3 =	vsel vm0, v3, v10;
	vm1 =	vlt.s32 v2, v4  }
0x5b: {  	vm0 =	vlt.s32 v3, v7;
	v2 =	vsel vm1, v2, v4;
	v4 =	vld [tilespmem:$0x9F0]  }
0x5c: {  	v10 =	vld [tilespmem:$0xAE0];
	v3 =	vsel vm0, v3, v7;
	vm1 =	vlt.s32 v2, v5  }
0x5d: {  	vm0 =	vlt.s32 v3, v8;
	v2 =	vsel vm1, v2, v5;
	v5 =	vld [tilespmem:$0xA00]  }
0x5e: {  	v7 =	vld [tilespmem:$0xAF0];
	v3 =	vsel vm0, v3, v8;
	vm1 =	vlt.s32 v2, v6  }
0x5f: {  	vm0 =	vlt.s32 v3, v9;
	v2 =	vsel vm1, v2, v6;
	v6 =	vld [tilespmem:$0xA10]  }
0x60: {  	v8 =	vld [tilespmem:$0xB00];
	v3 =	vsel vm0, v3, v9;
	vm1 =	vlt.s32 v2, v4  }
0x61: {  	vm0 =	vlt.s32 v3, v10;
	v2 =	vsel vm1, v2, v4  }
0x62: {  	v3 =	vsel vm0, v3, v10;
	v4 =	vld [tilespmem:$0xB10];
	vm1 =	vlt.s32 v2, v5  }
0x63: {  	vm0 =	vlt.s32 v3, v7;
	v2 =	vsel vm1, v2, v5  }
0x64: {  	v3 =	vsel vm0, v3, v7;
	vm1 =	vlt.s32 v2, v6  }
0x65: {  	vm0 =	vlt.s32 v3, v8;
	v2 =	vsel vm1, v2, v6  }
0x66: {  	v3 =	vsel vm0, v3, v8;
	[tilespmem:$0xB20] =	vst v2  }
0x67: {  	vm0 =	vlt.s32 v3, v4;
	[tilespmem:$0xB30] =	vst v2;
	v2 =	vld [tilespmem:$0xB20]  }
0x68: {  	v3 =	vsel vm0, v3, v4;
	v4 =	vld [tilespmem:$0xB21]  }
0x69: {  	v6 =	vld [tilespmem:$0xB22]  }
0x6a: {  	v8 =	vld [tilespmem:$0xB23]  }
0x6b: {  	v10 =	vld [tilespmem:$0xB24]  }
0x6c: {  	v12 =	vld [tilespmem:$0xB25]  }
0x6d: {  	v14 =	vld [tilespmem:$0xB26]  }
0x6e: {  	v16 =	vld [tilespmem:$0xB27]  }
0x6f: {  	v18 =	vld [tilespmem:$0xB28]  }
0x70: {  	v19 =	vld [tilespmem:$0xB29]  }
0x71: {  	v20 =	vld [tilespmem:$0xB2A]  }
0x72: {  	v22 =	vld [tilespmem:$0xB2C]  }
0x73: {  	v24 =	vld [tilespmem:$0xB2E];
	[tilespmem:$0xBA0] =	vst v3  }
0x74: {  	v25 =	vld [tilespmem:$0xB2F];
	[tilespmem:$0xBB0] =	vst v3  }
0x75: {  	v5 =	vld [tilespmem:$0xBA1];
	vm13 =	vlt.s32 v2, v4  }
0x76: {  	v7 =	vld [tilespmem:$0xBA2];
	v2 =	vsel vm13, v2, v4  }
0x77: {  	v9 =	vld [tilespmem:$0xBA3];
	vm0 =	vlt.s32 v2, v6  }
0x78: {  	v11 =	vld [tilespmem:$0xBA4];
	v2 =	vsel vm0, v2, v6  }
0x79: {  	v13 =	vld [tilespmem:$0xBA5];
	vm0 =	vlt.s32 v2, v8  }
0x7a: {  	v15 =	vld [tilespmem:$0xBA6];
	v2 =	vsel vm0, v2, v8  }
0x7b: {  	v17 =	vld [tilespmem:$0xBA7];
	vm0 =	vlt.s32 v2, v10  }
0x7c: {  	v21 =	vld [tilespmem:$0xBAA];
	v2 =	vsel vm0, v2, v10  }
0x7d: {  	v23 =	vld [tilespmem:$0xBAC];
	vm0 =	vlt.s32 v2, v12  }
0x7e: {  	v4 =	vld [tilespmem:$0xBA8];
	v2 =	vsel vm0, v2, v12  }
0x7f: {  	v6 =	vld [tilespmem:$0xBA9];
	vm0 =	vlt.s32 v2, v14  }
0x80: {  	v8 =	vld [tilespmem:$0xB2B];
	v2 =	vsel vm0, v2, v14  }
0x81: {  	v10 =	vld [tilespmem:$0xBAB];
	vm0 =	vlt.s32 v2, v16  }
0x82: {  	v12 =	vld [tilespmem:$0xB2D];
	v2 =	vsel vm0, v2, v16  }
0x83: {  	v14 =	vld [tilespmem:$0xBAD];
	vm0 =	vlt.s32 v2, v18  }
0x84: {  	s15 =	simm.s32 $0x1;
	v16 =	vld [tilespmem:$0xBAE];
	v2 =	vsel vm0, v2, v18  }
0x85: {  	v18 =	vld [tilespmem:$0xBAF];
	_ =	swait.ge [sflag:s15], $0x4000;
	vm0 =	vlt.s32 v2, v19  }
0x86: {  	vm14 =	vlt.s32 v3, v5;
	[sflag:s15] =	ssyncset.done $0x0;
	v2 =	vsel vm0, v2, v19  }
0x87: {  	v3 =	vsel vm14, v3, v5;
	[sflag:s15] =	ssyncadd.s32 $0xFFFFC000;
	vm15 =	vlt.s32 v2, v20  }
0x88: {  	vm0 =	vlt.s32 v3, v7;
	_ =	swait.ge [sflag:s15], $0x4000;
	v2 =	vsel vm15, v2, v20  }
0x89: {  	v3 =	vsel vm0, v3, v7;
	[sflag:s15] =	ssyncset.done $0x0;
	vm1 =	vlt.s32 v2, v8  }
0x8a: {  	s16 =	simm.s32 $0x2;
	vm0 =	vlt.s32 v3, v9;
	[sflag:s15] =	ssyncadd.s32 $0xFFFFC000;
	v2 =	vsel vm1, v2, v8  }
0x8b: {  	v3 =	vsel vm0, v3, v9;
	_ =	swait.ge [sflag:s16], $0x10000;
	vm1 =	vlt.s32 v2, v22  }
0x8c: {  	vm0 =	vlt.s32 v3, v11;
	[sflag:s16] =	ssyncset.done $0x0;
	v2 =	vsel vm1, v2, v22  }
0x8d: {  	s18 =	simm.s32 $0x0;
	v3 =	vsel vm0, v3, v11;
	[sflag:s16] =	ssyncadd.s32 $0xFFFF0000;
	vm1 =	vlt.s32 v2, v12  }
0x8e: {  	vm0 =	vlt.s32 v3, v13;
	v5 =	vld.idx.msk [tilespmem:v0+s18+$0x0 ss:$0x1], $0xffff;
	v2 =	vsel vm1, v2, v12  }
0x8f: {  	v3 =	vsel vm0, v3, v13;
	vm1 =	vlt.s32 v2, v24  }
0x90: {  	vm0 =	vlt.s32 v3, v15;
	v2 =	vsel vm1, v2, v24  }
0x91: {  	v3 =	vsel vm0, v3, v15;
	vm1 =	vlt.s32 v2, v25  }
0x92: {  	vm0 =	vlt.s32 v3, v17;
	v8 =	vsel vm1, v2, v25  }
0x93: {  	v3 =	vsel vm0, v3, v17;
	v2 =	vsub.s32 v5, v8  }
0x94: {  	vm0 =	vlt.s32 v3, v4;
	v2 =	vshll.u32 v2, $0x1  }
0x95: {  	v12 =	vand.u32 $0xFFFFFFE0, v2;
	v2 =	vsel vm0, v3, v4  }
0x96: {  	vm0 =	vlt.s32 v2, v6  }
0x97: {  	(v2sf) =	vpush v12, $0x0;
	v2 =	vsel vm0, v2, v6  }
0x98: {  	vm0 =	vlt.s32 v2, v21  }
0x99: {  	v2 =	vsel vm0, v2, v21  }
0x9a: {  	vm0 =	vlt.s32 v2, v10  }
0x9b: {  	v2 =	vsel vm0, v2, v10  }
0x9c: {  	vm0 =	vlt.s32 v2, v23  }
0x9d: {  	v2 =	vsel vm0, v2, v23  }
0x9e: {  	vm0 =	vlt.s32 v2, v14  }
0x9f: {  	v3 =	vld.idx.msk [tilespmem:v1+s18+$0x0 ss:$0x1], $0xffff;
	v2 =	vsel vm0, v2, v14  }
0xa0: {  	vm0 =	vlt.s32 v2, v16  }
0xa1: {  	v2 =	vsel vm0, v2, v16  }
0xa2: {  	vm0 =	vlt.s32 v2, v18  }
0xa3: {  	v7 =	vsel vm0, v2, v18  }
0xa4: {  	v2 =	vsub.s32 v3, v7  }
0xa5: {  	s30 =	simm.s32 $0x9020;
	v2 =	vshll.u32 v2, $0x1  }
0xa6: {  	v3 =	vld [tilespmem:s30+$0xFFFFFC00];
	s19 =	spop (v2sf);
	v11 =	vand.u32 $0xFFFFFFE0, v2  }
0xa7: {  	v4 =	vld [tilespmem:s19+$0xC20];
	(v2sf) =	vpush v11, $0x0;
	_ =	sdelay $0x4  }
0xa8: {  	v2 =	vadd.f32 v4, v3;
	_ =	sdelay $0x1  }
0xa9: {  	[tilespmem:s30+$0xFFFFFC00] =	vst v2;
	v2 =	vld [tilespmem:s30+$0xFFFFFC10]  }
0xaa: {  	v3 =	vld [tilespmem:s19+$0xC30];
	_ =	sdelay $0x4  }
0xab: {  	v2 =	vadd.f32 v3, v2;
	_ =	sdelay $0x1  }
0xac: {  	[tilespmem:s30+$0xFFFFFC10] =	vst v2;
	v2 =	vld [tilespmem:s30+$0xFFFFFC20];
	s20 =	spop (v2sf)  }
0xad: {  	(v2sf) =	vpush v12, $0x1;
	v3 =	vld [tilespmem:s20+$0x4C20];
	_ =	sdelay $0x4  }
0xae: {  	v2 =	vadd.f32 v3, v2;
	_ =	sdelay $0x1  }
0xaf: {  	[tilespmem:s30+$0xFFFFFC20] =	vst v2;
	v2 =	vld [tilespmem:s30+$0xFFFFFC30]  }
0xb0: {  	v3 =	vld [tilespmem:s20+$0x4C30];
	_ =	sdelay $0x4  }
0xb1: {  	v2 =	vadd.f32 v3, v2;
	_ =	sdelay $0x1  }
0xb2: {  	s21 =	spop (v2sf);
	[tilespmem:s30+$0xFFFFFC30] =	vst v2;
	v2 =	vld [tilespmem:s30+$0xFFFFFC80]  }
0xb3: {  	(v2sf) =	vpush v11, $0x1;
	v3 =	vld [tilespmem:s21+$0xC20];
	_ =	sdelay $0x4  }
0xb4: {  	v2 =	vadd.f32 v3, v2;
	_ =	sdelay $0x1  }
0xb5: {  	[tilespmem:s30+$0xFFFFFC80] =	vst v2;
	v2 =	vld [tilespmem:s30+$0xFFFFFC90]  }
0xb6: {  	v3 =	vld [tilespmem:s21+$0xC30];
	_ =	sdelay $0x4  }
0xb7: {  	v2 =	vadd.f32 v3, v2;
	_ =	sdelay $0x1  }
0xb8: {  	s22 =	spop (v2sf);
	[tilespmem:s30+$0xFFFFFC90] =	vst v2;
	v2 =	vld [tilespmem:s30+$0xFFFFFCA0]  }
0xb9: {  	(v2sf) =	vpush v12, $0x2;
	v3 =	vld [tilespmem:s22+$0x4C20];
	_ =	sdelay $0x4  }
0xba: {  	v2 =	vadd.f32 v3, v2;
	_ =	sdelay $0x1  }
0xbb: {  	[tilespmem:s30+$0xFFFFFCA0] =	vst v2;
	v2 =	vld [tilespmem:s30+$0xFFFFFCB0]  }
0xbc: {  	v3 =	vld [tilespmem:s22+$0x4C30];
	_ =	sdelay $0x4  }
0xbd: {  	v2 =	vadd.f32 v3, v2;
	_ =	sdelay $0x1  }
0xbe: {  	s23 =	spop (v2sf);
	[tilespmem:s30+$0xFFFFFCB0] =	vst v2;
	v2 =	vld [tilespmem:s30+$0xFFFFFD00]  }
0xbf: {  	(v2sf) =	vpush v11, $0x2;
	v3 =	vld [tilespmem:s23+$0xC20];
	_ =	sdelay $0x4  }
0xc0: {  	v2 =	vadd.f32 v3, v2;
	_ =	sdelay $0x1  }
0xc1: {  	[tilespmem:s30+$0xFFFFFD00] =	vst v2;
	v2 =	vld [tilespmem:s30+$0xFFFFFD10]  }
0xc2: {  	v3 =	vld [tilespmem:s23+$0xC30];
	_ =	sdelay $0x4  }
0xc3: {  	v2 =	vadd.f32 v3, v2;
	_ =	sdelay $0x1  }
0xc4: {  	s24 =	spop (v2sf);
	[tilespmem:s30+$0xFFFFFD10] =	vst v2;
	v2 =	vld [tilespmem:s30+$0xFFFFFD20]  }
0xc5: {  	(v2sf) =	vpush v12, $0x3;
	v3 =	vld [tilespmem:s24+$0x4C20];
	_ =	sdelay $0x4  }
0xc6: {  	v2 =	vadd.f32 v3, v2;
	_ =	sdelay $0x1  }
0xc7: {  	[tilespmem:s30+$0xFFFFFD20] =	vst v2;
	v2 =	vld [tilespmem:s30+$0xFFFFFD30]  }
0xc8: {  	v3 =	vld [tilespmem:s24+$0x4C30];
	_ =	sdelay $0x4  }
0xc9: {  	v2 =	vadd.f32 v3, v2;
	_ =	sdelay $0x1  }
0xca: {  	s26 =	spop (v2sf);
	[tilespmem:s30+$0xFFFFFD30] =	vst v2;
	v2 =	vld [tilespmem:s30+$0xFFFFFD80]  }
0xcb: {  	(v2sf) =	vpush v11, $0x3;
	v3 =	vld [tilespmem:s26+$0xC20];
	_ =	sdelay $0x4  }
0xcc: {  	v2 =	vadd.f32 v3, v2;
	_ =	sdelay $0x1  }
0xcd: {  	[tilespmem:s30+$0xFFFFFD80] =	vst v2;
	v2 =	vld [tilespmem:s30+$0xFFFFFD90]  }
0xce: {  	v3 =	vld [tilespmem:s26+$0xC30];
	_ =	sdelay $0x3  }
0xcf: {  	s31 =	simm.s32 $0x10  }
0xd0: {  	v2 =	vadd.f32 v3, v2;
	v3 =	vld.idx.msk [tilespmem:v0+s31+$0x0 ss:$0x1], $0xffff;
	_ =	sdelay $0x1  }
0xd1: {  	v4 =	vld [tilespmem:s30+$0xFFFFFDA0];
	s2 =	spop (v2sf);
	[tilespmem:s30+$0xFFFFFD90] =	vst v2  }
0xd2: {  	v5 =	vld [tilespmem:s2+$0x4C20]  }
0xd3: {  	(v2sf) =	vpush v12, $0x4  }
0xd4: {  	v2 =	vsub.s32 v3, v8  }
0xd5: {  	v2 =	vshll.u32 v2, $0x1  }
0xd6: {  	v2 =	vand.u32 $0xFFFFFFE0, v2  }
0xd7: {  	(v2sf) =	vpush v2, $0x0;
	v3 =	vadd.f32 v5, v4;
	_ =	sdelay $0x1  }
0xd8: {  	[tilespmem:s30+$0xFFFFFDA0] =	vst v3;
	v3 =	vld [tilespmem:s30+$0xFFFFFDB0]  }
0xd9: {  	v4 =	vld [tilespmem:s2+$0x4C30];
	_ =	sdelay $0x4  }
0xda: {  	v3 =	vadd.f32 v4, v3;
	v4 =	vld.idx.msk [tilespmem:v1+s31+$0x0 ss:$0x1], $0xffff;
	_ =	sdelay $0x2  }
0xdb: {  	s3 =	spop (v2sf);
	v5 =	vld [tilespmem:s30+$0xFFFFFE00];
	[tilespmem:s30+$0xFFFFFDB0] =	vst v3  }
0xdc: {  	(v2sf) =	vpush v11, $0x4;
	v6 =	vld [tilespmem:s3+$0xC20]  }
0xdd: {  	v3 =	vsub.s32 v4, v7  }
0xde: {  	s26 =	simm.s32 $0x9820;
	v3 =	vshll.u32 v3, $0x1  }
0xdf: {  	v4 =	vld [tilespmem:s26+$0xFFFFFC00];
	s4 =	spop (v2sf);
	v3 =	vand.u32 $0xFFFFFFE0, v3  }
0xe0: {  	v9 =	vld [tilespmem:s4+$0xC20];
	(v2sf) =	vpush v3, $0x0  }
0xe1: {  	v5 =	vadd.f32 v6, v5;
	_ =	sdelay $0x1  }
0xe2: {  	[tilespmem:s30+$0xFFFFFE00] =	vst v5;
	v5 =	vld [tilespmem:s30+$0xFFFFFE10]  }
0xe3: {  	v6 =	vld [tilespmem:s3+$0xC30]  }
0xe4: {  	v4 =	vadd.f32 v9, v4;
	_ =	sdelay $0x1  }
0xe5: {  	[tilespmem:s26+$0xFFFFFC00] =	vst v4;
	v4 =	vld [tilespmem:s26+$0xFFFFFC10]  }
0xe6: {  	v9 =	vld [tilespmem:s4+$0xC30]  }
0xe7: {  	v5 =	vadd.f32 v6, v5;
	_ =	sdelay $0x1  }
0xe8: {  	s5 =	spop (v2sf);
	[tilespmem:s30+$0xFFFFFE10] =	vst v5;
	v5 =	vld [tilespmem:s30+$0xFFFFFE20]  }
0xe9: {  	(v2sf) =	vpush v12, $0x5;
	v6 =	vld [tilespmem:s5+$0x4C20]  }
0xea: {  	v4 =	vadd.f32 v9, v4;
	_ =	sdelay $0x1  }
0xeb: {  	[tilespmem:s26+$0xFFFFFC10] =	vst v4;
	v4 =	vld [tilespmem:s26+$0xFFFFFC20];
	s6 =	spop (v2sf)  }
0xec: {  	(v2sf) =	vpush v2, $0x1;
	v9 =	vld [tilespmem:s6+$0x4C20]  }
0xed: {  	v5 =	vadd.f32 v6, v5;
	_ =	sdelay $0x1  }
0xee: {  	[tilespmem:s30+$0xFFFFFE20] =	vst v5;
	v5 =	vld [tilespmem:s30+$0xFFFFFE30]  }
0xef: {  	v6 =	vld [tilespmem:s5+$0x4C30]  }
0xf0: {  	v4 =	vadd.f32 v9, v4;
	_ =	sdelay $0x1  }
0xf1: {  	[tilespmem:s26+$0xFFFFFC20] =	vst v4;
	v4 =	vld [tilespmem:s26+$0xFFFFFC30]  }
0xf2: {  	v9 =	vld [tilespmem:s6+$0x4C30]  }
0xf3: {  	v5 =	vadd.f32 v6, v5;
	_ =	sdelay $0x1  }
0xf4: {  	s7 =	spop (v2sf);
	[tilespmem:s30+$0xFFFFFE30] =	vst v5;
	v5 =	vld [tilespmem:s30+$0xFFFFFE80]  }
0xf5: {  	v6 =	vld [tilespmem:s7+$0xC20]  }
0xf6: {  	(v2sf) =	vpush v11, $0x5;
	v4 =	vadd.f32 v9, v4;
	_ =	sdelay $0x1  }
0xf7: {  	s8 =	spop (v2sf);
	[tilespmem:s26+$0xFFFFFC30] =	vst v4;
	v4 =	vld [tilespmem:s26+$0xFFFFFC80]  }
0xf8: {  	(v2sf) =	vpush v3, $0x1;
	v9 =	vld [tilespmem:s8+$0xC20]  }
0xf9: {  	v5 =	vadd.f32 v6, v5;
	_ =	sdelay $0x1  }
0xfa: {  	[tilespmem:s30+$0xFFFFFE80] =	vst v5;
	v5 =	vld [tilespmem:s30+$0xFFFFFE90]  }
0xfb: {  	v6 =	vld [tilespmem:s7+$0xC30]  }
0xfc: {  	v4 =	vadd.f32 v9, v4;
	_ =	sdelay $0x1  }
0xfd: {  	[tilespmem:s26+$0xFFFFFC80] =	vst v4;
	v4 =	vld [tilespmem:s26+$0xFFFFFC90]  }
0xfe: {  	v9 =	vld [tilespmem:s8+$0xC30]  }
0xff: {  	v5 =	vadd.f32 v6, v5;
	_ =	sdelay $0x1  }
0x100: {  	[tilespmem:s30+$0xFFFFFE90] =	vst v5  }
0x101: {  	v5 =	vld [tilespmem:s30+$0xFFFFFEA0];
	s9 =	spop (v2sf)  }
0x102: {  	(v2sf) =	vpush v12, $0x6;
	v6 =	vld [tilespmem:s9+$0x4C20];
	v4 =	vadd.f32 v9, v4;
	_ =	sdelay $0x1  }
0x103: {  	s10 =	spop (v2sf);
	[tilespmem:s26+$0xFFFFFC90] =	vst v4;
	v4 =	vld [tilespmem:s26+$0xFFFFFCA0]  }
0x104: {  	(v2sf) =	vpush v2, $0x2;
	v9 =	vld [tilespmem:s10+$0x4C20];
	_ =	sdelay $0x1  }
0x105: {  	v5 =	vadd.f32 v6, v5;
	_ =	sdelay $0x1  }
0x106: {  	[tilespmem:s30+$0xFFFFFEA0] =	vst v5;
	v5 =	vld [tilespmem:s30+$0xFFFFFEB0]  }
0x107: {  	v6 =	vld [tilespmem:s9+$0x4C30];
	v4 =	vadd.f32 v9, v4;
	_ =	sdelay $0x1  }
0x108: {  	[tilespmem:s26+$0xFFFFFCA0] =	vst v4;
	v4 =	vld [tilespmem:s26+$0xFFFFFCB0]  }
0x109: {  	v9 =	vld [tilespmem:s10+$0x4C30];
	_ =	sdelay $0x1  }
0x10a: {  	v5 =	vadd.f32 v6, v5;
	_ =	sdelay $0x1  }
0x10b: {  	s11 =	spop (v2sf);
	[tilespmem:s30+$0xFFFFFEB0] =	vst v5;
	v5 =	vld [tilespmem:s30+$0xFFFFFF00]  }
0x10c: {  	(v2sf) =	vpush v11, $0x6;
	v6 =	vld [tilespmem:s11+$0xC20];
	v4 =	vadd.f32 v9, v4;
	_ =	sdelay $0x1  }
0x10d: {  	s12 =	spop (v2sf);
	[tilespmem:s26+$0xFFFFFCB0] =	vst v4;
	v4 =	vld [tilespmem:s26+$0xFFFFFD00]  }
0x10e: {  	(v2sf) =	vpush v3, $0x2;
	v9 =	vld [tilespmem:s12+$0xC20];
	_ =	sdelay $0x1  }
0x10f: {  	v5 =	vadd.f32 v6, v5;
	_ =	sdelay $0x1  }
0x110: {  	[tilespmem:s30+$0xFFFFFF00] =	vst v5;
	v5 =	vld [tilespmem:s30+$0xFFFFFF10]  }
0x111: {  	v6 =	vld [tilespmem:s11+$0xC30];
	v4 =	vadd.f32 v9, v4;
	_ =	sdelay $0x1  }
0x112: {  	[tilespmem:s26+$0xFFFFFD00] =	vst v4;
	v4 =	vld [tilespmem:s26+$0xFFFFFD10]  }
0x113: {  	v9 =	vld [tilespmem:s12+$0xC30];
	_ =	sdelay $0x1  }
0x114: {  	v5 =	vadd.f32 v6, v5;
	_ =	sdelay $0x1  }
0x115: {  	s13 =	spop (v2sf);
	[tilespmem:s30+$0xFFFFFF10] =	vst v5;
	v5 =	vld [tilespmem:s30+$0xFFFFFF20]  }
0x116: {  	(v2sf) =	vpush v12, $0x7;
	v6 =	vld [tilespmem:s13+$0x4C20];
	v4 =	vadd.f32 v9, v4;
	_ =	sdelay $0x1  }
0x117: {  	s14 =	spop (v2sf);
	[tilespmem:s26+$0xFFFFFD10] =	vst v4;
	v4 =	vld [tilespmem:s26+$0xFFFFFD20]  }
0x118: {  	(v2sf) =	vpush v2, $0x3;
	v9 =	vld [tilespmem:s14+$0x4C20];
	_ =	sdelay $0x1  }
0x119: {  	v5 =	vadd.f32 v6, v5;
	_ =	sdelay $0x1  }
0x11a: {  	[tilespmem:s30+$0xFFFFFF20] =	vst v5;
	v5 =	vld [tilespmem:s30+$0xFFFFFF30]  }
0x11b: {  	v6 =	vld [tilespmem:s13+$0x4C30];
	v4 =	vadd.f32 v9, v4;
	_ =	sdelay $0x1  }
0x11c: {  	[tilespmem:s26+$0xFFFFFD20] =	vst v4;
	v4 =	vld [tilespmem:s26+$0xFFFFFD30]  }
0x11d: {  	v9 =	vld [tilespmem:s14+$0x4C30];
	_ =	sdelay $0x1  }
0x11e: {  	v5 =	vadd.f32 v6, v5;
	_ =	sdelay $0x1  }
0x11f: {  	s15 =	spop (v2sf);
	[tilespmem:s30+$0xFFFFFF30] =	vst v5;
	v5 =	vld [tilespmem:s30+$0xFFFFFF80]  }
0x120: {  	v6 =	vld [tilespmem:s15+$0xC20];
	v4 =	vadd.f32 v9, v4  }
0x121: {  	(v2sf) =	vpush v11, $0x7  }
0x122: {  	s16 =	spop (v2sf);
	[tilespmem:s26+$0xFFFFFD30] =	vst v4;
	v4 =	vld [tilespmem:s26+$0xFFFFFD80]  }
0x123: {  	v9 =	vld [tilespmem:s16+$0xC20]  }
0x124: {  	(v2sf) =	vpush v3, $0x3  }
0x125: {  	v5 =	vadd.f32 v6, v5;
	_ =	sdelay $0x1  }
0x126: {  	[tilespmem:s30+$0xFFFFFF80] =	vst v5;
	v5 =	vld [tilespmem:s30+$0xFFFFFF90]  }
0x127: {  	v6 =	vld [tilespmem:s15+$0xC30];
	v4 =	vadd.f32 v9, v4;
	_ =	sdelay $0x1  }
0x128: {  	[tilespmem:s26+$0xFFFFFD80] =	vst v4;
	v4 =	vld [tilespmem:s26+$0xFFFFFD90]  }
0x129: {  	v9 =	vld [tilespmem:s16+$0xC30]  }
0x12a: {  	s18 =	simm.s32 $0x20  }
0x12b: {  	v5 =	vadd.f32 v6, v5;
	v6 =	vld.idx.msk [tilespmem:v0+s18+$0x0 ss:$0x1], $0xffff;
	_ =	sdelay $0x2  }
0x12c: {  	s19 =	spop (v2sf);
	[tilespmem:s30+$0xFFFFFF90] =	vst v5;
	v5 =	vld [tilespmem:s30+$0xFFFFFFA0];
	v4 =	vadd.f32 v9, v4  }
0x12d: {  	v9 =	vld [tilespmem:s19+$0x4C20]  }
0x12e: {  	(v2sf) =	vpush v12, $0x8;
	[tilespmem:s26+$0xFFFFFD90] =	vst v4;
	v4 =	vsub.s32 v6, v8  }
0x12f: {  	v10 =	vld [tilespmem:s26+$0xFFFFFDA0];
	s2 =	spop (v2sf);
	v4 =	vshll.u32 v4, $0x1  }
0x130: {  	(v2sf) =	vpush v2, $0x4;
	v13 =	vld [tilespmem:s2+$0x4C20];
	v4 =	vand.u32 $0xFFFFFFE0, v4  }
0x131: {  	(v2sf) =	vpush v4, $0x0  }
0x132: {  	v5 =	vadd.f32 v9, v5;
	_ =	sdelay $0x1  }
0x133: {  	[tilespmem:s30+$0xFFFFFFA0] =	vst v5;
	v5 =	vld [tilespmem:s30+$0xFFFFFFB0]  }
0x134: {  	v6 =	vadd.f32 v13, v10;
	v9 =	vld [tilespmem:s19+$0x4C30];
	_ =	sdelay $0x1  }
0x135: {  	[tilespmem:s26+$0xFFFFFDA0] =	vst v6;
	v6 =	vld [tilespmem:s26+$0xFFFFFDB0]  }
0x136: {  	v10 =	vld [tilespmem:s2+$0x4C30];
	_ =	sdelay $0x1  }
0x137: {  	v5 =	vadd.f32 v9, v5;
	v9 =	vld.idx.msk [tilespmem:v1+s18+$0x0 ss:$0x1], $0xffff;
	_ =	sdelay $0x2  }
0x138: {  	s20 =	spop (v2sf);
	[tilespmem:s30+$0xFFFFFFB0] =	vst v5;
	v6 =	vadd.f32 v10, v6;
	v10 =	vld [tilespmem:s30+$0x0]  }
0x139: {  	(v2sf) =	vpush v11, $0x8;
	v13 =	vld [tilespmem:s20+$0xC20]  }
0x13a: {  	s21 =	spop (v2sf);
	[tilespmem:s26+$0xFFFFFDB0] =	vst v6;
	v6 =	vld [tilespmem:s26+$0xFFFFFE00];
	v5 =	vsub.s32 v9, v7  }
0x13b: {  	s28 =	simm.s32 $0xA020;
	v14 =	vld [tilespmem:s21+$0xC20];
	v5 =	vshll.u32 v5, $0x1;
	s22 =	spop (v2sf);
	(v2sf) =	vpush v3, $0x4  }
0x13c: {  	v9 =	vld [tilespmem:s28+$0xFFFFFC00];
	v5 =	vand.u32 $0xFFFFFFE0, v5  }
0x13d: {  	v15 =	vld [tilespmem:s22+$0xC20];
	(v2sf) =	vpush v5, $0x0  }
0x13e: {  	v10 =	vadd.f32 v13, v10;
	_ =	sdelay $0x1  }
0x13f: {  	[tilespmem:s30+$0x0] =	vst v10;
	v10 =	vld [tilespmem:s30+$0x10];
	v6 =	vadd.f32 v14, v6  }
0x140: {  	v13 =	vld [tilespmem:s20+$0xC30]  }
0x141: {  	v9 =	vadd.f32 v15, v9;
	[tilespmem:s26+$0xFFFFFE00] =	vst v6;
	v6 =	vld [tilespmem:s26+$0xFFFFFE10]  }
0x142: {  	v14 =	vld [tilespmem:s21+$0xC30]  }
0x143: {  	[tilespmem:s28+$0xFFFFFC00] =	vst v9;
	v9 =	vld [tilespmem:s28+$0xFFFFFC10]  }
0x144: {  	v15 =	vld [tilespmem:s22+$0xC30]  }
0x145: {  	v10 =	vadd.f32 v13, v10;
	_ =	sdelay $0x1  }
0x146: {  	s23 =	spop (v2sf);
	[tilespmem:s30+$0x10] =	vst v10;
	v10 =	vld [tilespmem:s30+$0x20];
	v6 =	vadd.f32 v14, v6  }
0x147: {  	(v2sf) =	vpush v12, $0x9;
	v13 =	vld [tilespmem:s23+$0x4C20]  }
0x148: {  	v9 =	vadd.f32 v15, v9;
	[tilespmem:s26+$0xFFFFFE10] =	vst v6;
	v6 =	vld [tilespmem:s26+$0xFFFFFE20];
	s24 =	spop (v2sf)  }
0x149: {  	(v2sf) =	vpush v2, $0x5;
	v14 =	vld [tilespmem:s24+$0x4C20]  }
0x14a: {  	[tilespmem:s28+$0xFFFFFC10] =	vst v9;
	v9 =	vld [tilespmem:s28+$0xFFFFFC20];
	s31 =	spop (v2sf)  }
0x14b: {  	(v2sf) =	vpush v4, $0x1;
	v15 =	vld [tilespmem:s31+$0x4C20]  }
0x14c: {  	v10 =	vadd.f32 v13, v10;
	_ =	sdelay $0x1  }
0x14d: {  	[tilespmem:s30+$0x20] =	vst v10;
	v10 =	vld [tilespmem:s30+$0x30];
	v6 =	vadd.f32 v14, v6  }
0x14e: {  	v13 =	vld [tilespmem:s23+$0x4C30]  }
0x14f: {  	v9 =	vadd.f32 v15, v9;
	[tilespmem:s26+$0xFFFFFE20] =	vst v6;
	v6 =	vld [tilespmem:s26+$0xFFFFFE30]  }
0x150: {  	v14 =	vld [tilespmem:s24+$0x4C30]  }
0x151: {  	[tilespmem:s28+$0xFFFFFC20] =	vst v9;
	v9 =	vld [tilespmem:s28+$0xFFFFFC30]  }
0x152: {  	v15 =	vld [tilespmem:s31+$0x4C30]  }
0x153: {  	v10 =	vadd.f32 v13, v10;
	_ =	sdelay $0x1  }
0x154: {  	s3 =	spop (v2sf);
	[tilespmem:s30+$0x30] =	vst v10;
	v10 =	vld [tilespmem:s30+$0x80];
	v6 =	vadd.f32 v14, v6  }
0x155: {  	(v2sf) =	vpush v11, $0x9;
	v13 =	vld [tilespmem:s3+$0xC20]  }
0x156: {  	v9 =	vadd.f32 v15, v9;
	s4 =	spop (v2sf);
	[tilespmem:s26+$0xFFFFFE30] =	vst v6;
	v6 =	vld [tilespmem:s26+$0xFFFFFE80]  }
0x157: {  	(v2sf) =	vpush v3, $0x5;
	v14 =	vld [tilespmem:s4+$0xC20]  }
0x158: {  	s5 =	spop (v2sf);
	[tilespmem:s28+$0xFFFFFC30] =	vst v9;
	v9 =	vld [tilespmem:s28+$0xFFFFFC80]  }
0x159: {  	(v2sf) =	vpush v5, $0x1;
	v15 =	vld [tilespmem:s5+$0xC20]  }
0x15a: {  	v10 =	vadd.f32 v13, v10;
	_ =	sdelay $0x1  }
0x15b: {  	[tilespmem:s30+$0x80] =	vst v10;
	v10 =	vld [tilespmem:s30+$0x90];
	v6 =	vadd.f32 v14, v6  }
0x15c: {  	v13 =	vld [tilespmem:s3+$0xC30]  }
0x15d: {  	v9 =	vadd.f32 v15, v9;
	[tilespmem:s26+$0xFFFFFE80] =	vst v6;
	v6 =	vld [tilespmem:s26+$0xFFFFFE90]  }
0x15e: {  	v14 =	vld [tilespmem:s4+$0xC30]  }
0x15f: {  	[tilespmem:s28+$0xFFFFFC80] =	vst v9;
	v9 =	vld [tilespmem:s28+$0xFFFFFC90]  }
0x160: {  	v15 =	vld [tilespmem:s5+$0xC30]  }
0x161: {  	v10 =	vadd.f32 v13, v10;
	_ =	sdelay $0x1  }
0x162: {  	s6 =	spop (v2sf);
	[tilespmem:s30+$0x90] =	vst v10;
	v10 =	vld [tilespmem:s30+$0xA0];
	v6 =	vadd.f32 v14, v6  }
0x163: {  	(v2sf) =	vpush v12, $0xA;
	v13 =	vld [tilespmem:s6+$0x4C20]  }
0x164: {  	s7 =	spop (v2sf);
	v9 =	vadd.f32 v15, v9;
	[tilespmem:s26+$0xFFFFFE90] =	vst v6;
	v6 =	vld [tilespmem:s26+$0xFFFFFEA0]  }
0x165: {  	(v2sf) =	vpush v2, $0x6;
	v14 =	vld [tilespmem:s7+$0x4C20]  }
0x166: {  	s8 =	spop (v2sf);
	[tilespmem:s28+$0xFFFFFC90] =	vst v9;
	v9 =	vld [tilespmem:s28+$0xFFFFFCA0]  }
0x167: {  	(v2sf) =	vpush v4, $0x2;
	v15 =	vld [tilespmem:s8+$0x4C20]  }
0x168: {  	v10 =	vadd.f32 v13, v10;
	_ =	sdelay $0x1  }
0x169: {  	[tilespmem:s30+$0xA0] =	vst v10;
	v10 =	vld [tilespmem:s30+$0xB0];
	v6 =	vadd.f32 v14, v6  }
0x16a: {  	v13 =	vld [tilespmem:s6+$0x4C30]  }
0x16b: {  	v9 =	vadd.f32 v15, v9;
	[tilespmem:s26+$0xFFFFFEA0] =	vst v6;
	v6 =	vld [tilespmem:s26+$0xFFFFFEB0]  }
0x16c: {  	v14 =	vld [tilespmem:s7+$0x4C30]  }
0x16d: {  	[tilespmem:s28+$0xFFFFFCA0] =	vst v9;
	v9 =	vld [tilespmem:s28+$0xFFFFFCB0]  }
0x16e: {  	v15 =	vld [tilespmem:s8+$0x4C30]  }
0x16f: {  	v10 =	vadd.f32 v13, v10;
	_ =	sdelay $0x1  }
0x170: {  	s9 =	spop (v2sf);
	[tilespmem:s30+$0xB0] =	vst v10;
	v10 =	vld [tilespmem:s30+$0x100];
	v6 =	vadd.f32 v14, v6  }
0x171: {  	(v2sf) =	vpush v11, $0xA;
	v13 =	vld [tilespmem:s9+$0xC20]  }
0x172: {  	s10 =	spop (v2sf);
	v9 =	vadd.f32 v15, v9;
	[tilespmem:s26+$0xFFFFFEB0] =	vst v6;
	v6 =	vld [tilespmem:s26+$0xFFFFFF00]  }
0x173: {  	(v2sf) =	vpush v3, $0x6;
	v14 =	vld [tilespmem:s10+$0xC20]  }
0x174: {  	s11 =	spop (v2sf);
	[tilespmem:s28+$0xFFFFFCB0] =	vst v9;
	v9 =	vld [tilespmem:s28+$0xFFFFFD00]  }
0x175: {  	(v2sf) =	vpush v5, $0x2;
	v15 =	vld [tilespmem:s11+$0xC20]  }
0x176: {  	v10 =	vadd.f32 v13, v10;
	_ =	sdelay $0x1  }
0x177: {  	[tilespmem:s30+$0x100] =	vst v10;
	v10 =	vld [tilespmem:s30+$0x110];
	v6 =	vadd.f32 v14, v6  }
0x178: {  	v13 =	vld [tilespmem:s9+$0xC30]  }
0x179: {  	v9 =	vadd.f32 v15, v9;
	[tilespmem:s26+$0xFFFFFF00] =	vst v6;
	v6 =	vld [tilespmem:s26+$0xFFFFFF10]  }
0x17a: {  	v14 =	vld [tilespmem:s10+$0xC30]  }
0x17b: {  	[tilespmem:s28+$0xFFFFFD00] =	vst v9;
	v9 =	vld [tilespmem:s28+$0xFFFFFD10]  }
0x17c: {  	v15 =	vld [tilespmem:s11+$0xC30]  }
0x17d: {  	v10 =	vadd.f32 v13, v10;
	_ =	sdelay $0x1  }
0x17e: {  	s12 =	spop (v2sf);
	[tilespmem:s30+$0x110] =	vst v10;
	v10 =	vld [tilespmem:s30+$0x120];
	v6 =	vadd.f32 v14, v6  }
0x17f: {  	(v2sf) =	vpush v12, $0xB;
	v13 =	vld [tilespmem:s12+$0x4C20]  }
0x180: {  	s13 =	spop (v2sf);
	v9 =	vadd.f32 v15, v9;
	[tilespmem:s26+$0xFFFFFF10] =	vst v6;
	v6 =	vld [tilespmem:s26+$0xFFFFFF20]  }
0x181: {  	(v2sf) =	vpush v2, $0x7;
	v14 =	vld [tilespmem:s13+$0x4C20]  }
0x182: {  	s14 =	spop (v2sf);
	[tilespmem:s28+$0xFFFFFD10] =	vst v9;
	v9 =	vld [tilespmem:s28+$0xFFFFFD20]  }
0x183: {  	(v2sf) =	vpush v4, $0x3;
	v15 =	vld [tilespmem:s14+$0x4C20]  }
0x184: {  	v10 =	vadd.f32 v13, v10;
	_ =	sdelay $0x1  }
0x185: {  	[tilespmem:s30+$0x120] =	vst v10;
	v10 =	vld [tilespmem:s30+$0x130];
	v6 =	vadd.f32 v14, v6  }
0x186: {  	v13 =	vld [tilespmem:s12+$0x4C30]  }
0x187: {  	v9 =	vadd.f32 v15, v9;
	[tilespmem:s26+$0xFFFFFF20] =	vst v6;
	v6 =	vld [tilespmem:s26+$0xFFFFFF30]  }
0x188: {  	v14 =	vld [tilespmem:s13+$0x4C30]  }
0x189: {  	[tilespmem:s28+$0xFFFFFD20] =	vst v9;
	v9 =	vld [tilespmem:s28+$0xFFFFFD30]  }
0x18a: {  	v15 =	vld [tilespmem:s14+$0x4C30]  }
0x18b: {  	v10 =	vadd.f32 v13, v10;
	_ =	sdelay $0x1  }
0x18c: {  	s15 =	spop (v2sf);
	[tilespmem:s30+$0x130] =	vst v10;
	v10 =	vld [tilespmem:s30+$0x180];
	v6 =	vadd.f32 v14, v6  }
0x18d: {  	(v2sf) =	vpush v11, $0xB;
	v13 =	vld [tilespmem:s15+$0xC20]  }
0x18e: {  	s16 =	spop (v2sf);
	v9 =	vadd.f32 v15, v9;
	[tilespmem:s26+$0xFFFFFF30] =	vst v6;
	v6 =	vld [tilespmem:s26+$0xFFFFFF80]  }
0x18f: {  	(v2sf) =	vpush v3, $0x7;
	v14 =	vld [tilespmem:s16+$0xC20]  }
0x190: {  	s18 =	spop (v2sf);
	[tilespmem:s28+$0xFFFFFD30] =	vst v9;
	v9 =	vld [tilespmem:s28+$0xFFFFFD80]  }
0x191: {  	(v2sf) =	vpush v5, $0x3;
	v15 =	vld [tilespmem:s18+$0xC20]  }
0x192: {  	v10 =	vadd.f32 v13, v10;
	_ =	sdelay $0x1  }
0x193: {  	[tilespmem:s30+$0x180] =	vst v10;
	v10 =	vld [tilespmem:s30+$0x190];
	v6 =	vadd.f32 v14, v6  }
0x194: {  	v13 =	vld [tilespmem:s15+$0xC30]  }
0x195: {  	v9 =	vadd.f32 v15, v9;
	[tilespmem:s26+$0xFFFFFF80] =	vst v6;
	v6 =	vld [tilespmem:s26+$0xFFFFFF90]  }
0x196: {  	v14 =	vld [tilespmem:s16+$0xC30]  }
0x197: {  	[tilespmem:s28+$0xFFFFFD80] =	vst v9;
	v9 =	vld [tilespmem:s28+$0xFFFFFD90]  }
0x198: {  	v15 =	vld [tilespmem:s18+$0xC30]  }
0x199: {  	s19 =	simm.s32 $0x30;
	v10 =	vadd.f32 v13, v10  }
0x19a: {  	v13 =	vld.idx.msk [tilespmem:v0+s19+$0x0 ss:$0x1], $0xffff  }
0x19b: {  	s20 =	spop (v2sf);
	[tilespmem:s30+$0x190] =	vst v10;
	v10 =	vld [tilespmem:s30+$0x1A0];
	v6 =	vadd.f32 v14, v6  }
0x19c: {  	(v2sf) =	vpush v12, $0xC;
	v14 =	vld [tilespmem:s20+$0x4C20]  }
0x19d: {  	s21 =	spop (v2sf);
	v9 =	vadd.f32 v15, v9;
	v15 =	vld [tilespmem:s26+$0xFFFFFFA0];
	[tilespmem:s26+$0xFFFFFF90] =	vst v6  }
0x19e: {  	(v2sf) =	vpush v2, $0x8;
	v16 =	vld [tilespmem:s21+$0x4C20]  }
0x19f: {  	s3 =	spop (v2sf);
	v6 =	vsub.s32 v13, v8;
	[tilespmem:s28+$0xFFFFFD90] =	vst v9;
	v9 =	vld [tilespmem:s28+$0xFFFFFDA0]  }
0x1a0: {  	(v2sf) =	vpush v4, $0x4;
	v6 =	vshll.u32 v6, $0x1;
	v17 =	vld [tilespmem:s3+$0x4C20]  }
0x1a1: {  	v6 =	vand.u32 $0xFFFFFFE0, v6;
	v10 =	vadd.f32 v14, v10  }
0x1a2: {  	(v2sf) =	vpush v6, $0x0  }
0x1a3: {  	[tilespmem:s30+$0x1A0] =	vst v10;
	v10 =	vld [tilespmem:s30+$0x1B0];
	v13 =	vadd.f32 v16, v15  }
0x1a4: {  	v14 =	vld [tilespmem:s20+$0x4C30]  }
0x1a5: {  	v9 =	vadd.f32 v17, v9;
	[tilespmem:s26+$0xFFFFFFA0] =	vst v13;
	v13 =	vld [tilespmem:s26+$0xFFFFFFB0]  }
0x1a6: {  	v15 =	vld [tilespmem:s21+$0x4C30]  }
0x1a7: {  	[tilespmem:s28+$0xFFFFFDA0] =	vst v9;
	v9 =	vld [tilespmem:s28+$0xFFFFFDB0]  }
0x1a8: {  	v16 =	vld [tilespmem:s3+$0x4C30]  }
0x1a9: {  	v18 =	vld [tilespmem:s28+$0xFFFFFE00];
	v14 =	vadd.f32 v14, v10  }
0x1aa: {  	v17 =	vld.idx.msk [tilespmem:v1+s19+$0x0 ss:$0x1], $0xffff  }
0x1ab: {  	s22 =	spop (v2sf);
	[tilespmem:s30+$0x1B0] =	vst v14;
	v14 =	vld [tilespmem:s30+$0x200];
	v13 =	vadd.f32 v15, v13  }
0x1ac: {  	(v2sf) =	vpush v11, $0xC;
	v15 =	vld [tilespmem:s22+$0xC20]  }
0x1ad: {  	s23 =	spop (v2sf);
	v9 =	vadd.f32 v16, v9;
	[tilespmem:s26+$0xFFFFFFB0] =	vst v13;
	v13 =	vld [tilespmem:s26+$0x0]  }
0x1ae: {  	(v2sf) =	vpush v3, $0x8;
	v16 =	vld [tilespmem:s23+$0xC20]  }
0x1af: {  	s24 =	spop (v2sf);
	v10 =	vld [tilespmem:s30+$0x3A0];
	[tilespmem:s28+$0xFFFFFDB0] =	vst v9;
	v9 =	vsub.s32 v17, v7  }
0x1b0: {  	s29 =	simm.s32 $0xA820;
	(v2sf) =	vpush v5, $0x4;
	v19 =	vld [tilespmem:s24+$0xC20];
	v9 =	vshll.u32 v9, $0x1  }
0x1b1: {  	v17 =	vld [tilespmem:s29+$0xFFFFFC00];
	s31 =	spop (v2sf);
	v14 =	vadd.f32 v15, v14;
	v9 =	vand.u32 $0xFFFFFFE0, v9  }
0x1b2: {  	v15 =	vld [tilespmem:s31+$0xC20];
	(v2sf) =	vpush v9, $0x0  }
0x1b3: {  	[tilespmem:s30+$0x200] =	vst v14;
	v14 =	vld [tilespmem:s30+$0x210];
	v13 =	vadd.f32 v16, v13  }
0x1b4: {  	v16 =	vld [tilespmem:s22+$0xC30]  }
0x1b5: {  	v18 =	vadd.f32 v19, v18;
	[tilespmem:s26+$0x0] =	vst v13;
	v13 =	vld [tilespmem:s26+$0x10]  }
0x1b6: {  	v19 =	vld [tilespmem:s23+$0xC30]  }
0x1b7: {  	v15 =	vadd.f32 v15, v17;
	v17 =	vld [tilespmem:s28+$0xFFFFFE10];
	[tilespmem:s28+$0xFFFFFE00] =	vst v18  }
0x1b8: {  	v18 =	vld [tilespmem:s24+$0xC30]  }
0x1b9: {  	[tilespmem:s29+$0xFFFFFC00] =	vst v15;
	v15 =	vld [tilespmem:s29+$0xFFFFFC10];
	v14 =	vadd.f32 v16, v14  }
0x1ba: {  	v16 =	vld [tilespmem:s31+$0xC30]  }
0x1bb: {  	s1 =	spop (v2sf);
	[tilespmem:s30+$0x210] =	vst v14;
	v14 =	vld [tilespmem:s30+$0x220];
	v13 =	vadd.f32 v19, v13  }
0x1bc: {  	(v2sf) =	vpush v12, $0xD;
	v19 =	vld [tilespmem:s1+$0x4C20]  }
0x1bd: {  	s2 =	spop (v2sf);
	v17 =	vadd.f32 v18, v17;
	[tilespmem:s26+$0x10] =	vst v13;
	v13 =	vld [tilespmem:s26+$0x20]  }
0x1be: {  	(v2sf) =	vpush v2, $0x9;
	v18 =	vld [tilespmem:s2+$0x4C20]  }
0x1bf: {  	s3 =	spop (v2sf);
	v15 =	vadd.f32 v16, v15;
	v16 =	vld [tilespmem:s28+$0xFFFFFE20];
	[tilespmem:s28+$0xFFFFFE10] =	vst v17  }
0x1c0: {  	(v2sf) =	vpush v4, $0x5;
	v17 =	vld [tilespmem:s3+$0x4C20]  }
0x1c1: {  	[tilespmem:s29+$0xFFFFFC10] =	vst v15;
	v15 =	vld [tilespmem:s29+$0xFFFFFC20];
	s4 =	spop (v2sf);
	v14 =	vadd.f32 v19, v14  }
0x1c2: {  	(v2sf) =	vpush v6, $0x1;
	v19 =	vld [tilespmem:s4+$0x4C20]  }
0x1c3: {  	[tilespmem:s30+$0x220] =	vst v14;
	v14 =	vld [tilespmem:s30+$0x230];
	v13 =	vadd.f32 v18, v13  }
0x1c4: {  	v18 =	vld [tilespmem:s1+$0x4C30]  }
0x1c5: {  	v16 =	vadd.f32 v17, v16;
	[tilespmem:s26+$0x20] =	vst v13;
	v13 =	vld [tilespmem:s26+$0x30]  }
0x1c6: {  	v17 =	vld [tilespmem:s2+$0x4C30]  }
0x1c7: {  	v15 =	vadd.f32 v19, v15;
	[tilespmem:s28+$0xFFFFFE20] =	vst v16;
	v16 =	vld [tilespmem:s28+$0xFFFFFE30]  }
0x1c8: {  	v19 =	vld [tilespmem:s3+$0x4C30]  }
0x1c9: {  	[tilespmem:s29+$0xFFFFFC20] =	vst v15;
	v15 =	vld [tilespmem:s29+$0xFFFFFC30];
	v14 =	vadd.f32 v18, v14  }
0x1ca: {  	v18 =	vld [tilespmem:s4+$0x4C30]  }
0x1cb: {  	s5 =	spop (v2sf);
	[tilespmem:s30+$0x230] =	vst v14;
	v14 =	vld [tilespmem:s30+$0x280];
	v13 =	vadd.f32 v17, v13  }
0x1cc: {  	(v2sf) =	vpush v11, $0xD;
	v17 =	vld [tilespmem:s5+$0xC20]  }
0x1cd: {  	s6 =	spop (v2sf);
	v16 =	vadd.f32 v19, v16;
	[tilespmem:s26+$0x30] =	vst v13;
	v13 =	vld [tilespmem:s26+$0x80]  }
0x1ce: {  	(v2sf) =	vpush v3, $0x9;
	v19 =	vld [tilespmem:s6+$0xC20]  }
0x1cf: {  	s7 =	spop (v2sf);
	v15 =	vadd.f32 v18, v15;
	[tilespmem:s28+$0xFFFFFE30] =	vst v16;
	v16 =	vld [tilespmem:s28+$0xFFFFFE80]  }
0x1d0: {  	(v2sf) =	vpush v5, $0x5;
	v18 =	vld [tilespmem:s7+$0xC20]  }
0x1d1: {  	s8 =	spop (v2sf);
	[tilespmem:s29+$0xFFFFFC30] =	vst v15;
	v15 =	vld [tilespmem:s29+$0xFFFFFC80];
	v14 =	vadd.f32 v17, v14  }
0x1d2: {  	(v2sf) =	vpush v9, $0x1;
	v17 =	vld [tilespmem:s8+$0xC20]  }
0x1d3: {  	[tilespmem:s30+$0x280] =	vst v14;
	v14 =	vld [tilespmem:s30+$0x290];
	v13 =	vadd.f32 v19, v13  }
0x1d4: {  	v19 =	vld [tilespmem:s5+$0xC30]  }
0x1d5: {  	v16 =	vadd.f32 v18, v16;
	[tilespmem:s26+$0x80] =	vst v13;
	v13 =	vld [tilespmem:s26+$0x90]  }
0x1d6: {  	v18 =	vld [tilespmem:s6+$0xC30]  }
0x1d7: {  	v15 =	vadd.f32 v17, v15;
	[tilespmem:s28+$0xFFFFFE80] =	vst v16;
	v16 =	vld [tilespmem:s28+$0xFFFFFE90]  }
0x1d8: {  	v17 =	vld [tilespmem:s7+$0xC30]  }
0x1d9: {  	[tilespmem:s29+$0xFFFFFC80] =	vst v15;
	v15 =	vld [tilespmem:s29+$0xFFFFFC90];
	v14 =	vadd.f32 v19, v14  }
0x1da: {  	v19 =	vld [tilespmem:s8+$0xC30]  }
0x1db: {  	s9 =	spop (v2sf);
	[tilespmem:s30+$0x290] =	vst v14;
	v14 =	vld [tilespmem:s30+$0x2A0];
	v13 =	vadd.f32 v18, v13  }
0x1dc: {  	(v2sf) =	vpush v12, $0xE;
	v18 =	vld [tilespmem:s9+$0x4C20]  }
0x1dd: {  	s10 =	spop (v2sf);
	v16 =	vadd.f32 v17, v16;
	[tilespmem:s26+$0x90] =	vst v13;
	v13 =	vld [tilespmem:s26+$0xA0]  }
0x1de: {  	(v2sf) =	vpush v2, $0xA;
	v17 =	vld [tilespmem:s10+$0x4C20]  }
0x1df: {  	s11 =	spop (v2sf);
	v15 =	vadd.f32 v19, v15;
	[tilespmem:s28+$0xFFFFFE90] =	vst v16;
	v16 =	vld [tilespmem:s28+$0xFFFFFEA0]  }
0x1e0: {  	(v2sf) =	vpush v4, $0x6;
	v19 =	vld [tilespmem:s11+$0x4C20]  }
0x1e1: {  	s12 =	spop (v2sf);
	(v2sf) =	vpush v6, $0x2;
	[tilespmem:s29+$0xFFFFFC90] =	vst v15;
	v15 =	vld [tilespmem:s29+$0xFFFFFCA0];
	v14 =	vadd.f32 v18, v14  }
0x1e2: {  	v18 =	vld [tilespmem:s12+$0x4C20]  }
0x1e3: {  	[tilespmem:s30+$0x2A0] =	vst v14;
	v14 =	vld [tilespmem:s30+$0x2B0];
	v13 =	vadd.f32 v17, v13  }
0x1e4: {  	v17 =	vld [tilespmem:s9+$0x4C30]  }
0x1e5: {  	v16 =	vadd.f32 v19, v16;
	[tilespmem:s26+$0xA0] =	vst v13;
	v13 =	vld [tilespmem:s26+$0xB0]  }
0x1e6: {  	v19 =	vld [tilespmem:s10+$0x4C30]  }
0x1e7: {  	v15 =	vadd.f32 v18, v15;
	[tilespmem:s28+$0xFFFFFEA0] =	vst v16;
	v16 =	vld [tilespmem:s28+$0xFFFFFEB0]  }
0x1e8: {  	v18 =	vld [tilespmem:s11+$0x4C30]  }
0x1e9: {  	[tilespmem:s29+$0xFFFFFCA0] =	vst v15;
	v15 =	vld [tilespmem:s29+$0xFFFFFCB0];
	v14 =	vadd.f32 v17, v14  }
0x1ea: {  	v17 =	vld [tilespmem:s12+$0x4C30]  }
0x1eb: {  	s13 =	spop (v2sf);
	[tilespmem:s30+$0x2B0] =	vst v14;
	v14 =	vld [tilespmem:s30+$0x300];
	v13 =	vadd.f32 v19, v13  }
0x1ec: {  	(v2sf) =	vpush v11, $0xE;
	v19 =	vld [tilespmem:s13+$0xC20]  }
0x1ed: {  	s14 =	spop (v2sf);
	v16 =	vadd.f32 v18, v16;
	[tilespmem:s26+$0xB0] =	vst v13;
	v13 =	vld [tilespmem:s26+$0x100]  }
0x1ee: {  	(v2sf) =	vpush v3, $0xA;
	v18 =	vld [tilespmem:s14+$0xC20]  }
0x1ef: {  	s15 =	spop (v2sf);
	(v2sf) =	vpush v5, $0x6;
	v15 =	vadd.f32 v17, v15;
	[tilespmem:s28+$0xFFFFFEB0] =	vst v16;
	v16 =	vld [tilespmem:s28+$0xFFFFFF00]  }
0x1f0: {  	s16 =	spop (v2sf);
	(v2sf) =	vpush v9, $0x2;
	v17 =	vld [tilespmem:s15+$0xC20]  }
0x1f1: {  	[tilespmem:s29+$0xFFFFFCB0] =	vst v15;
	v15 =	vld [tilespmem:s29+$0xFFFFFD00];
	v14 =	vadd.f32 v19, v14  }
0x1f2: {  	v19 =	vld [tilespmem:s16+$0xC20]  }
0x1f3: {  	[tilespmem:s30+$0x300] =	vst v14;
	v14 =	vld [tilespmem:s30+$0x310];
	v13 =	vadd.f32 v18, v13  }
0x1f4: {  	v18 =	vld [tilespmem:s13+$0xC30]  }
0x1f5: {  	v16 =	vadd.f32 v17, v16;
	[tilespmem:s26+$0x100] =	vst v13;
	v13 =	vld [tilespmem:s26+$0x110]  }
0x1f6: {  	v17 =	vld [tilespmem:s14+$0xC30]  }
0x1f7: {  	v15 =	vadd.f32 v19, v15;
	[tilespmem:s28+$0xFFFFFF00] =	vst v16;
	v16 =	vld [tilespmem:s28+$0xFFFFFF10]  }
0x1f8: {  	v19 =	vld [tilespmem:s15+$0xC30]  }
0x1f9: {  	[tilespmem:s29+$0xFFFFFD00] =	vst v15;
	v15 =	vld [tilespmem:s29+$0xFFFFFD10];
	v14 =	vadd.f32 v18, v14  }
0x1fa: {  	v18 =	vld [tilespmem:s16+$0xC30]  }
0x1fb: {  	s18 =	spop (v2sf);
	[tilespmem:s30+$0x310] =	vst v14;
	v14 =	vld [tilespmem:s30+$0x320];
	v13 =	vadd.f32 v17, v13  }
0x1fc: {  	(v2sf) =	vpush v12, $0xF;
	v17 =	vld [tilespmem:s18+$0x4C20]  }
0x1fd: {  	s19 =	spop (v2sf);
	(v2sf) =	vpush v2, $0xB;
	v16 =	vadd.f32 v19, v16;
	[tilespmem:s26+$0x110] =	vst v13;
	v13 =	vld [tilespmem:s26+$0x120]  }
0x1fe: {  	s20 =	spop (v2sf);
	(v2sf) =	vpush v4, $0x7;
	v12 =	vld [tilespmem:s19+$0x4C20]  }
0x1ff: {  	s21 =	spop (v2sf);
	(v2sf) =	vpush v6, $0x3;
	v15 =	vadd.f32 v18, v15;
	[tilespmem:s28+$0xFFFFFF10] =	vst v16;
	v16 =	vld [tilespmem:s28+$0xFFFFFF20]  }
0x200: {  	v18 =	vld [tilespmem:s20+$0x4C20]  }
0x201: {  	[tilespmem:s29+$0xFFFFFD10] =	vst v15;
	v15 =	vld [tilespmem:s29+$0xFFFFFD20];
	v14 =	vadd.f32 v17, v14  }
0x202: {  	v17 =	vld [tilespmem:s21+$0x4C20]  }
0x203: {  	[tilespmem:s30+$0x320] =	vst v14;
	v12 =	vadd.f32 v12, v13;
	v13 =	vld [tilespmem:s30+$0x330]  }
0x204: {  	v14 =	vld [tilespmem:s18+$0x4C30]  }
0x205: {  	v16 =	vadd.f32 v18, v16;
	[tilespmem:s26+$0x120] =	vst v12;
	v12 =	vld [tilespmem:s26+$0x130]  }
0x206: {  	v18 =	vld [tilespmem:s19+$0x4C30]  }
0x207: {  	v15 =	vadd.f32 v17, v15;
	[tilespmem:s28+$0xFFFFFF20] =	vst v16;
	v16 =	vld [tilespmem:s28+$0xFFFFFF30]  }
0x208: {  	v17 =	vld [tilespmem:s20+$0x4C30]  }
0x209: {  	[tilespmem:s29+$0xFFFFFD20] =	vst v15;
	v15 =	vld [tilespmem:s29+$0xFFFFFD30];
	v13 =	vadd.f32 v14, v13  }
0x20a: {  	v14 =	vld [tilespmem:s21+$0x4C30]  }
0x20b: {  	s22 =	spop (v2sf);
	[tilespmem:s30+$0x330] =	vst v13;
	v13 =	vld [tilespmem:s30+$0x380];
	v12 =	vadd.f32 v18, v12  }
0x20c: {  	s23 =	spop (v2sf);
	(v2sf) =	vpush v11, $0xF;
	v18 =	vld [tilespmem:s22+$0xC20]  }
0x20d: {  	s24 =	spop (v2sf);
	v16 =	vadd.f32 v17, v16;
	[tilespmem:s26+$0x130] =	vst v12;
	v12 =	vld [tilespmem:s26+$0x180]  }
0x20e: {  	s31 =	spop (v2sf);
	(v2sf) =	vpush v3, $0xB;
	v17 =	vld [tilespmem:s23+$0xC20]  }
0x20f: {  	v14 =	vadd.f32 v14, v15;
	[tilespmem:s28+$0xFFFFFF30] =	vst v16;
	v15 =	vld [tilespmem:s28+$0xFFFFFF80]  }
0x210: {  	(v2sf) =	vpush v5, $0x7;
	v16 =	vld [tilespmem:s24+$0xC20]  }
0x211: {  	[tilespmem:s29+$0xFFFFFD30] =	vst v14;
	v14 =	vld [tilespmem:s29+$0xFFFFFD80];
	v13 =	vadd.f32 v18, v13  }
0x212: {  	(v2sf) =	vpush v9, $0x3;
	v18 =	vld [tilespmem:s31+$0xC20]  }
0x213: {  	[tilespmem:s30+$0x380] =	vst v13;
	v12 =	vadd.f32 v17, v12;
	v17 =	vld [tilespmem:s30+$0x390]  }
0x214: {  	v19 =	vld [tilespmem:s22+$0xC30]  }
0x215: {  	v13 =	vld [tilespmem:s26+$0x190];
	v16 =	vadd.f32 v16, v15;
	[tilespmem:s26+$0x180] =	vst v12  }
0x216: {  	v15 =	vld [tilespmem:s23+$0xC30]  }
0x217: {  	v12 =	vadd.f32 v18, v14;
	[tilespmem:s28+$0xFFFFFF80] =	vst v16;
	v14 =	vld [tilespmem:s28+$0xFFFFFF90]  }
0x218: {  	v16 =	vld [tilespmem:s24+$0xC30]  }
0x219: {  	v11 =	vld [tilespmem:s29+$0xFFFFFD90];
	[tilespmem:s29+$0xFFFFFD80] =	vst v12;
	v12 =	vadd.f32 v19, v17  }
0x21a: {  	s0 =	simm.s32 $0x140;
	s1 =	simm.s32 $0x40;
	v17 =	vld [tilespmem:s31+$0xC30]  }
.LBB2_4:
0x21b: {  	p0 =	sne.s32 s0, $0x7C0;
	v18 =	vld.idx.msk [tilespmem:v0+s1+$0x0 ss:$0x1], $0xffff;
	v13 =	vadd.f32 v15, v13;
	[tilespmem:s30+$0x390] =	vst v12;
	s2 =	spop (v2sf)  }
0x21c: {  	v12 =	vld [tilespmem:s2+$0x4C20]  }
0x21d: {  	v14 =	vadd.f32 v16, v14;
	[tilespmem:s26+$0x190] =	vst v13;
	v13 =	vld [tilespmem:s26+$0x1A0];
	s3 =	spop (v2sf)  }
0x21e: {  	v15 =	vld [tilespmem:s3+$0x4C20];
	(v2sf) =	vpush v2, $0xC  }
0x21f: {  	v11 =	vadd.f32 v17, v11;
	[tilespmem:s28+$0xFFFFFF90] =	vst v14;
	v14 =	vld [tilespmem:s28+$0xFFFFFFA0];
	s4 =	spop (v2sf)  }
0x220: {  	v16 =	vld [tilespmem:s4+$0x4C20];
	(v2sf) =	vpush v4, $0x8  }
0x221: {  	v17 =	vsub.s32 v18, v8;
	[tilespmem:s29+$0xFFFFFD90] =	vst v11;
	v18 =	vld [tilespmem:s29+$0xFFFFFDA0];
	s5 =	spop (v2sf);
	v10 =	vadd.f32 v12, v10  }
0x222: {  	v11 =	vshll.u32 v17, $0x1;
	v12 =	vld [tilespmem:s5+$0x4C20];
	(v2sf) =	vpush v6, $0x4  }
0x223: {  	v11 =	vand.u32 $0xFFFFFFE0, v11;
	v13 =	vadd.f32 v15, v13;
	[tilespmem:s30+$0x3A0] =	vst v10;
	v10 =	vld [tilespmem:s30+$0x3B0]  }
0x224: {  	(v2sf) =	vpush v11, $0x0;
	v15 =	vld [tilespmem:s2+$0x4C30]  }
0x225: {  	v14 =	vadd.f32 v16, v14;
	[tilespmem:s26+$0x1A0] =	vst v13;
	v13 =	vld [tilespmem:s26+$0x1B0]  }
0x226: {  	v16 =	vld [tilespmem:s3+$0x4C30]  }
0x227: {  	v12 =	vadd.f32 v12, v18;
	[tilespmem:s28+$0xFFFFFFA0] =	vst v14;
	v14 =	vld [tilespmem:s28+$0xFFFFFFB0]  }
0x228: {  	v17 =	vld [tilespmem:s4+$0x4C30]  }
0x229: {  	[tilespmem:s29+$0xFFFFFDA0] =	vst v12;
	v12 =	vld [tilespmem:s29+$0xFFFFFDB0];
	v10 =	vadd.f32 v15, v10  }
0x22a: {  	v15 =	vld [tilespmem:s5+$0x4C30]  }
0x22b: {  	v18 =	vld.idx.msk [tilespmem:v1+s1+$0x0 ss:$0x1], $0xffff;
	v13 =	vadd.f32 v16, v13;
	[tilespmem:s30+$0x3B0] =	vst v10;
	s30 =	smov.u32 s26;
	s26 =	smov.u32 s28;
	s28 =	smov.u32 s29  }
0x22c: {  	v10 =	vld [tilespmem:s30+$0x3A0]  }
0x22d: {  	v14 =	vadd.f32 v17, v14;
	[tilespmem:s30+$0x1B0] =	vst v13;
	v13 =	vld [tilespmem:s30+$0x200];
	s1 =	spop (v2sf)  }
0x22e: {  	v16 =	vld [tilespmem:s1+$0xC20];
	(v2sf) =	vpush v3, $0xC  }
0x22f: {  	v12 =	vadd.f32 v15, v12;
	[tilespmem:s26+$0xFFFFFFB0] =	vst v14;
	v14 =	vld [tilespmem:s26+$0x0];
	s2 =	spop (v2sf)  }
0x230: {  	v15 =	vld [tilespmem:s2+$0xC20];
	(v2sf) =	vpush v5, $0x8  }
0x231: {  	v17 =	vsub.s32 v18, v7;
	[tilespmem:s29+$0xFFFFFDB0] =	vst v12;
	v18 =	vld [tilespmem:s29+$0xFFFFFE00];
	s3 =	spop (v2sf)  }
0x232: {  	v12 =	vshll.u32 v17, $0x1;
	s29 =	sadd.s32 $0x800, s29;
	v17 =	vld [tilespmem:s3+$0xC20];
	(v2sf) =	vpush v9, $0x4  }
0x233: {  	v12 =	vand.u32 $0xFFFFFFE0, v12;
	v19 =	vld [tilespmem:s29+$0xFFFFFC00];
	s4 =	spop (v2sf);
	v13 =	vadd.f32 v16, v13  }
0x234: {  	v16 =	vld [tilespmem:s4+$0xC20];
	(v2sf) =	vpush v12, $0x0  }
0x235: {  	v14 =	vadd.f32 v15, v14;
	[tilespmem:s30+$0x200] =	vst v13;
	v13 =	vld [tilespmem:s30+$0x210]  }
0x236: {  	v15 =	vld [tilespmem:s1+$0xC30]  }
0x237: {  	v17 =	vadd.f32 v17, v18;
	[tilespmem:s26+$0x0] =	vst v14;
	v14 =	vld [tilespmem:s26+$0x10]  }
0x238: {  	v18 =	vld [tilespmem:s2+$0xC30]  }
0x239: {  	v16 =	vadd.f32 v16, v19;
	[tilespmem:s28+$0xFFFFFE00] =	vst v17;
	v17 =	vld [tilespmem:s28+$0xFFFFFE10]  }
0x23a: {  	v19 =	vld [tilespmem:s3+$0xC30]  }
0x23b: {  	[tilespmem:s29+$0xFFFFFC00] =	vst v16;
	v16 =	vld [tilespmem:s29+$0xFFFFFC10];
	v13 =	vadd.f32 v15, v13  }
0x23c: {  	v15 =	vld [tilespmem:s4+$0xC30]  }
0x23d: {  	v14 =	vadd.f32 v18, v14;
	[tilespmem:s30+$0x210] =	vst v13;
	v13 =	vld [tilespmem:s30+$0x220];
	s1 =	spop (v2sf)  }
0x23e: {  	v18 =	vld [tilespmem:s1+$0x4C20];
	(v2sf) =	vpush v2, $0xD  }
0x23f: {  	v17 =	vadd.f32 v19, v17;
	[tilespmem:s26+$0x10] =	vst v14;
	v14 =	vld [tilespmem:s26+$0x20];
	s2 =	spop (v2sf)  }
0x240: {  	v19 =	vld [tilespmem:s2+$0x4C20];
	(v2sf) =	vpush v4, $0x9  }
0x241: {  	v15 =	vadd.f32 v15, v16;
	[tilespmem:s28+$0xFFFFFE10] =	vst v17;
	v16 =	vld [tilespmem:s28+$0xFFFFFE20];
	s3 =	spop (v2sf)  }
0x242: {  	v17 =	vld [tilespmem:s3+$0x4C20];
	(v2sf) =	vpush v6, $0x5  }
0x243: {  	[tilespmem:s29+$0xFFFFFC10] =	vst v15;
	v15 =	vld [tilespmem:s29+$0xFFFFFC20];
	s4 =	spop (v2sf);
	v13 =	vadd.f32 v18, v13  }
0x244: {  	v18 =	vld [tilespmem:s4+$0x4C20];
	(v2sf) =	vpush v11, $0x1  }
0x245: {  	v14 =	vadd.f32 v19, v14;
	[tilespmem:s30+$0x220] =	vst v13;
	v13 =	vld [tilespmem:s30+$0x230]  }
0x246: {  	v19 =	vld [tilespmem:s1+$0x4C30]  }
0x247: {  	v16 =	vadd.f32 v17, v16;
	[tilespmem:s26+$0x20] =	vst v14;
	v14 =	vld [tilespmem:s26+$0x30]  }
0x248: {  	v17 =	vld [tilespmem:s2+$0x4C30]  }
0x249: {  	v15 =	vadd.f32 v18, v15;
	[tilespmem:s28+$0xFFFFFE20] =	vst v16;
	v16 =	vld [tilespmem:s28+$0xFFFFFE30]  }
0x24a: {  	v18 =	vld [tilespmem:s3+$0x4C30]  }
0x24b: {  	[tilespmem:s29+$0xFFFFFC20] =	vst v15;
	v15 =	vld [tilespmem:s29+$0xFFFFFC30];
	v13 =	vadd.f32 v19, v13  }
0x24c: {  	v19 =	vld [tilespmem:s4+$0x4C30]  }
0x24d: {  	v14 =	vadd.f32 v17, v14;
	[tilespmem:s30+$0x230] =	vst v13;
	v13 =	vld [tilespmem:s30+$0x280];
	s1 =	spop (v2sf)  }
0x24e: {  	v17 =	vld [tilespmem:s1+$0xC20];
	(v2sf) =	vpush v3, $0xD  }
0x24f: {  	v16 =	vadd.f32 v18, v16;
	[tilespmem:s26+$0x30] =	vst v14;
	v14 =	vld [tilespmem:s26+$0x80];
	s2 =	spop (v2sf)  }
0x250: {  	v18 =	vld [tilespmem:s2+$0xC20];
	(v2sf) =	vpush v5, $0x9  }
0x251: {  	v15 =	vadd.f32 v19, v15;
	[tilespmem:s28+$0xFFFFFE30] =	vst v16;
	v16 =	vld [tilespmem:s28+$0xFFFFFE80];
	s3 =	spop (v2sf)  }
0x252: {  	v19 =	vld [tilespmem:s3+$0xC20];
	(v2sf) =	vpush v9, $0x5  }
0x253: {  	[tilespmem:s29+$0xFFFFFC30] =	vst v15;
	v15 =	vld [tilespmem:s29+$0xFFFFFC80];
	s4 =	spop (v2sf);
	v13 =	vadd.f32 v17, v13  }
0x254: {  	v17 =	vld [tilespmem:s4+$0xC20];
	(v2sf) =	vpush v12, $0x1  }
0x255: {  	v14 =	vadd.f32 v18, v14;
	[tilespmem:s30+$0x280] =	vst v13;
	v13 =	vld [tilespmem:s30+$0x290]  }
0x256: {  	v18 =	vld [tilespmem:s1+$0xC30]  }
0x257: {  	v16 =	vadd.f32 v19, v16;
	[tilespmem:s26+$0x80] =	vst v14;
	v14 =	vld [tilespmem:s26+$0x90]  }
0x258: {  	v19 =	vld [tilespmem:s2+$0xC30]  }
0x259: {  	v15 =	vadd.f32 v17, v15;
	[tilespmem:s28+$0xFFFFFE80] =	vst v16;
	v16 =	vld [tilespmem:s28+$0xFFFFFE90]  }
0x25a: {  	v17 =	vld [tilespmem:s3+$0xC30]  }
0x25b: {  	[tilespmem:s29+$0xFFFFFC80] =	vst v15;
	v15 =	vld [tilespmem:s29+$0xFFFFFC90];
	v13 =	vadd.f32 v18, v13  }
0x25c: {  	v18 =	vld [tilespmem:s4+$0xC30]  }
0x25d: {  	v14 =	vadd.f32 v19, v14;
	[tilespmem:s30+$0x290] =	vst v13;
	v13 =	vld [tilespmem:s30+$0x2A0];
	s1 =	spop (v2sf)  }
0x25e: {  	v19 =	vld [tilespmem:s1+$0x4C20];
	(v2sf) =	vpush v2, $0xE  }
0x25f: {  	v16 =	vadd.f32 v17, v16;
	[tilespmem:s26+$0x90] =	vst v14;
	v14 =	vld [tilespmem:s26+$0xA0];
	s2 =	spop (v2sf)  }
0x260: {  	v17 =	vld [tilespmem:s2+$0x4C20];
	(v2sf) =	vpush v4, $0xA  }
0x261: {  	v15 =	vadd.f32 v18, v15;
	[tilespmem:s28+$0xFFFFFE90] =	vst v16;
	v16 =	vld [tilespmem:s28+$0xFFFFFEA0];
	s3 =	spop (v2sf)  }
0x262: {  	v18 =	vld [tilespmem:s3+$0x4C20];
	(v2sf) =	vpush v6, $0x6  }
0x263: {  	[tilespmem:s29+$0xFFFFFC90] =	vst v15;
	v15 =	vld [tilespmem:s29+$0xFFFFFCA0];
	s4 =	spop (v2sf);
	v13 =	vadd.f32 v19, v13  }
0x264: {  	v19 =	vld [tilespmem:s4+$0x4C20];
	(v2sf) =	vpush v11, $0x2  }
0x265: {  	v14 =	vadd.f32 v17, v14;
	[tilespmem:s30+$0x2A0] =	vst v13;
	v13 =	vld [tilespmem:s30+$0x2B0]  }
0x266: {  	v17 =	vld [tilespmem:s1+$0x4C30]  }
0x267: {  	v16 =	vadd.f32 v18, v16;
	[tilespmem:s26+$0xA0] =	vst v14;
	v14 =	vld [tilespmem:s26+$0xB0]  }
0x268: {  	v18 =	vld [tilespmem:s2+$0x4C30]  }
0x269: {  	v15 =	vadd.f32 v19, v15;
	[tilespmem:s28+$0xFFFFFEA0] =	vst v16;
	v16 =	vld [tilespmem:s28+$0xFFFFFEB0]  }
0x26a: {  	v19 =	vld [tilespmem:s3+$0x4C30]  }
0x26b: {  	[tilespmem:s29+$0xFFFFFCA0] =	vst v15;
	v15 =	vld [tilespmem:s29+$0xFFFFFCB0];
	v13 =	vadd.f32 v17, v13  }
0x26c: {  	v17 =	vld [tilespmem:s4+$0x4C30]  }
0x26d: {  	v14 =	vadd.f32 v18, v14;
	[tilespmem:s30+$0x2B0] =	vst v13;
	v13 =	vld [tilespmem:s30+$0x300];
	s1 =	spop (v2sf)  }
0x26e: {  	v18 =	vld [tilespmem:s1+$0xC20];
	(v2sf) =	vpush v3, $0xE  }
0x26f: {  	v16 =	vadd.f32 v19, v16;
	[tilespmem:s26+$0xB0] =	vst v14;
	v14 =	vld [tilespmem:s26+$0x100];
	s2 =	spop (v2sf)  }
0x270: {  	v19 =	vld [tilespmem:s2+$0xC20];
	(v2sf) =	vpush v5, $0xA  }
0x271: {  	v15 =	vadd.f32 v17, v15;
	[tilespmem:s28+$0xFFFFFEB0] =	vst v16;
	v16 =	vld [tilespmem:s28+$0xFFFFFF00];
	s3 =	spop (v2sf)  }
0x272: {  	v17 =	vld [tilespmem:s3+$0xC20];
	(v2sf) =	vpush v9, $0x6  }
0x273: {  	[tilespmem:s29+$0xFFFFFCB0] =	vst v15;
	v15 =	vld [tilespmem:s29+$0xFFFFFD00];
	s4 =	spop (v2sf);
	v13 =	vadd.f32 v18, v13  }
0x274: {  	v18 =	vld [tilespmem:s4+$0xC20];
	(v2sf) =	vpush v12, $0x2  }
0x275: {  	v14 =	vadd.f32 v19, v14;
	[tilespmem:s30+$0x300] =	vst v13;
	v13 =	vld [tilespmem:s30+$0x310]  }
0x276: {  	v19 =	vld [tilespmem:s1+$0xC30]  }
0x277: {  	v16 =	vadd.f32 v17, v16;
	[tilespmem:s26+$0x100] =	vst v14;
	v14 =	vld [tilespmem:s26+$0x110]  }
0x278: {  	v17 =	vld [tilespmem:s2+$0xC30]  }
0x279: {  	v15 =	vadd.f32 v18, v15;
	[tilespmem:s28+$0xFFFFFF00] =	vst v16;
	v16 =	vld [tilespmem:s28+$0xFFFFFF10]  }
0x27a: {  	v18 =	vld [tilespmem:s3+$0xC30]  }
0x27b: {  	[tilespmem:s29+$0xFFFFFD00] =	vst v15;
	v15 =	vld [tilespmem:s29+$0xFFFFFD10];
	v13 =	vadd.f32 v19, v13  }
0x27c: {  	v19 =	vld [tilespmem:s4+$0xC30]  }
0x27d: {  	v14 =	vadd.f32 v17, v14;
	[tilespmem:s30+$0x310] =	vst v13;
	v13 =	vld [tilespmem:s30+$0x320];
	s1 =	spop (v2sf)  }
0x27e: {  	v17 =	vld [tilespmem:s1+$0x4C20];
	(v2sf) =	vpush v2, $0xF;
	v2 =	vmovc v4;
	v4 =	vmov v6;
	v6 =	vmov v11  }
0x27f: {  	v11 =	vadd.f32 v18, v16;
	[tilespmem:s26+$0x110] =	vst v14;
	v14 =	vld [tilespmem:s26+$0x120];
	s2 =	spop (v2sf)  }
0x280: {  	v16 =	vld [tilespmem:s2+$0x4C20];
	(v2sf) =	vpush v2, $0xB  }
0x281: {  	v15 =	vadd.f32 v19, v15;
	[tilespmem:s28+$0xFFFFFF10] =	vst v11;
	v11 =	vld [tilespmem:s28+$0xFFFFFF20];
	s3 =	spop (v2sf)  }
0x282: {  	v18 =	vld [tilespmem:s3+$0x4C20];
	(v2sf) =	vpush v4, $0x7  }
0x283: {  	[tilespmem:s29+$0xFFFFFD10] =	vst v15;
	v15 =	vld [tilespmem:s29+$0xFFFFFD20];
	s4 =	spop (v2sf);
	v13 =	vadd.f32 v17, v13  }
0x284: {  	v17 =	vld [tilespmem:s4+$0x4C20];
	(v2sf) =	vpush v6, $0x3  }
0x285: {  	v14 =	vadd.f32 v16, v14;
	[tilespmem:s30+$0x320] =	vst v13;
	v13 =	vld [tilespmem:s30+$0x330]  }
0x286: {  	v16 =	vld [tilespmem:s1+$0x4C30]  }
0x287: {  	v11 =	vadd.f32 v18, v11;
	[tilespmem:s26+$0x120] =	vst v14;
	v14 =	vld [tilespmem:s26+$0x130]  }
0x288: {  	v18 =	vld [tilespmem:s2+$0x4C30]  }
0x289: {  	v15 =	vadd.f32 v17, v15;
	[tilespmem:s28+$0xFFFFFF20] =	vst v11;
	v11 =	vld [tilespmem:s28+$0xFFFFFF30]  }
0x28a: {  	v17 =	vld [tilespmem:s3+$0x4C30]  }
0x28b: {  	[tilespmem:s29+$0xFFFFFD20] =	vst v15;
	v15 =	vld [tilespmem:s29+$0xFFFFFD30];
	v13 =	vadd.f32 v16, v13  }
0x28c: {  	v16 =	vld [tilespmem:s4+$0x4C30]  }
0x28d: {  	v14 =	vadd.f32 v18, v14;
	[tilespmem:s30+$0x330] =	vst v13;
	v13 =	vld [tilespmem:s30+$0x380];
	s1 =	spop (v2sf)  }
0x28e: {  	v18 =	vld [tilespmem:s1+$0xC20];
	(v2sf) =	vpush v3, $0xF;
	v3 =	vmovc v5;
	v5 =	vmov v9;
	v9 =	vmov v12  }
0x28f: {  	v11 =	vadd.f32 v17, v11;
	[tilespmem:s26+$0x130] =	vst v14;
	v12 =	vld [tilespmem:s26+$0x180];
	s2 =	spop (v2sf)  }
0x290: {  	v14 =	vld [tilespmem:s2+$0xC20];
	(v2sf) =	vpush v3, $0xB  }
0x291: {  	v15 =	vadd.f32 v16, v15;
	[tilespmem:s28+$0xFFFFFF30] =	vst v11;
	v11 =	vld [tilespmem:s28+$0xFFFFFF80];
	s3 =	spop (v2sf)  }
0x292: {  	v16 =	vld [tilespmem:s3+$0xC20];
	(v2sf) =	vpush v5, $0x7  }
0x293: {  	[tilespmem:s29+$0xFFFFFD30] =	vst v15;
	v17 =	vld [tilespmem:s29+$0xFFFFFD80];
	s4 =	spop (v2sf);
	v13 =	vadd.f32 v18, v13  }
0x294: {  	v18 =	vld [tilespmem:s4+$0xC20];
	(v2sf) =	vpush v9, $0x3  }
0x295: {  	v12 =	vadd.f32 v14, v12;
	[tilespmem:s30+$0x380] =	vst v13;
	v19 =	vld [tilespmem:s30+$0x390]  }
0x296: {  	v20 =	vld [tilespmem:s1+$0xC30]  }
0x297: {  	v11 =	vadd.f32 v16, v11;
	[tilespmem:s26+$0x180] =	vst v12;
	v13 =	vld [tilespmem:s26+$0x190]  }
.Ltmp1:
0x298: {  	v15 =	vld [tilespmem:s2+$0xC30];
	(pc) =	sbr.rel @p0 .LBB2_4-.Ltmp1, $4  }
0x299: {  	v12 =	vadd.f32 v18, v17;
	[tilespmem:s28+$0xFFFFFF80] =	vst v11;
	v14 =	vld [tilespmem:s28+$0xFFFFFF90]  }
0x29a: {  	v16 =	vld [tilespmem:s3+$0xC30]  }
0x29b: {  	[tilespmem:s29+$0xFFFFFD80] =	vst v12;
	v11 =	vld [tilespmem:s29+$0xFFFFFD90];
	v12 =	vadd.f32 v20, v19  }
0x29c: {  	s1 =	sshra.s32 s0, $0x2;
	s0 =	sadd.s32 $0x40, s0;
	v17 =	vld [tilespmem:s4+$0xC30]  }
0x29d: {  	_ =	sdelay $0x3  }
0x29e: {  	v39 =	vld.idx.msk [tilespmem:v0+s1+$0x0 ss:$0x1], $0xffff  }
0x29f: {  	v40 =	vld [tilespmem:s26+$0x1A0]  }
0x2a0: {  	v13 =	vadd.f32 v15, v13;
	v42 =	vld [tilespmem:s28+$0xFFFFFFA0]  }
0x2a1: {  	s0 =	spop (v2sf);
	v18 =	vld [tilespmem:s29+$0xFFFFFDA0];
	v14 =	vadd.f32 v16, v14  }
0x2a2: {  	v46 =	vld [tilespmem:s26+$0x1B0];
	[tilespmem:s26+$0x190] =	vst v13;
	s2 =	spop (v2sf);
	v11 =	vadd.f32 v17, v11  }
0x2a3: {  	(v2sf) =	vpush v2, $0xC;
	v41 =	vld [tilespmem:s2+$0x4C20];
	[tilespmem:s28+$0xFFFFFF90] =	vst v14;
	s3 =	spop (v2sf);
	v8 =	vsub.s32 v39, v8  }
0x2a4: {  	v43 =	vld [tilespmem:s3+$0x4C20];
	[tilespmem:s29+$0xFFFFFD90] =	vst v11;
	s4 =	spop (v2sf);
	(v2sf) =	vpush v4, $0x8;
	v8 =	vshll.u32 v8, $0x1  }
0x2a5: {  	v19 =	vld [tilespmem:s4+$0x4C20];
	(v2sf) =	vpush v6, $0x4;
	v11 =	vand.u32 $0xFFFFFFE0, v8  }
0x2a6: {  	v49 =	vld [tilespmem:s28+$0xFFFFFFB0];
	(v2sf) =	vpush v11, $0x0  }
0x2a7: {  	v51 =	vld [tilespmem:s29+$0xFFFFFDB0]  }
0x2a8: {  	v53 =	vld.idx.msk [tilespmem:v1+s1+$0x0 ss:$0x1], $0xffff;
	v44 =	vadd.f32 v41, v40  }
0x2a9: {  	v54 =	vld [tilespmem:s26+$0x200];
	v45 =	vadd.f32 v43, v42  }
0x2aa: {  	v56 =	vld [tilespmem:s28+$0x0];
	[tilespmem:s26+$0x1A0] =	vst v44;
	v48 =	vadd.f32 v19, v18  }
0x2ab: {  	v47 =	vld [tilespmem:s2+$0x4C30];
	[tilespmem:s28+$0xFFFFFFA0] =	vst v45  }
0x2ac: {  	v50 =	vld [tilespmem:s3+$0x4C30];
	[tilespmem:s29+$0xFFFFFDA0] =	vst v48  }
0x2ad: {  	v52 =	vld [tilespmem:s4+$0x4C30]  }
0x2ae: {  	v58 =	vld [tilespmem:s29+$0xFFFFFE00]  }
0x2af: {  	v62 =	vld [tilespmem:s26+$0x210]  }
0x2b0: {  	v21 =	vld [tilespmem:s28+$0x10];
	v14 =	vadd.f32 v47, v46  }
0x2b1: {  	s31 =	sadd.s32 $0x800, s29;
	v23 =	vld [tilespmem:s29+$0xFFFFFE10];
	v13 =	vadd.f32 v50, v49  }
0x2b2: {  	v60 =	vld [tilespmem:s31+$0xFFFFFC00];
	s21 =	spop (v2sf);
	[tilespmem:s26+$0x1B0] =	vst v14;
	v15 =	vadd.f32 v52, v51  }
0x2b3: {  	v7 =	vsub.s32 v53, v7;
	v55 =	vld [tilespmem:s21+$0xC20];
	[tilespmem:s28+$0xFFFFFFB0] =	vst v13;
	s22 =	spop (v2sf);
	(v2sf) =	vpush v3, $0xC  }
0x2b4: {  	v7 =	vshll.u32 v7, $0x1;
	v57 =	vld [tilespmem:s22+$0xC20];
	[tilespmem:s29+$0xFFFFFDB0] =	vst v15;
	s23 =	spop (v2sf);
	(v2sf) =	vpush v5, $0x8  }
0x2b5: {  	v7 =	vand.u32 $0xFFFFFFE0, v7;
	v59 =	vld [tilespmem:s23+$0xC20];
	(v2sf) =	vpush v9, $0x4;
	s24 =	spop (v2sf)  }
0x2b6: {  	v61 =	vld [tilespmem:s24+$0xC20];
	(v2sf) =	vpush v7, $0x0  }
0x2b7: {  	v27 =	vld [tilespmem:s26+$0x220]  }
0x2b8: {  	v29 =	vld [tilespmem:s28+$0x20];
	v14 =	vadd.f32 v55, v54  }
0x2b9: {  	v31 =	vld [tilespmem:s29+$0xFFFFFE20];
	v13 =	vadd.f32 v57, v56  }
0x2ba: {  	v25 =	vld [tilespmem:s31+$0xFFFFFC10];
	[tilespmem:s26+$0x200] =	vst v14;
	v15 =	vadd.f32 v59, v58  }
0x2bb: {  	v63 =	vld [tilespmem:s21+$0xC30];
	[tilespmem:s28+$0x0] =	vst v13;
	v16 =	vadd.f32 v61, v60  }
0x2bc: {  	v22 =	vld [tilespmem:s22+$0xC30];
	[tilespmem:s29+$0xFFFFFE00] =	vst v15  }
0x2bd: {  	v24 =	vld [tilespmem:s23+$0xC30];
	[tilespmem:s31+$0xFFFFFC00] =	vst v16  }
0x2be: {  	v26 =	vld [tilespmem:s24+$0xC30]  }
0x2bf: {  	v35 =	vld [tilespmem:s26+$0x230]  }
0x2c0: {  	v37 =	vld [tilespmem:s28+$0x30];
	v14 =	vadd.f32 v63, v62  }
0x2c1: {  	v33 =	vld [tilespmem:s31+$0xFFFFFC20];
	v13 =	vadd.f32 v22, v21  }
0x2c2: {  	v39 =	vld [tilespmem:s29+$0xFFFFFE30];
	[tilespmem:s26+$0x210] =	vst v14;
	s5 =	spop (v2sf);
	v15 =	vadd.f32 v24, v23  }
0x2c3: {  	(v2sf) =	vpush v2, $0xD;
	v28 =	vld [tilespmem:s5+$0x4C20];
	[tilespmem:s28+$0x10] =	vst v13;
	s6 =	spop (v2sf);
	v16 =	vadd.f32 v26, v25  }
0x2c4: {  	(v2sf) =	vpush v4, $0x9;
	v30 =	vld [tilespmem:s6+$0x4C20];
	[tilespmem:s29+$0xFFFFFE10] =	vst v15;
	s7 =	spop (v2sf)  }
0x2c5: {  	(v2sf) =	vpush v6, $0x5;
	v32 =	vld [tilespmem:s7+$0x4C20];
	[tilespmem:s31+$0xFFFFFC10] =	vst v16;
	s8 =	spop (v2sf)  }
0x2c6: {  	(v2sf) =	vpush v11, $0x1;
	v34 =	vld [tilespmem:s8+$0x4C20]  }
0x2c7: {  	v53 =	vld [tilespmem:s28+$0x90]  }
0x2c8: {  	v41 =	vld [tilespmem:s31+$0xFFFFFC30];
	v14 =	vadd.f32 v28, v27  }
0x2c9: {  	v43 =	vld [tilespmem:s26+$0x280];
	v13 =	vadd.f32 v30, v29  }
0x2ca: {  	v45 =	vld [tilespmem:s28+$0x80];
	[tilespmem:s26+$0x220] =	vst v14;
	v15 =	vadd.f32 v32, v31  }
0x2cb: {  	v36 =	vld [tilespmem:s5+$0x4C30];
	[tilespmem:s28+$0x20] =	vst v13;
	v16 =	vadd.f32 v34, v33  }
0x2cc: {  	v38 =	vld [tilespmem:s6+$0x4C30];
	[tilespmem:s29+$0xFFFFFE20] =	vst v15  }
0x2cd: {  	v40 =	vld [tilespmem:s7+$0x4C30];
	[tilespmem:s31+$0xFFFFFC20] =	vst v16  }
0x2ce: {  	v42 =	vld [tilespmem:s8+$0x4C30]  }
0x2cf: {  	v47 =	vld [tilespmem:s29+$0xFFFFFE80]  }
0x2d0: {  	v49 =	vld [tilespmem:s31+$0xFFFFFC80];
	v14 =	vadd.f32 v36, v35  }
0x2d1: {  	v51 =	vld [tilespmem:s26+$0x290];
	v13 =	vadd.f32 v38, v37  }
0x2d2: {  	v55 =	vld [tilespmem:s29+$0xFFFFFE90];
	s9 =	spop (v2sf);
	[tilespmem:s26+$0x230] =	vst v14;
	v15 =	vadd.f32 v40, v39  }
0x2d3: {  	(v2sf) =	vpush v3, $0xD;
	s10 =	spop (v2sf);
	v44 =	vld [tilespmem:s9+$0xC20];
	[tilespmem:s28+$0x30] =	vst v13;
	v16 =	vadd.f32 v42, v41  }
0x2d4: {  	(v2sf) =	vpush v5, $0x9;
	s11 =	spop (v2sf);
	v46 =	vld [tilespmem:s10+$0xC20];
	[tilespmem:s29+$0xFFFFFE30] =	vst v15  }
0x2d5: {  	(v2sf) =	vpush v9, $0x5;
	s12 =	spop (v2sf);
	v48 =	vld [tilespmem:s11+$0xC20];
	[tilespmem:s31+$0xFFFFFC30] =	vst v16  }
0x2d6: {  	[tilespmem:s30+$0x390] =	vst v12;
	(v2sf) =	vpush v7, $0x1;
	v50 =	vld [tilespmem:s12+$0xC20]  }
0x2d7: {  	v58 =	vld [tilespmem:s0+$0x4C20]  }
0x2d8: {  	v59 =	vld [tilespmem:s31+$0xFFFFFC90];
	v14 =	vadd.f32 v44, v43  }
0x2d9: {  	v61 =	vld [tilespmem:s26+$0x2A0];
	v13 =	vadd.f32 v46, v45  }
0x2da: {  	v63 =	vld [tilespmem:s28+$0xA0];
	[tilespmem:s26+$0x280] =	vst v14;
	v15 =	vadd.f32 v48, v47  }
0x2db: {  	v52 =	vld [tilespmem:s9+$0xC30];
	[tilespmem:s28+$0x80] =	vst v13;
	v56 =	vadd.f32 v50, v49  }
0x2dc: {  	v54 =	vld [tilespmem:s10+$0xC30];
	[tilespmem:s29+$0xFFFFFE80] =	vst v15  }
0x2dd: {  	v57 =	vld [tilespmem:s11+$0xC30];
	[tilespmem:s31+$0xFFFFFC80] =	vst v56  }
0x2de: {  	v60 =	vld [tilespmem:s12+$0xC30]  }
0x2df: {  	v22 =	vld [tilespmem:s29+$0xFFFFFEA0]  }
0x2e0: {  	v25 =	vld [tilespmem:s30+$0x3B0];
	v14 =	vadd.f32 v52, v51  }
0x2e1: {  	v26 =	vld [tilespmem:s31+$0xFFFFFCA0];
	v13 =	vadd.f32 v54, v53  }
0x2e2: {  	v28 =	vld [tilespmem:s26+$0x2B0];
	s13 =	spop (v2sf);
	[tilespmem:s26+$0x290] =	vst v14;
	v15 =	vadd.f32 v57, v55  }
0x2e3: {  	(v2sf) =	vpush v2, $0xE;
	s14 =	spop (v2sf);
	v62 =	vld [tilespmem:s13+$0x4C20];
	[tilespmem:s28+$0x90] =	vst v13;
	v23 =	vadd.f32 v60, v59  }
0x2e4: {  	(v2sf) =	vpush v4, $0xA;
	s15 =	spop (v2sf);
	v21 =	vld [tilespmem:s14+$0x4C20];
	[tilespmem:s29+$0xFFFFFE90] =	vst v15  }
0x2e5: {  	(v2sf) =	vpush v6, $0x6;
	s16 =	spop (v2sf);
	v24 =	vld [tilespmem:s15+$0x4C20];
	[tilespmem:s31+$0xFFFFFC90] =	vst v23  }
0x2e6: {  	v10 =	vadd.f32 v58, v10;
	v27 =	vld [tilespmem:s16+$0x4C20]  }
0x2e7: {  	v30 =	vld [tilespmem:s28+$0xB0];
	(v2sf) =	vpush v11, $0x2  }
0x2e8: {  	[tilespmem:s30+$0x3A0] =	vst v10;
	v32 =	vld [tilespmem:s29+$0xFFFFFEB0];
	v14 =	vadd.f32 v62, v61  }
0x2e9: {  	v34 =	vld [tilespmem:s0+$0x4C30];
	v13 =	vadd.f32 v21, v63  }
0x2ea: {  	v35 =	vld [tilespmem:s31+$0xFFFFFCB0];
	[tilespmem:s26+$0x2A0] =	vst v14;
	v12 =	vadd.f32 v24, v22  }
0x2eb: {  	v29 =	vld [tilespmem:s13+$0x4C30];
	[tilespmem:s28+$0xA0] =	vst v13;
	v10 =	vadd.f32 v27, v26  }
0x2ec: {  	v31 =	vld [tilespmem:s14+$0x4C30];
	[tilespmem:s29+$0xFFFFFEA0] =	vst v12  }
0x2ed: {  	v33 =	vld [tilespmem:s15+$0x4C30];
	[tilespmem:s31+$0xFFFFFCA0] =	vst v10  }
0x2ee: {  	v36 =	vld [tilespmem:s16+$0x4C30]  }
0x2ef: {  	v8 =	vld [tilespmem:s26+$0x3A0];
	v17 =	vadd.f32 v34, v25  }
0x2f0: {  	v37 =	vld [tilespmem:s28+$0x100];
	v14 =	vadd.f32 v29, v28  }
0x2f1: {  	v39 =	vld [tilespmem:s29+$0xFFFFFF00];
	[tilespmem:s30+$0x3B0] =	vst v17;
	v13 =	vadd.f32 v31, v30  }
0x2f2: {  	v10 =	vld [tilespmem:s26+$0x300];
	s15 =	spop (v2sf);
	[tilespmem:s26+$0x2B0] =	vst v14;
	v16 =	vadd.f32 v33, v32  }
0x2f3: {  	(v2sf) =	vpush v3, $0xE;
	s7 =	spop (v2sf);
	v12 =	vld [tilespmem:s15+$0xC20];
	[tilespmem:s28+$0xB0] =	vst v13;
	v15 =	vadd.f32 v36, v35  }
0x2f4: {  	(v2sf) =	vpush v5, $0xA;
	s8 =	spop (v2sf);
	v38 =	vld [tilespmem:s7+$0xC20];
	[tilespmem:s29+$0xFFFFFEB0] =	vst v16  }
0x2f5: {  	(v2sf) =	vpush v9, $0x6;
	v40 =	vld [tilespmem:s8+$0xC20];
	[tilespmem:s31+$0xFFFFFCB0] =	vst v15  }
0x2f6: {  	v15 =	vld [tilespmem:s31+$0xFFFFFD00];
	s18 =	spop (v2sf)  }
0x2f7: {  	(v2sf) =	vpush v7, $0x2;
	v41 =	vld [tilespmem:s18+$0xC20];
	_ =	sdelay $0x4  }
0x2f8: {  	v15 =	vadd.f32 v41, v15;
	_ =	sdelay $0x1  }
0x2f9: {  	v42 =	vld [tilespmem:s31+$0xFFFFFD10];
	[tilespmem:s31+$0xFFFFFD00] =	vst v15  }
0x2fa: {  	v43 =	vld [tilespmem:s18+$0xC30];
	_ =	sdelay $0x3  }
0x2fb: {  	s3 =	spop (v2sf)  }
0x2fc: {  	(v2sf) =	vpush v2, $0xF;
	s6 =	spop (v2sf);
	v2 =	vadd.f32 v43, v42  }
0x2fd: {  	(v2sf) =	vpush v4, $0xB;
	s19 =	spop (v2sf)  }
0x2fe: {  	(v2sf) =	vpush v6, $0x7;
	s20 =	spop (v2sf);
	[tilespmem:s31+$0xFFFFFD10] =	vst v2;
	v2 =	vld [tilespmem:s31+$0xFFFFFD20]  }
0x2ff: {  	(v2sf) =	vpush v11, $0x3;
	v44 =	vld [tilespmem:s20+$0x4C20];
	_ =	sdelay $0x4  }
0x300: {  	v2 =	vadd.f32 v44, v2;
	_ =	sdelay $0x1  }
0x301: {  	[tilespmem:s31+$0xFFFFFD20] =	vst v2;
	v2 =	vld [tilespmem:s31+$0xFFFFFD30]  }
0x302: {  	v45 =	vld [tilespmem:s20+$0x4C30];
	_ =	sdelay $0x3  }
0x303: {  	s0 =	spop (v2sf)  }
0x304: {  	(v2sf) =	vpush v3, $0xF;
	s5 =	spop (v2sf);
	v2 =	vadd.f32 v45, v2  }
0x305: {  	(v2sf) =	vpush v5, $0xB;
	s16 =	spop (v2sf)  }
0x306: {  	(v2sf) =	vpush v9, $0x7;
	s21 =	spop (v2sf);
	[tilespmem:s31+$0xFFFFFD30] =	vst v2;
	v2 =	vld [tilespmem:s31+$0xFFFFFD80]  }
0x307: {  	(v2sf) =	vpush v7, $0x3;
	v3 =	vld [tilespmem:s21+$0xC20];
	_ =	sdelay $0x4  }
0x308: {  	v2 =	vadd.f32 v3, v2;
	_ =	sdelay $0x1  }
0x309: {  	[tilespmem:s31+$0xFFFFFD80] =	vst v2;
	v2 =	vld [tilespmem:s31+$0xFFFFFD90]  }
0x30a: {  	v3 =	vld [tilespmem:s21+$0xC30];
	_ =	sdelay $0x3  }
0x30b: {  	s30 =	spop (v2sf)  }
0x30c: {  	s14 =	spop (v2sf);
	v2 =	vadd.f32 v3, v2  }
0x30d: {  	(v2sf) =	vpush v4, $0xC;
	s13 =	spop (v2sf)  }
0x30e: {  	(v2sf) =	vpush v6, $0x8;
	s22 =	spop (v2sf);
	[tilespmem:s31+$0xFFFFFD90] =	vst v2;
	v2 =	vld [tilespmem:s31+$0xFFFFFDA0]  }
0x30f: {  	(v2sf) =	vpush v11, $0x4;
	v3 =	vld [tilespmem:s22+$0x4C20];
	_ =	sdelay $0x4  }
0x310: {  	v2 =	vadd.f32 v3, v2;
	_ =	sdelay $0x1  }
0x311: {  	[tilespmem:s31+$0xFFFFFDA0] =	vst v2;
	v2 =	vld [tilespmem:s31+$0xFFFFFDB0]  }
0x312: {  	v3 =	vld [tilespmem:s22+$0x4C30];
	_ =	sdelay $0x4  }
0x313: {  	s2 =	spop (v2sf);
	v2 =	vadd.f32 v3, v2  }
0x314: {  	(v2sf) =	vpush v5, $0xC;
	s12 =	spop (v2sf)  }
0x315: {  	(v2sf) =	vpush v9, $0x8;
	s23 =	spop (v2sf);
	[tilespmem:s31+$0xFFFFFDB0] =	vst v2;
	v2 =	vld [tilespmem:s31+$0xFFFFFE00]  }
0x316: {  	(v2sf) =	vpush v7, $0x4;
	v3 =	vld [tilespmem:s23+$0xC20];
	_ =	sdelay $0x4  }
0x317: {  	v2 =	vadd.f32 v3, v2;
	_ =	sdelay $0x1  }
0x318: {  	[tilespmem:s31+$0xFFFFFE00] =	vst v2;
	v2 =	vld [tilespmem:s31+$0xFFFFFE10]  }
0x319: {  	v3 =	vld [tilespmem:s23+$0xC30];
	_ =	sdelay $0x4  }
0x31a: {  	s1 =	spop (v2sf);
	v2 =	vadd.f32 v3, v2  }
0x31b: {  	(v2sf) =	vpush v4, $0xD;
	s11 =	spop (v2sf)  }
0x31c: {  	(v2sf) =	vpush v6, $0x9;
	s9 =	spop (v2sf);
	[tilespmem:s31+$0xFFFFFE10] =	vst v2;
	v2 =	vld [tilespmem:s31+$0xFFFFFE20]  }
0x31d: {  	(v2sf) =	vpush v11, $0x5;
	v3 =	vld [tilespmem:s9+$0x4C20];
	_ =	sdelay $0x4  }
0x31e: {  	v2 =	vadd.f32 v3, v2;
	_ =	sdelay $0x1  }
0x31f: {  	[tilespmem:s31+$0xFFFFFE20] =	vst v2;
	v2 =	vld [tilespmem:s31+$0xFFFFFE30]  }
0x320: {  	v3 =	vld [tilespmem:s9+$0x4C30];
	_ =	sdelay $0x4  }
0x321: {  	s22 =	spop (v2sf);
	v2 =	vadd.f32 v3, v2  }
0x322: {  	(v2sf) =	vpush v5, $0xD;
	s10 =	spop (v2sf)  }
0x323: {  	(v2sf) =	vpush v9, $0x9;
	s24 =	spop (v2sf);
	[tilespmem:s31+$0xFFFFFE30] =	vst v2;
	v2 =	vld [tilespmem:s31+$0xFFFFFE80]  }
0x324: {  	(v2sf) =	vpush v7, $0x5;
	v3 =	vld [tilespmem:s24+$0xC20];
	_ =	sdelay $0x4  }
0x325: {  	v2 =	vadd.f32 v3, v2;
	_ =	sdelay $0x1  }
0x326: {  	[tilespmem:s31+$0xFFFFFE80] =	vst v2;
	v2 =	vld [tilespmem:s31+$0xFFFFFE90]  }
0x327: {  	v46 =	vld [tilespmem:s24+$0xC30];
	_ =	sdelay $0x2  }
0x328: {  	v3 =	vadd.f32 v40, v39;
	_ =	sdelay $0x1  }
0x329: {  	s21 =	spop (v2sf);
	[tilespmem:s29+$0xFFFFFF00] =	vst v3;
	v3 =	vld [tilespmem:s29+$0xFFFFFF10];
	v2 =	vadd.f32 v46, v2  }
0x32a: {  	(v2sf) =	vpush v4, $0xE;
	s9 =	spop (v2sf);
	v47 =	vld [tilespmem:s8+$0xC30]  }
0x32b: {  	(v2sf) =	vpush v6, $0xA;
	s18 =	spop (v2sf);
	[tilespmem:s31+$0xFFFFFE90] =	vst v2;
	v2 =	vld [tilespmem:s31+$0xFFFFFEA0]  }
0x32c: {  	(v2sf) =	vpush v11, $0x6;
	v48 =	vld [tilespmem:s18+$0x4C20];
	_ =	sdelay $0x2  }
0x32d: {  	v3 =	vadd.f32 v47, v3;
	_ =	sdelay $0x1  }
0x32e: {  	[tilespmem:s29+$0xFFFFFF10] =	vst v3;
	v3 =	vld [tilespmem:s29+$0xFFFFFF20];
	v2 =	vadd.f32 v48, v2  }
0x32f: {  	v49 =	vld [tilespmem:s19+$0x4C20]  }
0x330: {  	[tilespmem:s31+$0xFFFFFEA0] =	vst v2;
	v2 =	vld [tilespmem:s31+$0xFFFFFEB0]  }
0x331: {  	v50 =	vld [tilespmem:s18+$0x4C30];
	_ =	sdelay $0x2  }
0x332: {  	v3 =	vadd.f32 v49, v3;
	_ =	sdelay $0x1  }
0x333: {  	s20 =	spop (v2sf);
	[tilespmem:s29+$0xFFFFFF20] =	vst v3;
	v3 =	vld [tilespmem:s29+$0xFFFFFF30];
	v2 =	vadd.f32 v50, v2  }
0x334: {  	(v2sf) =	vpush v5, $0xE;
	s8 =	spop (v2sf);
	v51 =	vld [tilespmem:s19+$0x4C30]  }
0x335: {  	(v2sf) =	vpush v9, $0xA;
	s19 =	spop (v2sf);
	[tilespmem:s31+$0xFFFFFEB0] =	vst v2;
	v2 =	vld [tilespmem:s31+$0xFFFFFF00]  }
0x336: {  	(v2sf) =	vpush v7, $0x6;
	v52 =	vld [tilespmem:s19+$0xC20];
	_ =	sdelay $0x3  }
0x337: {  	v3 =	vadd.f32 v51, v3  }
0x338: {  	v2 =	vadd.f32 v52, v2  }
0x339: {  	[tilespmem:s29+$0xFFFFFF30] =	vst v3;
	v3 =	vld [tilespmem:s29+$0xFFFFFF80]  }
0x33a: {  	[tilespmem:s31+$0xFFFFFF00] =	vst v2;
	v2 =	vld [tilespmem:s31+$0xFFFFFF10]  }
0x33b: {  	v53 =	vld [tilespmem:s19+$0xC30]  }
0x33c: {  	v54 =	vld [tilespmem:s16+$0xC20];
	_ =	sdelay $0x3  }
0x33d: {  	s19 =	spop (v2sf);
	v2 =	vadd.f32 v53, v2  }
0x33e: {  	v3 =	vadd.f32 v54, v3;
	(v2sf) =	vpush v4, $0xF;
	s4 =	spop (v2sf)  }
0x33f: {  	(v2sf) =	vpush v6, $0xB;
	s18 =	spop (v2sf);
	[tilespmem:s31+$0xFFFFFF10] =	vst v2;
	v2 =	vld [tilespmem:s31+$0xFFFFFF20]  }
0x340: {  	[tilespmem:s29+$0xFFFFFF80] =	vst v3;
	(v2sf) =	vpush v11, $0x7;
	v3 =	vld [tilespmem:s18+$0x4C20];
	_ =	sdelay $0x4  }
0x341: {  	v56 =	vld [tilespmem:s29+$0xFFFFFF90];
	v2 =	vadd.f32 v3, v2  }
0x342: {  	v55 =	vld [tilespmem:s16+$0xC30]  }
0x343: {  	[tilespmem:s31+$0xFFFFFF20] =	vst v2;
	v2 =	vld [tilespmem:s31+$0xFFFFFF30]  }
0x344: {  	v57 =	vld [tilespmem:s18+$0x4C30];
	_ =	sdelay $0x2  }
0x345: {  	v3 =	vadd.f32 v55, v56;
	_ =	sdelay $0x1  }
0x346: {  	[tilespmem:s29+$0xFFFFFF90] =	vst v3;
	v3 =	vld [tilespmem:s29+$0xFFFFFFA0];
	s18 =	spop (v2sf);
	v2 =	vadd.f32 v57, v2  }
0x347: {  	v58 =	vld [tilespmem:s13+$0x4C20];
	(v2sf) =	vpush v5, $0xF;
	s24 =	spop (v2sf)  }
0x348: {  	(v2sf) =	vpush v9, $0xB;
	s23 =	spop (v2sf);
	[tilespmem:s31+$0xFFFFFF30] =	vst v2;
	v2 =	vld [tilespmem:s31+$0xFFFFFF80]  }
0x349: {  	(v2sf) =	vpush v7, $0x7;
	v59 =	vld [tilespmem:s23+$0xC20];
	_ =	sdelay $0x2  }
0x34a: {  	v3 =	vadd.f32 v58, v3;
	_ =	sdelay $0x1  }
0x34b: {  	v60 =	vld [tilespmem:s29+$0xFFFFFFB0];
	[tilespmem:s29+$0xFFFFFFA0] =	vst v3;
	v2 =	vadd.f32 v59, v2  }
0x34c: {  	v3 =	vld [tilespmem:s13+$0x4C30]  }
0x34d: {  	v61 =	vld [tilespmem:s31+$0xFFFFFF90];
	[tilespmem:s31+$0xFFFFFF80] =	vst v2  }
0x34e: {  	v2 =	vld [tilespmem:s23+$0xC30];
	_ =	sdelay $0x2  }
0x34f: {  	v3 =	vadd.f32 v3, v60;
	_ =	sdelay $0x1  }
0x350: {  	[tilespmem:s29+$0xFFFFFFB0] =	vst v3;
	v3 =	vld [tilespmem:s29+$0x0];
	s16 =	spop (v2sf);
	v2 =	vadd.f32 v2, v61  }
0x351: {  	v62 =	vld [tilespmem:s12+$0xC20];
	s13 =	spop (v2sf)  }
0x352: {  	(v2sf) =	vpush v6, $0xC;
	s23 =	spop (v2sf);
	[tilespmem:s31+$0xFFFFFF90] =	vst v2;
	v2 =	vld [tilespmem:s31+$0xFFFFFFA0]  }
0x353: {  	(v2sf) =	vpush v11, $0x8;
	v63 =	vld [tilespmem:s23+$0x4C20];
	_ =	sdelay $0x2  }
0x354: {  	v3 =	vadd.f32 v62, v3;
	_ =	sdelay $0x1  }
0x355: {  	v15 =	vld [tilespmem:s29+$0x10];
	[tilespmem:s29+$0x0] =	vst v3;
	v2 =	vadd.f32 v63, v2  }
0x356: {  	v3 =	vld [tilespmem:s12+$0xC30]  }
0x357: {  	v16 =	vld [tilespmem:s31+$0xFFFFFFB0];
	[tilespmem:s31+$0xFFFFFFA0] =	vst v2  }
0x358: {  	v2 =	vld [tilespmem:s23+$0x4C30];
	_ =	sdelay $0x2  }
0x359: {  	v3 =	vadd.f32 v3, v15;
	_ =	sdelay $0x1  }
0x35a: {  	[tilespmem:s29+$0x10] =	vst v3;
	v3 =	vld [tilespmem:s29+$0x20];
	v2 =	vadd.f32 v2, v16  }
0x35b: {  	s12 =	spop (v2sf);
	v17 =	vld [tilespmem:s11+$0x4C20]  }
0x35c: {  	(v2sf) =	vpush v9, $0xC;
	s23 =	spop (v2sf);
	[tilespmem:s31+$0xFFFFFFB0] =	vst v2;
	v2 =	vld [tilespmem:s31+$0x0]  }
0x35d: {  	(v2sf) =	vpush v7, $0x8;
	v18 =	vld [tilespmem:s23+$0xC20];
	_ =	sdelay $0x3  }
0x35e: {  	v3 =	vadd.f32 v17, v3  }
0x35f: {  	v19 =	vld [tilespmem:s29+$0x30];
	v2 =	vadd.f32 v18, v2  }
0x360: {  	v20 =	vld [tilespmem:s31+$0x10];
	[tilespmem:s29+$0x20] =	vst v3  }
0x361: {  	v3 =	vld [tilespmem:s11+$0x4C30];
	[tilespmem:s31+$0x0] =	vst v2  }
0x362: {  	v2 =	vld [tilespmem:s23+$0xC30];
	_ =	sdelay $0x3  }
0x363: {  	v3 =	vadd.f32 v3, v19  }
0x364: {  	v2 =	vadd.f32 v2, v20  }
0x365: {  	s11 =	spop (v2sf);
	[tilespmem:s29+$0x30] =	vst v3;
	v3 =	vld [tilespmem:s29+$0x80]  }
0x366: {  	(v2sf) =	vpush v6, $0xD;
	s23 =	spop (v2sf);
	[tilespmem:s31+$0x10] =	vst v2;
	v2 =	vld [tilespmem:s31+$0x20]  }
0x367: {  	(v2sf) =	vpush v11, $0x9;
	v22 =	vld [tilespmem:s23+$0x4C20]  }
0x368: {  	v21 =	vld [tilespmem:s10+$0xC20];
	_ =	sdelay $0x3  }
0x369: {  	v2 =	vadd.f32 v22, v2  }
0x36a: {  	v23 =	vld [tilespmem:s31+$0x30];
	v3 =	vadd.f32 v21, v3  }
0x36b: {  	v24 =	vld [tilespmem:s29+$0x90];
	[tilespmem:s31+$0x20] =	vst v2  }
0x36c: {  	[tilespmem:s29+$0x80] =	vst v3;
	v2 =	vld [tilespmem:s23+$0x4C30]  }
0x36d: {  	v3 =	vld [tilespmem:s10+$0xC30];
	_ =	sdelay $0x3  }
0x36e: {  	v2 =	vadd.f32 v2, v23  }
0x36f: {  	v25 =	vld [tilespmem:s29+$0xA0];
	s10 =	spop (v2sf);
	v3 =	vadd.f32 v3, v24  }
0x370: {  	s23 =	spop (v2sf);
	[tilespmem:s31+$0x30] =	vst v2;
	v2 =	vld [tilespmem:s31+$0x80]  }
0x371: {  	(v2sf) =	vpush v9, $0xD;
	[tilespmem:s29+$0x90] =	vst v3;
	v3 =	vld [tilespmem:s23+$0xC20]  }
0x372: {  	(v2sf) =	vpush v7, $0x9;
	v26 =	vld [tilespmem:s9+$0x4C20];
	_ =	sdelay $0x3  }
0x373: {  	v2 =	vadd.f32 v3, v2  }
0x374: {  	v3 =	vadd.f32 v26, v25  }
0x375: {  	[tilespmem:s31+$0x80] =	vst v2  }
0x376: {  	[tilespmem:s29+$0xA0] =	vst v3;
	v3 =	vld [tilespmem:s31+$0x90]  }
0x377: {  	v2 =	vld [tilespmem:s23+$0xC30];
	_ =	sdelay $0x2  }
0x378: {  	v28 =	vld [tilespmem:s29+$0xB0]  }
0x379: {  	v27 =	vld [tilespmem:s9+$0x4C30]  }
0x37a: {  	v2 =	vadd.f32 v2, v3  }
0x37b: {  	s9 =	spop (v2sf)  }
0x37c: {  	(v2sf) =	vpush v6, $0xE;
	s23 =	spop (v2sf);
	[tilespmem:s31+$0x90] =	vst v2;
	v2 =	vld [tilespmem:s31+$0xA0]  }
0x37d: {  	(v2sf) =	vpush v11, $0xA;
	v29 =	vld [tilespmem:s23+$0x4C20]  }
0x37e: {  	v3 =	vadd.f32 v27, v28;
	_ =	sdelay $0x1  }
0x37f: {  	v30 =	vld [tilespmem:s29+$0x100];
	[tilespmem:s29+$0xB0] =	vst v3;
	v3 =	vadd.f32 v38, v37  }
0x380: {  	v31 =	vld [tilespmem:s8+$0xC20]  }
0x381: {  	v32 =	vld [tilespmem:s28+$0x110];
	[tilespmem:s28+$0x100] =	vst v3;
	v2 =	vadd.f32 v29, v2  }
0x382: {  	v3 =	vld [tilespmem:s7+$0xC30]  }
0x383: {  	v33 =	vld [tilespmem:s31+$0xB0];
	[tilespmem:s31+$0xA0] =	vst v2  }
0x384: {  	v2 =	vld [tilespmem:s23+$0x4C30]  }
0x385: {  	v5 =	vadd.f32 v31, v30;
	_ =	sdelay $0x1  }
0x386: {  	[tilespmem:s29+$0x100] =	vst v5;
	v3 =	vadd.f32 v3, v32  }
0x387: {  	v5 =	vld [tilespmem:s8+$0xC30]  }
0x388: {  	[tilespmem:s28+$0x110] =	vst v3;
	v3 =	vld [tilespmem:s28+$0x120];
	v2 =	vadd.f32 v2, v33  }
0x389: {  	s8 =	spop (v2sf);
	v35 =	vld [tilespmem:s6+$0x4C20]  }
0x38a: {  	(v2sf) =	vpush v9, $0xE;
	s23 =	spop (v2sf);
	[tilespmem:s31+$0xB0] =	vst v2;
	v2 =	vld [tilespmem:s31+$0x100]  }
0x38b: {  	(v2sf) =	vpush v7, $0xA;
	v36 =	vld [tilespmem:s23+$0xC20];
	_ =	sdelay $0x1  }
0x38c: {  	v34 =	vld [tilespmem:s29+$0x110]  }
0x38d: {  	v3 =	vadd.f32 v35, v3;
	_ =	sdelay $0x1  }
0x38e: {  	v39 =	vld [tilespmem:s28+$0x130];
	[tilespmem:s28+$0x120] =	vst v3;
	v2 =	vadd.f32 v36, v2  }
0x38f: {  	v3 =	vld [tilespmem:s6+$0x4C30]  }
0x390: {  	v40 =	vld [tilespmem:s31+$0x110];
	v4 =	vadd.f32 v5, v34;
	[tilespmem:s31+$0x100] =	vst v2  }
0x391: {  	v2 =	vld [tilespmem:s23+$0xC30]  }
0x392: {  	v37 =	vld [tilespmem:s29+$0x120];
	[tilespmem:s29+$0x110] =	vst v4  }
0x393: {  	v38 =	vld [tilespmem:s4+$0x4C20]  }
0x394: {  	v3 =	vadd.f32 v3, v39;
	_ =	sdelay $0x1  }
0x395: {  	[tilespmem:s28+$0x130] =	vst v3;
	v3 =	vld [tilespmem:s28+$0x180];
	v2 =	vadd.f32 v2, v40  }
0x396: {  	s7 =	spop (v2sf);
	v44 =	vld [tilespmem:s5+$0xC20]  }
0x397: {  	v4 =	vadd.f32 v38, v37;
	(v2sf) =	vpush v6, $0xF;
	s6 =	spop (v2sf);
	[tilespmem:s31+$0x110] =	vst v2;
	v2 =	vld [tilespmem:s31+$0x120]  }
0x398: {  	(v2sf) =	vpush v11, $0xB;
	v43 =	vld [tilespmem:s6+$0x4C20]  }
0x399: {  	v41 =	vld [tilespmem:s29+$0x130];
	[tilespmem:s29+$0x120] =	vst v4  }
0x39a: {  	v42 =	vld [tilespmem:s4+$0x4C30];
	_ =	sdelay $0x1  }
0x39b: {  	v3 =	vadd.f32 v44, v3  }
0x39c: {  	v45 =	vld [tilespmem:s29+$0x180];
	v2 =	vadd.f32 v43, v2  }
0x39d: {  	v47 =	vld [tilespmem:s31+$0x130];
	[tilespmem:s28+$0x180] =	vst v3  }
0x39e: {  	v4 =	vadd.f32 v42, v41;
	v3 =	vld [tilespmem:s28+$0x190];
	[tilespmem:s31+$0x120] =	vst v2  }
0x39f: {  	v2 =	vld [tilespmem:s6+$0x4C30]  }
0x3a0: {  	[tilespmem:s29+$0x130] =	vst v4;
	v48 =	vld [tilespmem:s5+$0xC30]  }
0x3a1: {  	v46 =	vld [tilespmem:s24+$0xC20];
	_ =	sdelay $0x2  }
0x3a2: {  	v49 =	vld [tilespmem:s29+$0x190];
	v2 =	vadd.f32 v2, v47  }
0x3a3: {  	v51 =	vld [tilespmem:s28+$0x1A0];
	v3 =	vadd.f32 v48, v3;
	s6 =	spop (v2sf)  }
0x3a4: {  	v4 =	vadd.f32 v46, v45;
	s23 =	spop (v2sf);
	[tilespmem:s31+$0x130] =	vst v2;
	v2 =	vld [tilespmem:s31+$0x180]  }
0x3a5: {  	(v2sf) =	vpush v9, $0xF;
	[tilespmem:s28+$0x190] =	vst v3;
	v3 =	vld [tilespmem:s23+$0xC20]  }
0x3a6: {  	[tilespmem:s29+$0x180] =	vst v4;
	(v2sf) =	vpush v7, $0xB;
	v52 =	vld [tilespmem:s14+$0x4C20]  }
0x3a7: {  	v50 =	vld [tilespmem:s24+$0xC30];
	_ =	sdelay $0x2  }
0x3a8: {  	v2 =	vadd.f32 v3, v2  }
0x3a9: {  	v3 =	vadd.f32 v52, v51  }
0x3aa: {  	v53 =	vld [tilespmem:s29+$0x1A0];
	v4 =	vadd.f32 v50, v49;
	[tilespmem:s31+$0x180] =	vst v2  }
0x3ab: {  	[tilespmem:s28+$0x1A0] =	vst v3;
	v3 =	vld [tilespmem:s31+$0x190]  }
0x3ac: {  	[tilespmem:s29+$0x190] =	vst v4;
	v2 =	vld [tilespmem:s23+$0xC30]  }
0x3ad: {  	v54 =	vld [tilespmem:s13+$0x4C20];
	_ =	sdelay $0x3  }
0x3ae: {  	v3 =	vadd.f32 v2, v3  }
0x3af: {  	v57 =	vld [tilespmem:s29+$0x1B0];
	v4 =	vadd.f32 v54, v53;
	s5 =	spop (v2sf)  }
0x3b0: {  	v59 =	vld [tilespmem:s31+$0x1A0];
	s24 =	spop (v2sf);
	[tilespmem:s31+$0x190] =	vst v3  }
0x3b1: {  	[tilespmem:s29+$0x1A0] =	vst v4;
	(v2sf) =	vpush v11, $0xC;
	v60 =	vld [tilespmem:s24+$0x4C20]  }
0x3b2: {  	v58 =	vld [tilespmem:s13+$0x4C30];
	_ =	sdelay $0x2  }
0x3b3: {  	v55 =	vld [tilespmem:s28+$0x1B0]  }
0x3b4: {  	v56 =	vld [tilespmem:s14+$0x4C30];
	v6 =	vadd.f32 v60, v59  }
0x3b5: {  	v63 =	vld [tilespmem:s29+$0x200];
	v4 =	vadd.f32 v58, v57  }
0x3b6: {  	v17 =	vld [tilespmem:s31+$0x1B0];
	[tilespmem:s31+$0x1A0] =	vst v6  }
0x3b7: {  	[tilespmem:s29+$0x1B0] =	vst v4;
	v6 =	vld [tilespmem:s24+$0x4C30]  }
0x3b8: {  	v16 =	vld [tilespmem:s12+$0xC20]  }
0x3b9: {  	v5 =	vadd.f32 v56, v55;
	_ =	sdelay $0x1  }
0x3ba: {  	v61 =	vld [tilespmem:s28+$0x200];
	[tilespmem:s28+$0x1B0] =	vst v5  }
0x3bb: {  	v62 =	vld [tilespmem:s2+$0xC20];
	v6 =	vadd.f32 v6, v17  }
0x3bc: {  	v19 =	vld [tilespmem:s29+$0x210];
	v4 =	vadd.f32 v16, v63  }
0x3bd: {  	v21 =	vld [tilespmem:s31+$0x200];
	s4 =	spop (v2sf);
	[tilespmem:s31+$0x1B0] =	vst v6  }
0x3be: {  	(v2sf) =	vpush v7, $0xC;
	[tilespmem:s29+$0x200] =	vst v4;
	v22 =	vld [tilespmem:s4+$0xC20]  }
0x3bf: {  	v20 =	vld [tilespmem:s12+$0xC30]  }
0x3c0: {  	v5 =	vadd.f32 v62, v61;
	_ =	sdelay $0x1  }
0x3c1: {  	v18 =	vld [tilespmem:s28+$0x210];
	[tilespmem:s28+$0x200] =	vst v5  }
0x3c2: {  	v5 =	vld [tilespmem:s2+$0xC30];
	v25 =	vadd.f32 v22, v21  }
0x3c3: {  	v4 =	vadd.f32 v20, v19  }
0x3c4: {  	v28 =	vld [tilespmem:s31+$0x210];
	[tilespmem:s31+$0x200] =	vst v25  }
0x3c5: {  	[tilespmem:s29+$0x210] =	vst v4;
	v4 =	vld [tilespmem:s4+$0xC30];
	_ =	sdelay $0x1  }
0x3c6: {  	v5 =	vadd.f32 v5, v18  }
0x3c7: {  	v23 =	vld [tilespmem:s28+$0x220]  }
0x3c8: {  	v26 =	vld [tilespmem:s29+$0x220];
	[tilespmem:s28+$0x210] =	vst v5  }
0x3c9: {  	v24 =	vld [tilespmem:s1+$0x4C20];
	v4 =	vadd.f32 v4, v28  }
0x3ca: {  	v32 =	vld [tilespmem:s31+$0x220]  }
0x3cb: {  	v27 =	vld [tilespmem:s11+$0x4C20];
	s12 =	spop (v2sf);
	[tilespmem:s31+$0x210] =	vst v4  }
0x3cc: {  	(v2sf) =	vpush v11, $0xD;
	v33 =	vld [tilespmem:s12+$0x4C20];
	_ =	sdelay $0x1  }
0x3cd: {  	v5 =	vadd.f32 v24, v23  }
0x3ce: {  	v31 =	vld [tilespmem:s28+$0x230]  }
0x3cf: {  	v34 =	vld [tilespmem:s29+$0x230];
	v29 =	vadd.f32 v27, v26;
	[tilespmem:s28+$0x220] =	vst v5  }
0x3d0: {  	v30 =	vld [tilespmem:s1+$0x4C30];
	v4 =	vadd.f32 v33, v32  }
0x3d1: {  	v38 =	vld [tilespmem:s31+$0x230];
	[tilespmem:s29+$0x220] =	vst v29  }
0x3d2: {  	v5 =	vld [tilespmem:s11+$0x4C30];
	[tilespmem:s31+$0x220] =	vst v4  }
0x3d3: {  	v4 =	vld [tilespmem:s12+$0x4C30];
	_ =	sdelay $0x1  }
0x3d4: {  	v6 =	vadd.f32 v30, v31  }
0x3d5: {  	v35 =	vld [tilespmem:s28+$0x280]  }
0x3d6: {  	v37 =	vld [tilespmem:s29+$0x280];
	v5 =	vadd.f32 v5, v34;
	[tilespmem:s28+$0x230] =	vst v6  }
0x3d7: {  	v36 =	vld [tilespmem:s22+$0xC20];
	v4 =	vadd.f32 v4, v38  }
0x3d8: {  	v42 =	vld [tilespmem:s31+$0x280];
	[tilespmem:s29+$0x230] =	vst v5  }
0x3d9: {  	v39 =	vld [tilespmem:s10+$0xC20];
	s13 =	spop (v2sf);
	[tilespmem:s31+$0x230] =	vst v4  }
0x3da: {  	(v2sf) =	vpush v7, $0xD;
	v43 =	vld [tilespmem:s13+$0xC20];
	_ =	sdelay $0x1  }
0x3db: {  	v6 =	vadd.f32 v36, v35  }
0x3dc: {  	v40 =	vld [tilespmem:s28+$0x290]  }
0x3dd: {  	v45 =	vld [tilespmem:s29+$0x290];
	v5 =	vadd.f32 v39, v37;
	[tilespmem:s28+$0x280] =	vst v6  }
0x3de: {  	v41 =	vld [tilespmem:s22+$0xC30];
	v4 =	vadd.f32 v43, v42  }
0x3df: {  	v48 =	vld [tilespmem:s31+$0x290];
	[tilespmem:s29+$0x280] =	vst v5  }
0x3e0: {  	v44 =	vld [tilespmem:s10+$0xC30];
	[tilespmem:s31+$0x280] =	vst v4  }
0x3e1: {  	v4 =	vld [tilespmem:s13+$0xC30];
	_ =	sdelay $0x1  }
0x3e2: {  	v6 =	vadd.f32 v41, v40  }
0x3e3: {  	v46 =	vld [tilespmem:s28+$0x2A0]  }
0x3e4: {  	v49 =	vld [tilespmem:s29+$0x2A0];
	v9 =	vadd.f32 v44, v45;
	[tilespmem:s28+$0x290] =	vst v6  }
0x3e5: {  	v47 =	vld [tilespmem:s21+$0x4C20];
	v4 =	vadd.f32 v4, v48  }
0x3e6: {  	v53 =	vld [tilespmem:s31+$0x2A0];
	[tilespmem:s29+$0x290] =	vst v9  }
0x3e7: {  	v50 =	vld [tilespmem:s9+$0x4C20];
	s14 =	spop (v2sf);
	[tilespmem:s31+$0x290] =	vst v4  }
0x3e8: {  	(v2sf) =	vpush v11, $0xE;
	v54 =	vld [tilespmem:s14+$0x4C20];
	_ =	sdelay $0x1  }
0x3e9: {  	v5 =	vadd.f32 v47, v46  }
0x3ea: {  	v51 =	vld [tilespmem:s28+$0x2B0]  }
0x3eb: {  	v55 =	vld [tilespmem:s29+$0x2B0];
	v6 =	vadd.f32 v50, v49;
	[tilespmem:s28+$0x2A0] =	vst v5  }
0x3ec: {  	v52 =	vld [tilespmem:s21+$0x4C30];
	v4 =	vadd.f32 v54, v53  }
0x3ed: {  	v58 =	vld [tilespmem:s31+$0x2B0];
	[tilespmem:s29+$0x2A0] =	vst v6  }
0x3ee: {  	v6 =	vld [tilespmem:s9+$0x4C30];
	[tilespmem:s31+$0x2A0] =	vst v4  }
0x3ef: {  	v4 =	vld [tilespmem:s14+$0x4C30];
	_ =	sdelay $0x1  }
0x3f0: {  	v5 =	vadd.f32 v52, v51  }
0x3f1: {  	v56 =	vld [tilespmem:s28+$0x300]  }
0x3f2: {  	v59 =	vld [tilespmem:s29+$0x300];
	v6 =	vadd.f32 v6, v55;
	[tilespmem:s28+$0x2B0] =	vst v5  }
0x3f3: {  	v57 =	vld [tilespmem:s20+$0xC20];
	v4 =	vadd.f32 v4, v58  }
0x3f4: {  	v10 =	vadd.f32 v12, v10;
	v63 =	vld [tilespmem:s31+$0x300];
	[tilespmem:s29+$0x2B0] =	vst v6  }
0x3f5: {  	v60 =	vld [tilespmem:s8+$0xC20];
	s21 =	spop (v2sf);
	[tilespmem:s31+$0x2B0] =	vst v4  }
0x3f6: {  	[tilespmem:s26+$0x300] =	vst v10;
	(v2sf) =	vpush v7, $0xE;
	v16 =	vld [tilespmem:s21+$0xC20]  }
0x3f7: {  	v61 =	vld [tilespmem:s15+$0xC30]  }
0x3f8: {  	v62 =	vld [tilespmem:s26+$0x310];
	v5 =	vadd.f32 v57, v56  }
0x3f9: {  	v17 =	vld [tilespmem:s28+$0x310]  }
0x3fa: {  	v18 =	vld [tilespmem:s29+$0x310];
	v6 =	vadd.f32 v60, v59;
	[tilespmem:s28+$0x300] =	vst v5  }
0x3fb: {  	v5 =	vld [tilespmem:s20+$0xC30];
	v4 =	vadd.f32 v16, v63  }
0x3fc: {  	v22 =	vld [tilespmem:s31+$0x310];
	[tilespmem:s29+$0x300] =	vst v6  }
0x3fd: {  	v12 =	vadd.f32 v61, v62;
	v6 =	vld [tilespmem:s8+$0xC30];
	[tilespmem:s31+$0x300] =	vst v4  }
0x3fe: {  	v4 =	vld [tilespmem:s21+$0xC30]  }
0x3ff: {  	[tilespmem:s26+$0x310] =	vst v12;
	v19 =	vld [tilespmem:s26+$0x320]  }
0x400: {  	v20 =	vld [tilespmem:s3+$0x4C20];
	v5 =	vadd.f32 v5, v17  }
0x401: {  	v21 =	vld [tilespmem:s28+$0x320]  }
0x402: {  	v25 =	vld [tilespmem:s29+$0x320];
	v6 =	vadd.f32 v6, v18;
	[tilespmem:s28+$0x310] =	vst v5  }
0x403: {  	v23 =	vld [tilespmem:s19+$0x4C20];
	v4 =	vadd.f32 v4, v22  }
0x404: {  	v29 =	vld [tilespmem:s31+$0x320];
	[tilespmem:s29+$0x310] =	vst v6  }
0x405: {  	v24 =	vadd.f32 v20, v19;
	v26 =	vld [tilespmem:s7+$0x4C20];
	s22 =	spop (v2sf);
	[tilespmem:s31+$0x310] =	vst v4  }
0x406: {  	(v2sf) =	vpush v11, $0xF;
	v31 =	vld [tilespmem:s22+$0x4C20]  }
0x407: {  	v27 =	vld [tilespmem:s26+$0x330];
	[tilespmem:s26+$0x320] =	vst v24  }
0x408: {  	v28 =	vld [tilespmem:s3+$0x4C30];
	v5 =	vadd.f32 v23, v21  }
0x409: {  	v34 =	vld [tilespmem:s29+$0x330]  }
0x40a: {  	v33 =	vld [tilespmem:s28+$0x330];
	v30 =	vadd.f32 v26, v25;
	[tilespmem:s28+$0x320] =	vst v5  }
0x40b: {  	v32 =	vld [tilespmem:s19+$0x4C30];
	v4 =	vadd.f32 v31, v29  }
0x40c: {  	v37 =	vld [tilespmem:s31+$0x330];
	[tilespmem:s29+$0x320] =	vst v30  }
0x40d: {  	v5 =	vld [tilespmem:s7+$0x4C30];
	[tilespmem:s31+$0x320] =	vst v4  }
0x40e: {  	v6 =	vadd.f32 v28, v27;
	v4 =	vld [tilespmem:s22+$0x4C30]  }
0x40f: {  	v35 =	vld [tilespmem:s26+$0x380]  }
0x410: {  	v38 =	vld [tilespmem:s28+$0x380];
	[tilespmem:s26+$0x330] =	vst v6;
	v10 =	vadd.f32 v32, v33  }
0x411: {  	v36 =	vld [tilespmem:s0+$0xC20]  }
0x412: {  	v41 =	vld [tilespmem:s29+$0x380];
	v5 =	vadd.f32 v5, v34;
	[tilespmem:s28+$0x330] =	vst v10  }
0x413: {  	v39 =	vld [tilespmem:s18+$0xC20];
	v4 =	vadd.f32 v4, v37  }
0x414: {  	v44 =	vld [tilespmem:s31+$0x380];
	[tilespmem:s29+$0x330] =	vst v5  }
0x415: {  	v42 =	vld [tilespmem:s6+$0xC20];
	s23 =	spop (v2sf);
	[tilespmem:s31+$0x330] =	vst v4  }
0x416: {  	v40 =	vadd.f32 v36, v35;
	(v2sf) =	vpush v7, $0xF;
	v45 =	vld [tilespmem:s23+$0xC20]  }
0x417: {  	v46 =	vld [tilespmem:s26+$0x390]  }
0x418: {  	v49 =	vld [tilespmem:s29+$0x390];
	[tilespmem:s26+$0x380] =	vst v40;
	v43 =	vadd.f32 v39, v38  }
0x419: {  	v5 =	vld [tilespmem:s0+$0xC30]  }
0x41a: {  	v48 =	vld [tilespmem:s28+$0x390];
	v6 =	vadd.f32 v42, v41;
	[tilespmem:s28+$0x380] =	vst v43  }
0x41b: {  	v47 =	vld [tilespmem:s18+$0xC30];
	v4 =	vadd.f32 v45, v44  }
0x41c: {  	v51 =	vld [tilespmem:s31+$0x390];
	[tilespmem:s29+$0x380] =	vst v6  }
0x41d: {  	v50 =	vld [tilespmem:s6+$0xC30];
	[tilespmem:s31+$0x380] =	vst v4  }
0x41e: {  	v5 =	vadd.f32 v5, v46;
	v53 =	vld [tilespmem:s23+$0xC30];
	_ =	sdelay $0x1  }
0x41f: {  	v2 =	vld [tilespmem:s28+$0x3A0];
	[tilespmem:s26+$0x390] =	vst v5;
	v52 =	vadd.f32 v47, v48  }
0x420: {  	v54 =	vld [tilespmem:s30+$0x4C20]  }
0x421: {  	v3 =	vld [tilespmem:s29+$0x3A0];
	v55 =	vadd.f32 v50, v49;
	[tilespmem:s28+$0x390] =	vst v52  }
0x422: {  	v56 =	vld [tilespmem:s16+$0x4C20];
	v4 =	vadd.f32 v53, v51  }
0x423: {  	v58 =	vld [tilespmem:s31+$0x3A0];
	[tilespmem:s29+$0x390] =	vst v55  }
0x424: {  	s24 =	spop (v2sf);
	v5 =	vld [tilespmem:s5+$0x4C20];
	[tilespmem:s31+$0x390] =	vst v4  }
0x425: {  	v57 =	vadd.f32 v54, v8;
	v4 =	vld [tilespmem:s24+$0x4C20]  }
0x426: {  	v62 =	vld [tilespmem:s31+$0x3B0]  }
0x427: {  	v59 =	vld [tilespmem:s26+$0x3B0];
	[tilespmem:s26+$0x3A0] =	vst v57;
	v2 =	vadd.f32 v56, v2  }
0x428: {  	v7 =	vld [tilespmem:s30+$0x4C30]  }
0x429: {  	[tilespmem:s28+$0x3A0] =	vst v2;
	v2 =	vadd.f32 v5, v3;
	v3 =	vld [tilespmem:s28+$0x3B0]  }
0x42a: {  	v60 =	vld [tilespmem:s16+$0x4C30];
	v4 =	vadd.f32 v4, v58  }
0x42b: {  	[tilespmem:s29+$0x3A0] =	vst v2;
	v2 =	vld [tilespmem:s29+$0x3B0]  }
0x42c: {  	v61 =	vld [tilespmem:s5+$0x4C30];
	[tilespmem:s31+$0x3A0] =	vst v4  }
0x42d: {  	v63 =	vld [tilespmem:s24+$0x4C30];
	_ =	sdelay $0x1  }
0x42e: {  	v6 =	vadd.f32 v7, v59  }
0x42f: {  	v3 =	vadd.f32 v60, v3  }
0x430: {  	[tilespmem:s26+$0x3B0] =	vst v6;
	v2 =	vadd.f32 v61, v2  }
0x431: {  	[tilespmem:s28+$0x3B0] =	vst v3;
	v3 =	vadd.f32 v63, v62  }
0x432: {  	[tilespmem:s29+$0x3B0] =	vst v2  }
0x433: {  	[tilespmem:s31+$0x3B0] =	vst v3  }
0x434: {  	s2 =	simm.s32 $0x8C20;
	s11 =	simm.s32 $0x0;
	s30 =	rddreg [dreg:$0xc]  }
0x435: {  	[hbm4b:s30+s11] =	stream.linear.scatter [tilespmem:s2], [sflag:$0x3], $0x10000, $0x38;
	[tilespmem:$0x18C20] =	vst v63  }
0x436: {  	_ =	swait.ge [sflag:s17], $0x10000  }
0x437: {  	s25 =	sadd.s32 $0x1, s25;
	s31 =	rddreg [dreg:$0xd]  }
0x438: {  	p0 =	sne.s32 s25, s31  }
.Ltmp2:
0x439: {  	_ = 	snop;
	(pc) =	sbr.rel @p0 .LBB2_1-.Ltmp2, $3  }
0x43a: {  	_ =	sdelay $0x1  }
0x43b: {  	[sflag:s17] =	ssyncset.done $0x0  }
0x43c: {  	[sflag:s17] =	ssyncadd.s32 $0xFFFF0000  }
0x43d: {  	_ =	sfence.sel $0x180000  }
0x43e: {  	[bflag:$0x0] =	sbarrier.arrive $0xFFFF  }
0x43f: {  	_ =	strace $0x90000047  }
0x440: {  	s0 =	stileid.u32;
	[bflag:$0x2] =	sbarrier.arrive $0xFFFF  }
0x441: {  	p0 =	sne.s32 s0, $0x0;
	s0 =	rddreg [dreg:$0x4]  }
0x442: {  	s0 =	sadd.s32 @!p0 $0x100000, s0  }
0x443: {  	[sflag:s0] =	ssyncadd.tile.s32 @!p0 $0x1;
	_ =	shalt  }
.Lfunc_end2:
_tile_overlayer_lowered:
.L_overlay_start_2:
0x444: {  	(tag) =	ssettag $0x2  }
0x445: {  	s0 =	rddreg [dreg:$0x0];
	s2 =	stileid.u32  }
0x446: {  	s1 =	rddreg [dreg:$0x1];
	p0 =	sne.s32 s2, $0x0  }
0x447: {  	s3 =	rddreg [dreg:$0x2];
	[bflag:$0x3] =	sbarrier.arrive $0xFFFF;
	s2 =	simm.s32 @!p0 $0x1C03  }
0x448: {  	[timem:s3], [sflag:s2] =	dma.local @!p0 [hbm:s0], s1  }
0x449: {  	s0 =	simm.s32 @!p0 $0x3  }
0x44a: {  	_ =	swait.ge @!p0 [sflag:s0], s1  }
0x44b: {  	s1 =	ssub.s32 @!p0 $0x0, s1;
	[sflag:s0] =	ssyncset.done @!p0 $0x0  }
0x44c: {  	[sflag:s0] =	ssyncadd.s32 @!p0 s1  }
0x44d: {  	[bflag:$0x3] =	sbarrier.arrive $0xFFFF  }
0x44e: {  	_ =	shalt  }

</sc_bundles>
